<compile_context>
chip_gen: v7x
topology: tpu7x:2x2x1
jax: 0.10.2.dev20260603
libtpu: 0.0.44.dev20260713+nightly
codegen_flags: <defaults>
</compile_context>

<pallas_src>
import functools

import jax
import jax.numpy as jnp
from jax import lax
from jax.experimental import pallas as pl
from jax.experimental.pallas import tpu as pltpu
from jax.experimental.pallas import tpu_sc as plsc

V = 1000000
TBLK = 32768
TGRID = (V + TBLK - 1) // TBLK
VP = TGRID * TBLK
H = 32
B = 16384
F = 26

NC, NS, L = 2, 16, 16
NW = NC * NS
TB = 128
TCW = B // TB // NW
BPW = TB * TCW
NTC = B // TB

FG = 13
HB = 64
UN = TCW * 2 * 2

QB = TBLK // 4


def _tc_table_relayout(tt):
    def body(x_ref, o_ref):
        t = x_ref[...]
        stacked = jnp.concatenate(
            [t[:, q * QB:(q + 1) * QB] for q in range(4)], axis=0
        )
        o_ref[...] = stacked.T

    return pl.pallas_call(
        body,
        grid=(TGRID,),
        in_specs=[pl.BlockSpec((H, TBLK), lambda i: (0, i))],
        out_specs=pl.BlockSpec((QB, 128), lambda i: (i, 0)),
        out_shape=jax.ShapeDtypeStruct((VP // 4, 128), jnp.float32),
    )(tt)


def _sc_embed(xt, table):
    mesh = plsc.VectorSubcoreMesh(core_axis_name="c", subcore_axis_name="s")

    @functools.partial(
        pl.kernel,
        out_type=jax.ShapeDtypeStruct((F * H // 8, NTC * 8, TB), jnp.float32),
        mesh=mesh,
        compiler_params=pltpu.CompilerParams(
            needs_layout_passes=False, use_tc_tiling_on_sc=False
        ),
        scratch_types=[
            pltpu.VMEM((F, BPW), jnp.int32),
            pltpu.VMEM((2, FG * HB, H), jnp.float32),
            pltpu.VMEM((FG * H // 8, 8, HB + 1), jnp.float32),
            pltpu.SemaphoreType.DMA,
            pltpu.SemaphoreType.DMA,
        ],
    )
    def body(x_hbm, table_hbm, out_hbm, idx_v, rows_v, out_v, sem_g, sem_o):
        cid = lax.axis_index("c")
        sid = lax.axis_index("s")
        wid = sid * NC + cid
        iota = lax.iota(jnp.int32, L)
        zeros = iota * 0
        hr = iota % 8
        fh8 = [
            [iota // 8 + (4 * j + (q * L) // 8) for q in range(2)]
            for j in range(FG)
        ]

        pltpu.sync_copy(x_hbm.at[:, pl.ds(wid * BPW, BPW)], idx_v)

        def fire(u, buf):
            boff = (u >> 2) * TB + (u & 1) * HB
            g = (u >> 1) & 1
            for j in range(FG):
                pltpu.async_copy(
                    table_hbm.at[idx_v.at[g * FG + j, pl.ds(boff, HB)]],
                    rows_v.at[buf, pl.ds(j * HB, HB)],
                    sem_g,
                )

        def drain_rows(buf):
            pltpu.make_async_copy(
                table_hbm.at[pl.ds(0, FG * HB)], rows_v.at[buf], sem_g
            ).wait()

        def drain_out():
            pltpu.make_async_copy(
                out_hbm.at[pl.ds(0, FG * H // 8), pl.ds(0, 8), pl.ds(0, HB)],
                out_v.at[:, :, pl.ds(0, HB)],
                sem_o,
            ).wait()

        fire(0, 0)

        def step(u, _):
            buf = u & 1

            @pl.when(u + 1 < UN)
            def _fire_next():
                fire(u + 1, 1 - buf)

            drain_rows(buf)

            @pl.when(u > 0)
            def _drain_prev_out():
                drain_out()

            def trans(b, _):
                bvec = zeros + b
                for j in range(FG):
                    r = j * HB + b
                    v0 = rows_v[buf, r, pl.ds(0, L)]
                    v1 = rows_v[buf, r, pl.ds(L, L)]
                    plsc.store_scatter(out_v, [fh8[j][0], hr, bvec], v0)
                    plsc.store_scatter(out_v, [fh8[j][1], hr, bvec], v1)
                return _

            lax.fori_loop(0, HB, trans, None, unroll=4)
            tc = wid * TCW + (u >> 2)
            g = (u >> 1) & 1
            bh = u & 1
            pltpu.async_copy(
                out_v.at[:, :, pl.ds(0, HB)],
                out_hbm.at[
                    pl.ds(g * FG * H // 8, FG * H // 8),
                    pl.ds(tc * 8, 8),
                    pl.ds(bh * HB, HB),
                ],
                sem_o,
            )
            return _

        lax.fori_loop(0, UN, step, None)
        drain_out()

    return body(xt, table)


def kernel(x, table):
    v = x.astype(jnp.int32)
    perm = (v & ~(TBLK - 1)) + ((v & (QB - 1)) << 2) + ((v // QB) & 3)
    xt = jnp.transpose(perm)
    tp = _tc_table_relayout(table.T).reshape(VP, H)
    out = _sc_embed(xt, tp)
    o5 = out.reshape(F, H // 8, NTC, 8, TB)
    return o5.transpose(2, 4, 1, 3, 0).reshape(B, H, F)

# --- scband reference (transcript-rebuilt; emitter-appended) ---
"""Pipeline reference for scband-beatmap-feature-embedder-38749194945063 (READ-ONLY COPY).

The authoritative reference and input builder live on the scoring server;
editing this copy changes nothing except your own understanding.
"""

import jax, jax.numpy as jnp
import numpy as np

NUM_EMBEDDINGS = 1000000
EMBED_DIM = 32
BATCH = 16384
NUM_FEATURES = 26


def setup_inputs(seed: int = 0) -> dict:
    key = jax.random.key(seed)
    k_idx, k_tab = jax.random.split(key)
    x = jax.random.randint(k_idx, (BATCH, NUM_FEATURES), 0, NUM_EMBEDDINGS, dtype=jnp.int64 if jax.config.jax_enable_x64 else jnp.int32)
    table = jax.random.normal(k_tab, (NUM_EMBEDDINGS, EMBED_DIM), dtype=jnp.float32)
    return {"x": x, "table": table}


def reference(x, table):
    # embedding lookup: [B, F] -> [B, F, H]
    emb = jnp.take(table, x, axis=0)
    # rearrange 'b f h -> b h f'
    out = jnp.transpose(emb, (0, 2, 1))
    return out

if __name__ == "__main__":
    import jax
    _d = setup_inputs()
    print(jax.jit(kernel)(*tuple(_d.values())))

</pallas_src>

<mosaic_0001>
#map = affine_map<(d0, d1) -> (0, 0)>
#map1 = affine_map<(d0, d1) -> (0, 0, 0)>
module attributes {stable_mosaic.version = 14 : i64} {
  func.func @body(%arg0: i32, %arg1: i32, %arg2: memref<26x16384xi32, #tpu.memory_space<hbm>>, %arg3: memref<1015808x32xf32, #tpu.memory_space<hbm>>, %arg4: memref<104x1024x128xf32, #tpu.memory_space<hbm>>, %arg5: memref<26x512xi32, #tpu.memory_space<vmem>>, %arg6: memref<2x832x32xf32, #tpu.memory_space<vmem>>, %arg7: memref<52x8x65xf32, #tpu.memory_space<vmem>>, %arg8: memref<!tpu.dma_semaphore, #tpu.memory_space<semaphore_mem>>, %arg9: memref<!tpu.dma_semaphore, #tpu.memory_space<semaphore_mem>>) attributes {dimension_semantics = [#tpu.dimension_semantics<core_parallel>, #tpu.dimension_semantics<subcore_parallel>], iteration_bounds = array<i64: 2, 16>, scalar_prefetch = 0 : i64, scratch_operands = 5 : i64, tpu.core_type = #tpu.core_type<sc_vector_subcore>, window_params = [{transform_indices = #map}, {transform_indices = #map}, {transform_indices = #map1}]} {
    %mul3A = arith.constant 2 : i32
    %mul3A_0 = arith.muli %arg1, %mul3A : i32
    %add3A = arith.addi %mul3A_0, %arg0 : i32
    %iota3A = tpu.iota {dimensions = array<i32: 0>} : vector<16xi32>
    %mul3A_1 = arith.constant 0 : i32
    %mul3A_2 = vector.broadcast %mul3A_1 : i32 to vector<16xi32>
    %mul3A_3 = arith.muli %iota3A, %mul3A_2 : vector<16xi32>
    %jit3A = arith.constant 8 : i32
    %eq3A = arith.constant 0 : i32
    %eq3A_4 = arith.cmpi eq, %jit3A, %eq3A : i32
    %jit3A_5 = arith.constant 1 : i32
    %select_n3A = arith.select %eq3A_4, %jit3A_5, %jit3A : i32
    %rem3A = vector.broadcast %select_n3A : i32 to vector<16xi32>
    %rem3A_6 = arith.remsi %iota3A, %rem3A : vector<16xi32>
    %ne3A = arith.constant 0 : i32
    %ne3A_7 = vector.broadcast %ne3A : i32 to vector<16xi32>
    %ne3A_8 = arith.cmpi ne, %rem3A_6, %ne3A_7 : vector<16xi32>
    %lt3A = arith.constant 0 : i32
    %lt3A_9 = vector.broadcast %lt3A : i32 to vector<16xi32>
    %lt3A_10 = arith.cmpi slt, %rem3A_6, %lt3A_9 : vector<16xi32>
    %lt3A_11 = arith.constant 0 : i32
    %lt3A_12 = arith.cmpi slt, %select_n3A, %lt3A_11 : i32
    %ne3A_13 = vector.broadcast %lt3A_12 : i1 to vector<16xi1>
    %ne3A_14 = vector.broadcast %ne3A_13 : vector<16xi1> to vector<16xi1>
    %ne3A_15 = arith.xori %lt3A_10, %ne3A_14 : vector<16xi1>
    %and3A = arith.andi %ne3A_15, %ne3A_8 : vector<16xi1>
    %add3A_16 = vector.broadcast %select_n3A : i32 to vector<16xi32>
    %add3A_17 = arith.addi %rem3A_6, %add3A_16 : vector<16xi32>
    %select_n3A_18 = arith.select %and3A, %add3A_17, %rem3A_6 : vector<16xi1>, vector<16xi32>
    %jit3A_19 = arith.constant 8 : i32
    %div3A = vector.broadcast %jit3A_19 : i32 to vector<16xi32>
    %div3A_20 = arith.divsi %iota3A, %div3A : vector<16xi32>
    %sign3A = arith.constant 0 : i32
    %sign3A_21 = vector.broadcast %sign3A : i32 to vector<16xi32>
    %sign3A_22 = arith.cmpi sgt, %iota3A, %sign3A_21 : vector<16xi32>
    %sign3A_23 = arith.extui %sign3A_22 : vector<16xi1> to vector<16xi32>
    %sign3A_24 = arith.constant 0 : i32
    %sign3A_25 = vector.broadcast %sign3A_24 : i32 to vector<16xi32>
    %sign3A_26 = arith.cmpi slt, %iota3A, %sign3A_25 : vector<16xi32>
    %sign3A_27 = arith.extui %sign3A_26 : vector<16xi1> to vector<16xi32>
    %sign3A_28 = arith.subi %sign3A_23, %sign3A_27 : vector<16xi32>
    %sign3A_29 = arith.constant 0 : i32
    %sign3A_30 = arith.cmpi sgt, %jit3A_19, %sign3A_29 : i32
    %sign3A_31 = arith.extui %sign3A_30 : i1 to i32
    %sign3A_32 = arith.constant 0 : i32
    %sign3A_33 = arith.cmpi slt, %jit3A_19, %sign3A_32 : i32
    %sign3A_34 = arith.extui %sign3A_33 : i1 to i32
    %sign3A_35 = arith.subi %sign3A_31, %sign3A_34 : i32
    %ne3A_36 = vector.broadcast %sign3A_35 : i32 to vector<16xi32>
    %ne3A_37 = arith.cmpi ne, %sign3A_28, %ne3A_36 : vector<16xi32>
    %rem3A_38 = vector.broadcast %jit3A_19 : i32 to vector<16xi32>
    %rem3A_39 = arith.remsi %iota3A, %rem3A_38 : vector<16xi32>
    %ne3A_40 = arith.constant 0 : i32
    %ne3A_41 = vector.broadcast %ne3A_40 : i32 to vector<16xi32>
    %ne3A_42 = arith.cmpi ne, %rem3A_39, %ne3A_41 : vector<16xi32>
    %and3A_43 = arith.andi %ne3A_37, %ne3A_42 : vector<16xi1>
    %sub3A = arith.constant 1 : i32
    %sub3A_44 = vector.broadcast %sub3A : i32 to vector<16xi32>
    %sub3A_45 = arith.subi %div3A_20, %sub3A_44 : vector<16xi32>
    %select_n3A_46 = arith.select %and3A_43, %sub3A_45, %div3A_20 : vector<16xi1>, vector<16xi32>
    %add3A_47 = arith.constant 0 : i32
    %add3A_48 = vector.broadcast %add3A_47 : i32 to vector<16xi32>
    %add3A_49 = arith.addi %select_n3A_46, %add3A_48 : vector<16xi32>
    %jit3A_50 = arith.constant 8 : i32
    %div3A_51 = vector.broadcast %jit3A_50 : i32 to vector<16xi32>
    %div3A_52 = arith.divsi %iota3A, %div3A_51 : vector<16xi32>
    %sign3A_53 = arith.constant 0 : i32
    %sign3A_54 = vector.broadcast %sign3A_53 : i32 to vector<16xi32>
    %sign3A_55 = arith.cmpi sgt, %iota3A, %sign3A_54 : vector<16xi32>
    %sign3A_56 = arith.extui %sign3A_55 : vector<16xi1> to vector<16xi32>
    %sign3A_57 = arith.constant 0 : i32
    %sign3A_58 = vector.broadcast %sign3A_57 : i32 to vector<16xi32>
    %sign3A_59 = arith.cmpi slt, %iota3A, %sign3A_58 : vector<16xi32>
    %sign3A_60 = arith.extui %sign3A_59 : vector<16xi1> to vector<16xi32>
    %sign3A_61 = arith.subi %sign3A_56, %sign3A_60 : vector<16xi32>
    %sign3A_62 = arith.constant 0 : i32
    %sign3A_63 = arith.cmpi sgt, %jit3A_50, %sign3A_62 : i32
    %sign3A_64 = arith.extui %sign3A_63 : i1 to i32
    %sign3A_65 = arith.constant 0 : i32
    %sign3A_66 = arith.cmpi slt, %jit3A_50, %sign3A_65 : i32
    %sign3A_67 = arith.extui %sign3A_66 : i1 to i32
    %sign3A_68 = arith.subi %sign3A_64, %sign3A_67 : i32
    %ne3A_69 = vector.broadcast %sign3A_68 : i32 to vector<16xi32>
    %ne3A_70 = arith.cmpi ne, %sign3A_61, %ne3A_69 : vector<16xi32>
    %rem3A_71 = vector.broadcast %jit3A_50 : i32 to vector<16xi32>
    %rem3A_72 = arith.remsi %iota3A, %rem3A_71 : vector<16xi32>
    %ne3A_73 = arith.constant 0 : i32
    %ne3A_74 = vector.broadcast %ne3A_73 : i32 to vector<16xi32>
    %ne3A_75 = arith.cmpi ne, %rem3A_72, %ne3A_74 : vector<16xi32>
    %and3A_76 = arith.andi %ne3A_70, %ne3A_75 : vector<16xi1>
    %sub3A_77 = arith.constant 1 : i32
    %sub3A_78 = vector.broadcast %sub3A_77 : i32 to vector<16xi32>
    %sub3A_79 = arith.subi %div3A_52, %sub3A_78 : vector<16xi32>
    %select_n3A_80 = arith.select %and3A_76, %sub3A_79, %div3A_52 : vector<16xi1>, vector<16xi32>
    %add3A_81 = arith.constant 2 : i32
    %add3A_82 = vector.broadcast %add3A_81 : i32 to vector<16xi32>
    %add3A_83 = arith.addi %select_n3A_80, %add3A_82 : vector<16xi32>
    %jit3A_84 = arith.constant 8 : i32
    %div3A_85 = vector.broadcast %jit3A_84 : i32 to vector<16xi32>
    %div3A_86 = arith.divsi %iota3A, %div3A_85 : vector<16xi32>
    %sign3A_87 = arith.constant 0 : i32
    %sign3A_88 = vector.broadcast %sign3A_87 : i32 to vector<16xi32>
    %sign3A_89 = arith.cmpi sgt, %iota3A, %sign3A_88 : vector<16xi32>
    %sign3A_90 = arith.extui %sign3A_89 : vector<16xi1> to vector<16xi32>
    %sign3A_91 = arith.constant 0 : i32
    %sign3A_92 = vector.broadcast %sign3A_91 : i32 to vector<16xi32>
    %sign3A_93 = arith.cmpi slt, %iota3A, %sign3A_92 : vector<16xi32>
    %sign3A_94 = arith.extui %sign3A_93 : vector<16xi1> to vector<16xi32>
    %sign3A_95 = arith.subi %sign3A_90, %sign3A_94 : vector<16xi32>
    %sign3A_96 = arith.constant 0 : i32
    %sign3A_97 = arith.cmpi sgt, %jit3A_84, %sign3A_96 : i32
    %sign3A_98 = arith.extui %sign3A_97 : i1 to i32
    %sign3A_99 = arith.constant 0 : i32
    %sign3A_100 = arith.cmpi slt, %jit3A_84, %sign3A_99 : i32
    %sign3A_101 = arith.extui %sign3A_100 : i1 to i32
    %sign3A_102 = arith.subi %sign3A_98, %sign3A_101 : i32
    %ne3A_103 = vector.broadcast %sign3A_102 : i32 to vector<16xi32>
    %ne3A_104 = arith.cmpi ne, %sign3A_95, %ne3A_103 : vector<16xi32>
    %rem3A_105 = vector.broadcast %jit3A_84 : i32 to vector<16xi32>
    %rem3A_106 = arith.remsi %iota3A, %rem3A_105 : vector<16xi32>
    %ne3A_107 = arith.constant 0 : i32
    %ne3A_108 = vector.broadcast %ne3A_107 : i32 to vector<16xi32>
    %ne3A_109 = arith.cmpi ne, %rem3A_106, %ne3A_108 : vector<16xi32>
    %and3A_110 = arith.andi %ne3A_104, %ne3A_109 : vector<16xi1>
    %sub3A_111 = arith.constant 1 : i32
    %sub3A_112 = vector.broadcast %sub3A_111 : i32 to vector<16xi32>
    %sub3A_113 = arith.subi %div3A_86, %sub3A_112 : vector<16xi32>
    %select_n3A_114 = arith.select %and3A_110, %sub3A_113, %div3A_86 : vector<16xi1>, vector<16xi32>
    %add3A_115 = arith.constant 4 : i32
    %add3A_116 = vector.broadcast %add3A_115 : i32 to vector<16xi32>
    %add3A_117 = arith.addi %select_n3A_114, %add3A_116 : vector<16xi32>
    %jit3A_118 = arith.constant 8 : i32
    %div3A_119 = vector.broadcast %jit3A_118 : i32 to vector<16xi32>
    %div3A_120 = arith.divsi %iota3A, %div3A_119 : vector<16xi32>
    %sign3A_121 = arith.constant 0 : i32
    %sign3A_122 = vector.broadcast %sign3A_121 : i32 to vector<16xi32>
    %sign3A_123 = arith.cmpi sgt, %iota3A, %sign3A_122 : vector<16xi32>
    %sign3A_124 = arith.extui %sign3A_123 : vector<16xi1> to vector<16xi32>
    %sign3A_125 = arith.constant 0 : i32
    %sign3A_126 = vector.broadcast %sign3A_125 : i32 to vector<16xi32>
    %sign3A_127 = arith.cmpi slt, %iota3A, %sign3A_126 : vector<16xi32>
    %sign3A_128 = arith.extui %sign3A_127 : vector<16xi1> to vector<16xi32>
    %sign3A_129 = arith.subi %sign3A_124, %sign3A_128 : vector<16xi32>
    %sign3A_130 = arith.constant 0 : i32
    %sign3A_131 = arith.cmpi sgt, %jit3A_118, %sign3A_130 : i32
    %sign3A_132 = arith.extui %sign3A_131 : i1 to i32
    %sign3A_133 = arith.constant 0 : i32
    %sign3A_134 = arith.cmpi slt, %jit3A_118, %sign3A_133 : i32
    %sign3A_135 = arith.extui %sign3A_134 : i1 to i32
    %sign3A_136 = arith.subi %sign3A_132, %sign3A_135 : i32
    %ne3A_137 = vector.broadcast %sign3A_136 : i32 to vector<16xi32>
    %ne3A_138 = arith.cmpi ne, %sign3A_129, %ne3A_137 : vector<16xi32>
    %rem3A_139 = vector.broadcast %jit3A_118 : i32 to vector<16xi32>
    %rem3A_140 = arith.remsi %iota3A, %rem3A_139 : vector<16xi32>
    %ne3A_141 = arith.constant 0 : i32
    %ne3A_142 = vector.broadcast %ne3A_141 : i32 to vector<16xi32>
    %ne3A_143 = arith.cmpi ne, %rem3A_140, %ne3A_142 : vector<16xi32>
    %and3A_144 = arith.andi %ne3A_138, %ne3A_143 : vector<16xi1>
    %sub3A_145 = arith.constant 1 : i32
    %sub3A_146 = vector.broadcast %sub3A_145 : i32 to vector<16xi32>
    %sub3A_147 = arith.subi %div3A_120, %sub3A_146 : vector<16xi32>
    %select_n3A_148 = arith.select %and3A_144, %sub3A_147, %div3A_120 : vector<16xi1>, vector<16xi32>
    %add3A_149 = arith.constant 6 : i32
    %add3A_150 = vector.broadcast %add3A_149 : i32 to vector<16xi32>
    %add3A_151 = arith.addi %select_n3A_148, %add3A_150 : vector<16xi32>
    %jit3A_152 = arith.constant 8 : i32
    %div3A_153 = vector.broadcast %jit3A_152 : i32 to vector<16xi32>
    %div3A_154 = arith.divsi %iota3A, %div3A_153 : vector<16xi32>
    %sign3A_155 = arith.constant 0 : i32
    %sign3A_156 = vector.broadcast %sign3A_155 : i32 to vector<16xi32>
    %sign3A_157 = arith.cmpi sgt, %iota3A, %sign3A_156 : vector<16xi32>
    %sign3A_158 = arith.extui %sign3A_157 : vector<16xi1> to vector<16xi32>
    %sign3A_159 = arith.constant 0 : i32
    %sign3A_160 = vector.broadcast %sign3A_159 : i32 to vector<16xi32>
    %sign3A_161 = arith.cmpi slt, %iota3A, %sign3A_160 : vector<16xi32>
    %sign3A_162 = arith.extui %sign3A_161 : vector<16xi1> to vector<16xi32>
    %sign3A_163 = arith.subi %sign3A_158, %sign3A_162 : vector<16xi32>
    %sign3A_164 = arith.constant 0 : i32
    %sign3A_165 = arith.cmpi sgt, %jit3A_152, %sign3A_164 : i32
    %sign3A_166 = arith.extui %sign3A_165 : i1 to i32
    %sign3A_167 = arith.constant 0 : i32
    %sign3A_168 = arith.cmpi slt, %jit3A_152, %sign3A_167 : i32
    %sign3A_169 = arith.extui %sign3A_168 : i1 to i32
    %sign3A_170 = arith.subi %sign3A_166, %sign3A_169 : i32
    %ne3A_171 = vector.broadcast %sign3A_170 : i32 to vector<16xi32>
    %ne3A_172 = arith.cmpi ne, %sign3A_163, %ne3A_171 : vector<16xi32>
    %rem3A_173 = vector.broadcast %jit3A_152 : i32 to vector<16xi32>
    %rem3A_174 = arith.remsi %iota3A, %rem3A_173 : vector<16xi32>
    %ne3A_175 = arith.constant 0 : i32
    %ne3A_176 = vector.broadcast %ne3A_175 : i32 to vector<16xi32>
    %ne3A_177 = arith.cmpi ne, %rem3A_174, %ne3A_176 : vector<16xi32>
    %and3A_178 = arith.andi %ne3A_172, %ne3A_177 : vector<16xi1>
    %sub3A_179 = arith.constant 1 : i32
    %sub3A_180 = vector.broadcast %sub3A_179 : i32 to vector<16xi32>
    %sub3A_181 = arith.subi %div3A_154, %sub3A_180 : vector<16xi32>
    %select_n3A_182 = arith.select %and3A_178, %sub3A_181, %div3A_154 : vector<16xi1>, vector<16xi32>
    %add3A_183 = arith.constant 8 : i32
    %add3A_184 = vector.broadcast %add3A_183 : i32 to vector<16xi32>
    %add3A_185 = arith.addi %select_n3A_182, %add3A_184 : vector<16xi32>
    %jit3A_186 = arith.constant 8 : i32
    %div3A_187 = vector.broadcast %jit3A_186 : i32 to vector<16xi32>
    %div3A_188 = arith.divsi %iota3A, %div3A_187 : vector<16xi32>
    %sign3A_189 = arith.constant 0 : i32
    %sign3A_190 = vector.broadcast %sign3A_189 : i32 to vector<16xi32>
    %sign3A_191 = arith.cmpi sgt, %iota3A, %sign3A_190 : vector<16xi32>
    %sign3A_192 = arith.extui %sign3A_191 : vector<16xi1> to vector<16xi32>
    %sign3A_193 = arith.constant 0 : i32
    %sign3A_194 = vector.broadcast %sign3A_193 : i32 to vector<16xi32>
    %sign3A_195 = arith.cmpi slt, %iota3A, %sign3A_194 : vector<16xi32>
    %sign3A_196 = arith.extui %sign3A_195 : vector<16xi1> to vector<16xi32>
    %sign3A_197 = arith.subi %sign3A_192, %sign3A_196 : vector<16xi32>
    %sign3A_198 = arith.constant 0 : i32
    %sign3A_199 = arith.cmpi sgt, %jit3A_186, %sign3A_198 : i32
    %sign3A_200 = arith.extui %sign3A_199 : i1 to i32
    %sign3A_201 = arith.constant 0 : i32
    %sign3A_202 = arith.cmpi slt, %jit3A_186, %sign3A_201 : i32
    %sign3A_203 = arith.extui %sign3A_202 : i1 to i32
    %sign3A_204 = arith.subi %sign3A_200, %sign3A_203 : i32
    %ne3A_205 = vector.broadcast %sign3A_204 : i32 to vector<16xi32>
    %ne3A_206 = arith.cmpi ne, %sign3A_197, %ne3A_205 : vector<16xi32>
    %rem3A_207 = vector.broadcast %jit3A_186 : i32 to vector<16xi32>
    %rem3A_208 = arith.remsi %iota3A, %rem3A_207 : vector<16xi32>
    %ne3A_209 = arith.constant 0 : i32
    %ne3A_210 = vector.broadcast %ne3A_209 : i32 to vector<16xi32>
    %ne3A_211 = arith.cmpi ne, %rem3A_208, %ne3A_210 : vector<16xi32>
    %and3A_212 = arith.andi %ne3A_206, %ne3A_211 : vector<16xi1>
    %sub3A_213 = arith.constant 1 : i32
    %sub3A_214 = vector.broadcast %sub3A_213 : i32 to vector<16xi32>
    %sub3A_215 = arith.subi %div3A_188, %sub3A_214 : vector<16xi32>
    %select_n3A_216 = arith.select %and3A_212, %sub3A_215, %div3A_188 : vector<16xi1>, vector<16xi32>
    %add3A_217 = arith.constant 10 : i32
    %add3A_218 = vector.broadcast %add3A_217 : i32 to vector<16xi32>
    %add3A_219 = arith.addi %select_n3A_216, %add3A_218 : vector<16xi32>
    %jit3A_220 = arith.constant 8 : i32
    %div3A_221 = vector.broadcast %jit3A_220 : i32 to vector<16xi32>
    %div3A_222 = arith.divsi %iota3A, %div3A_221 : vector<16xi32>
    %sign3A_223 = arith.constant 0 : i32
    %sign3A_224 = vector.broadcast %sign3A_223 : i32 to vector<16xi32>
    %sign3A_225 = arith.cmpi sgt, %iota3A, %sign3A_224 : vector<16xi32>
    %sign3A_226 = arith.extui %sign3A_225 : vector<16xi1> to vector<16xi32>
    %sign3A_227 = arith.constant 0 : i32
    %sign3A_228 = vector.broadcast %sign3A_227 : i32 to vector<16xi32>
    %sign3A_229 = arith.cmpi slt, %iota3A, %sign3A_228 : vector<16xi32>
    %sign3A_230 = arith.extui %sign3A_229 : vector<16xi1> to vector<16xi32>
    %sign3A_231 = arith.subi %sign3A_226, %sign3A_230 : vector<16xi32>
    %sign3A_232 = arith.constant 0 : i32
    %sign3A_233 = arith.cmpi sgt, %jit3A_220, %sign3A_232 : i32
    %sign3A_234 = arith.extui %sign3A_233 : i1 to i32
    %sign3A_235 = arith.constant 0 : i32
    %sign3A_236 = arith.cmpi slt, %jit3A_220, %sign3A_235 : i32
    %sign3A_237 = arith.extui %sign3A_236 : i1 to i32
    %sign3A_238 = arith.subi %sign3A_234, %sign3A_237 : i32
    %ne3A_239 = vector.broadcast %sign3A_238 : i32 to vector<16xi32>
    %ne3A_240 = arith.cmpi ne, %sign3A_231, %ne3A_239 : vector<16xi32>
    %rem3A_241 = vector.broadcast %jit3A_220 : i32 to vector<16xi32>
    %rem3A_242 = arith.remsi %iota3A, %rem3A_241 : vector<16xi32>
    %ne3A_243 = arith.constant 0 : i32
    %ne3A_244 = vector.broadcast %ne3A_243 : i32 to vector<16xi32>
    %ne3A_245 = arith.cmpi ne, %rem3A_242, %ne3A_244 : vector<16xi32>
    %and3A_246 = arith.andi %ne3A_240, %ne3A_245 : vector<16xi1>
    %sub3A_247 = arith.constant 1 : i32
    %sub3A_248 = vector.broadcast %sub3A_247 : i32 to vector<16xi32>
    %sub3A_249 = arith.subi %div3A_222, %sub3A_248 : vector<16xi32>
    %select_n3A_250 = arith.select %and3A_246, %sub3A_249, %div3A_222 : vector<16xi1>, vector<16xi32>
    %add3A_251 = arith.constant 12 : i32
    %add3A_252 = vector.broadcast %add3A_251 : i32 to vector<16xi32>
    %add3A_253 = arith.addi %select_n3A_250, %add3A_252 : vector<16xi32>
    %jit3A_254 = arith.constant 8 : i32
    %div3A_255 = vector.broadcast %jit3A_254 : i32 to vector<16xi32>
    %div3A_256 = arith.divsi %iota3A, %div3A_255 : vector<16xi32>
    %sign3A_257 = arith.constant 0 : i32
    %sign3A_258 = vector.broadcast %sign3A_257 : i32 to vector<16xi32>
    %sign3A_259 = arith.cmpi sgt, %iota3A, %sign3A_258 : vector<16xi32>
    %sign3A_260 = arith.extui %sign3A_259 : vector<16xi1> to vector<16xi32>
    %sign3A_261 = arith.constant 0 : i32
    %sign3A_262 = vector.broadcast %sign3A_261 : i32 to vector<16xi32>
    %sign3A_263 = arith.cmpi slt, %iota3A, %sign3A_262 : vector<16xi32>
    %sign3A_264 = arith.extui %sign3A_263 : vector<16xi1> to vector<16xi32>
    %sign3A_265 = arith.subi %sign3A_260, %sign3A_264 : vector<16xi32>
    %sign3A_266 = arith.constant 0 : i32
    %sign3A_267 = arith.cmpi sgt, %jit3A_254, %sign3A_266 : i32
    %sign3A_268 = arith.extui %sign3A_267 : i1 to i32
    %sign3A_269 = arith.constant 0 : i32
    %sign3A_270 = arith.cmpi slt, %jit3A_254, %sign3A_269 : i32
    %sign3A_271 = arith.extui %sign3A_270 : i1 to i32
    %sign3A_272 = arith.subi %sign3A_268, %sign3A_271 : i32
    %ne3A_273 = vector.broadcast %sign3A_272 : i32 to vector<16xi32>
    %ne3A_274 = arith.cmpi ne, %sign3A_265, %ne3A_273 : vector<16xi32>
    %rem3A_275 = vector.broadcast %jit3A_254 : i32 to vector<16xi32>
    %rem3A_276 = arith.remsi %iota3A, %rem3A_275 : vector<16xi32>
    %ne3A_277 = arith.constant 0 : i32
    %ne3A_278 = vector.broadcast %ne3A_277 : i32 to vector<16xi32>
    %ne3A_279 = arith.cmpi ne, %rem3A_276, %ne3A_278 : vector<16xi32>
    %and3A_280 = arith.andi %ne3A_274, %ne3A_279 : vector<16xi1>
    %sub3A_281 = arith.constant 1 : i32
    %sub3A_282 = vector.broadcast %sub3A_281 : i32 to vector<16xi32>
    %sub3A_283 = arith.subi %div3A_256, %sub3A_282 : vector<16xi32>
    %select_n3A_284 = arith.select %and3A_280, %sub3A_283, %div3A_256 : vector<16xi1>, vector<16xi32>
    %add3A_285 = arith.constant 14 : i32
    %add3A_286 = vector.broadcast %add3A_285 : i32 to vector<16xi32>
    %add3A_287 = arith.addi %select_n3A_284, %add3A_286 : vector<16xi32>
    %jit3A_288 = arith.constant 8 : i32
    %div3A_289 = vector.broadcast %jit3A_288 : i32 to vector<16xi32>
    %div3A_290 = arith.divsi %iota3A, %div3A_289 : vector<16xi32>
    %sign3A_291 = arith.constant 0 : i32
    %sign3A_292 = vector.broadcast %sign3A_291 : i32 to vector<16xi32>
    %sign3A_293 = arith.cmpi sgt, %iota3A, %sign3A_292 : vector<16xi32>
    %sign3A_294 = arith.extui %sign3A_293 : vector<16xi1> to vector<16xi32>
    %sign3A_295 = arith.constant 0 : i32
    %sign3A_296 = vector.broadcast %sign3A_295 : i32 to vector<16xi32>
    %sign3A_297 = arith.cmpi slt, %iota3A, %sign3A_296 : vector<16xi32>
    %sign3A_298 = arith.extui %sign3A_297 : vector<16xi1> to vector<16xi32>
    %sign3A_299 = arith.subi %sign3A_294, %sign3A_298 : vector<16xi32>
    %sign3A_300 = arith.constant 0 : i32
    %sign3A_301 = arith.cmpi sgt, %jit3A_288, %sign3A_300 : i32
    %sign3A_302 = arith.extui %sign3A_301 : i1 to i32
    %sign3A_303 = arith.constant 0 : i32
    %sign3A_304 = arith.cmpi slt, %jit3A_288, %sign3A_303 : i32
    %sign3A_305 = arith.extui %sign3A_304 : i1 to i32
    %sign3A_306 = arith.subi %sign3A_302, %sign3A_305 : i32
    %ne3A_307 = vector.broadcast %sign3A_306 : i32 to vector<16xi32>
    %ne3A_308 = arith.cmpi ne, %sign3A_299, %ne3A_307 : vector<16xi32>
    %rem3A_309 = vector.broadcast %jit3A_288 : i32 to vector<16xi32>
    %rem3A_310 = arith.remsi %iota3A, %rem3A_309 : vector<16xi32>
    %ne3A_311 = arith.constant 0 : i32
    %ne3A_312 = vector.broadcast %ne3A_311 : i32 to vector<16xi32>
    %ne3A_313 = arith.cmpi ne, %rem3A_310, %ne3A_312 : vector<16xi32>
    %and3A_314 = arith.andi %ne3A_308, %ne3A_313 : vector<16xi1>
    %sub3A_315 = arith.constant 1 : i32
    %sub3A_316 = vector.broadcast %sub3A_315 : i32 to vector<16xi32>
    %sub3A_317 = arith.subi %div3A_290, %sub3A_316 : vector<16xi32>
    %select_n3A_318 = arith.select %and3A_314, %sub3A_317, %div3A_290 : vector<16xi1>, vector<16xi32>
    %add3A_319 = arith.constant 16 : i32
    %add3A_320 = vector.broadcast %add3A_319 : i32 to vector<16xi32>
    %add3A_321 = arith.addi %select_n3A_318, %add3A_320 : vector<16xi32>
    %jit3A_322 = arith.constant 8 : i32
    %div3A_323 = vector.broadcast %jit3A_322 : i32 to vector<16xi32>
    %div3A_324 = arith.divsi %iota3A, %div3A_323 : vector<16xi32>
    %sign3A_325 = arith.constant 0 : i32
    %sign3A_326 = vector.broadcast %sign3A_325 : i32 to vector<16xi32>
    %sign3A_327 = arith.cmpi sgt, %iota3A, %sign3A_326 : vector<16xi32>
    %sign3A_328 = arith.extui %sign3A_327 : vector<16xi1> to vector<16xi32>
    %sign3A_329 = arith.constant 0 : i32
    %sign3A_330 = vector.broadcast %sign3A_329 : i32 to vector<16xi32>
    %sign3A_331 = arith.cmpi slt, %iota3A, %sign3A_330 : vector<16xi32>
    %sign3A_332 = arith.extui %sign3A_331 : vector<16xi1> to vector<16xi32>
    %sign3A_333 = arith.subi %sign3A_328, %sign3A_332 : vector<16xi32>
    %sign3A_334 = arith.constant 0 : i32
    %sign3A_335 = arith.cmpi sgt, %jit3A_322, %sign3A_334 : i32
    %sign3A_336 = arith.extui %sign3A_335 : i1 to i32
    %sign3A_337 = arith.constant 0 : i32
    %sign3A_338 = arith.cmpi slt, %jit3A_322, %sign3A_337 : i32
    %sign3A_339 = arith.extui %sign3A_338 : i1 to i32
    %sign3A_340 = arith.subi %sign3A_336, %sign3A_339 : i32
    %ne3A_341 = vector.broadcast %sign3A_340 : i32 to vector<16xi32>
    %ne3A_342 = arith.cmpi ne, %sign3A_333, %ne3A_341 : vector<16xi32>
    %rem3A_343 = vector.broadcast %jit3A_322 : i32 to vector<16xi32>
    %rem3A_344 = arith.remsi %iota3A, %rem3A_343 : vector<16xi32>
    %ne3A_345 = arith.constant 0 : i32
    %ne3A_346 = vector.broadcast %ne3A_345 : i32 to vector<16xi32>
    %ne3A_347 = arith.cmpi ne, %rem3A_344, %ne3A_346 : vector<16xi32>
    %and3A_348 = arith.andi %ne3A_342, %ne3A_347 : vector<16xi1>
    %sub3A_349 = arith.constant 1 : i32
    %sub3A_350 = vector.broadcast %sub3A_349 : i32 to vector<16xi32>
    %sub3A_351 = arith.subi %div3A_324, %sub3A_350 : vector<16xi32>
    %select_n3A_352 = arith.select %and3A_348, %sub3A_351, %div3A_324 : vector<16xi1>, vector<16xi32>
    %add3A_353 = arith.constant 18 : i32
    %add3A_354 = vector.broadcast %add3A_353 : i32 to vector<16xi32>
    %add3A_355 = arith.addi %select_n3A_352, %add3A_354 : vector<16xi32>
    %jit3A_356 = arith.constant 8 : i32
    %div3A_357 = vector.broadcast %jit3A_356 : i32 to vector<16xi32>
    %div3A_358 = arith.divsi %iota3A, %div3A_357 : vector<16xi32>
    %sign3A_359 = arith.constant 0 : i32
    %sign3A_360 = vector.broadcast %sign3A_359 : i32 to vector<16xi32>
    %sign3A_361 = arith.cmpi sgt, %iota3A, %sign3A_360 : vector<16xi32>
    %sign3A_362 = arith.extui %sign3A_361 : vector<16xi1> to vector<16xi32>
    %sign3A_363 = arith.constant 0 : i32
    %sign3A_364 = vector.broadcast %sign3A_363 : i32 to vector<16xi32>
    %sign3A_365 = arith.cmpi slt, %iota3A, %sign3A_364 : vector<16xi32>
    %sign3A_366 = arith.extui %sign3A_365 : vector<16xi1> to vector<16xi32>
    %sign3A_367 = arith.subi %sign3A_362, %sign3A_366 : vector<16xi32>
    %sign3A_368 = arith.constant 0 : i32
    %sign3A_369 = arith.cmpi sgt, %jit3A_356, %sign3A_368 : i32
    %sign3A_370 = arith.extui %sign3A_369 : i1 to i32
    %sign3A_371 = arith.constant 0 : i32
    %sign3A_372 = arith.cmpi slt, %jit3A_356, %sign3A_371 : i32
    %sign3A_373 = arith.extui %sign3A_372 : i1 to i32
    %sign3A_374 = arith.subi %sign3A_370, %sign3A_373 : i32
    %ne3A_375 = vector.broadcast %sign3A_374 : i32 to vector<16xi32>
    %ne3A_376 = arith.cmpi ne, %sign3A_367, %ne3A_375 : vector<16xi32>
    %rem3A_377 = vector.broadcast %jit3A_356 : i32 to vector<16xi32>
    %rem3A_378 = arith.remsi %iota3A, %rem3A_377 : vector<16xi32>
    %ne3A_379 = arith.constant 0 : i32
    %ne3A_380 = vector.broadcast %ne3A_379 : i32 to vector<16xi32>
    %ne3A_381 = arith.cmpi ne, %rem3A_378, %ne3A_380 : vector<16xi32>
    %and3A_382 = arith.andi %ne3A_376, %ne3A_381 : vector<16xi1>
    %sub3A_383 = arith.constant 1 : i32
    %sub3A_384 = vector.broadcast %sub3A_383 : i32 to vector<16xi32>
    %sub3A_385 = arith.subi %div3A_358, %sub3A_384 : vector<16xi32>
    %select_n3A_386 = arith.select %and3A_382, %sub3A_385, %div3A_358 : vector<16xi1>, vector<16xi32>
    %add3A_387 = arith.constant 20 : i32
    %add3A_388 = vector.broadcast %add3A_387 : i32 to vector<16xi32>
    %add3A_389 = arith.addi %select_n3A_386, %add3A_388 : vector<16xi32>
    %jit3A_390 = arith.constant 8 : i32
    %div3A_391 = vector.broadcast %jit3A_390 : i32 to vector<16xi32>
    %div3A_392 = arith.divsi %iota3A, %div3A_391 : vector<16xi32>
    %sign3A_393 = arith.constant 0 : i32
    %sign3A_394 = vector.broadcast %sign3A_393 : i32 to vector<16xi32>
    %sign3A_395 = arith.cmpi sgt, %iota3A, %sign3A_394 : vector<16xi32>
    %sign3A_396 = arith.extui %sign3A_395 : vector<16xi1> to vector<16xi32>
    %sign3A_397 = arith.constant 0 : i32
    %sign3A_398 = vector.broadcast %sign3A_397 : i32 to vector<16xi32>
    %sign3A_399 = arith.cmpi slt, %iota3A, %sign3A_398 : vector<16xi32>
    %sign3A_400 = arith.extui %sign3A_399 : vector<16xi1> to vector<16xi32>
    %sign3A_401 = arith.subi %sign3A_396, %sign3A_400 : vector<16xi32>
    %sign3A_402 = arith.constant 0 : i32
    %sign3A_403 = arith.cmpi sgt, %jit3A_390, %sign3A_402 : i32
    %sign3A_404 = arith.extui %sign3A_403 : i1 to i32
    %sign3A_405 = arith.constant 0 : i32
    %sign3A_406 = arith.cmpi slt, %jit3A_390, %sign3A_405 : i32
    %sign3A_407 = arith.extui %sign3A_406 : i1 to i32
    %sign3A_408 = arith.subi %sign3A_404, %sign3A_407 : i32
    %ne3A_409 = vector.broadcast %sign3A_408 : i32 to vector<16xi32>
    %ne3A_410 = arith.cmpi ne, %sign3A_401, %ne3A_409 : vector<16xi32>
    %rem3A_411 = vector.broadcast %jit3A_390 : i32 to vector<16xi32>
    %rem3A_412 = arith.remsi %iota3A, %rem3A_411 : vector<16xi32>
    %ne3A_413 = arith.constant 0 : i32
    %ne3A_414 = vector.broadcast %ne3A_413 : i32 to vector<16xi32>
    %ne3A_415 = arith.cmpi ne, %rem3A_412, %ne3A_414 : vector<16xi32>
    %and3A_416 = arith.andi %ne3A_410, %ne3A_415 : vector<16xi1>
    %sub3A_417 = arith.constant 1 : i32
    %sub3A_418 = vector.broadcast %sub3A_417 : i32 to vector<16xi32>
    %sub3A_419 = arith.subi %div3A_392, %sub3A_418 : vector<16xi32>
    %select_n3A_420 = arith.select %and3A_416, %sub3A_419, %div3A_392 : vector<16xi1>, vector<16xi32>
    %add3A_421 = arith.constant 22 : i32
    %add3A_422 = vector.broadcast %add3A_421 : i32 to vector<16xi32>
    %add3A_423 = arith.addi %select_n3A_420, %add3A_422 : vector<16xi32>
    %jit3A_424 = arith.constant 8 : i32
    %div3A_425 = vector.broadcast %jit3A_424 : i32 to vector<16xi32>
    %div3A_426 = arith.divsi %iota3A, %div3A_425 : vector<16xi32>
    %sign3A_427 = arith.constant 0 : i32
    %sign3A_428 = vector.broadcast %sign3A_427 : i32 to vector<16xi32>
    %sign3A_429 = arith.cmpi sgt, %iota3A, %sign3A_428 : vector<16xi32>
    %sign3A_430 = arith.extui %sign3A_429 : vector<16xi1> to vector<16xi32>
    %sign3A_431 = arith.constant 0 : i32
    %sign3A_432 = vector.broadcast %sign3A_431 : i32 to vector<16xi32>
    %sign3A_433 = arith.cmpi slt, %iota3A, %sign3A_432 : vector<16xi32>
    %sign3A_434 = arith.extui %sign3A_433 : vector<16xi1> to vector<16xi32>
    %sign3A_435 = arith.subi %sign3A_430, %sign3A_434 : vector<16xi32>
    %sign3A_436 = arith.constant 0 : i32
    %sign3A_437 = arith.cmpi sgt, %jit3A_424, %sign3A_436 : i32
    %sign3A_438 = arith.extui %sign3A_437 : i1 to i32
    %sign3A_439 = arith.constant 0 : i32
    %sign3A_440 = arith.cmpi slt, %jit3A_424, %sign3A_439 : i32
    %sign3A_441 = arith.extui %sign3A_440 : i1 to i32
    %sign3A_442 = arith.subi %sign3A_438, %sign3A_441 : i32
    %ne3A_443 = vector.broadcast %sign3A_442 : i32 to vector<16xi32>
    %ne3A_444 = arith.cmpi ne, %sign3A_435, %ne3A_443 : vector<16xi32>
    %rem3A_445 = vector.broadcast %jit3A_424 : i32 to vector<16xi32>
    %rem3A_446 = arith.remsi %iota3A, %rem3A_445 : vector<16xi32>
    %ne3A_447 = arith.constant 0 : i32
    %ne3A_448 = vector.broadcast %ne3A_447 : i32 to vector<16xi32>
    %ne3A_449 = arith.cmpi ne, %rem3A_446, %ne3A_448 : vector<16xi32>
    %and3A_450 = arith.andi %ne3A_444, %ne3A_449 : vector<16xi1>
    %sub3A_451 = arith.constant 1 : i32
    %sub3A_452 = vector.broadcast %sub3A_451 : i32 to vector<16xi32>
    %sub3A_453 = arith.subi %div3A_426, %sub3A_452 : vector<16xi32>
    %select_n3A_454 = arith.select %and3A_450, %sub3A_453, %div3A_426 : vector<16xi1>, vector<16xi32>
    %add3A_455 = arith.constant 24 : i32
    %add3A_456 = vector.broadcast %add3A_455 : i32 to vector<16xi32>
    %add3A_457 = arith.addi %select_n3A_454, %add3A_456 : vector<16xi32>
    %jit3A_458 = arith.constant 8 : i32
    %div3A_459 = vector.broadcast %jit3A_458 : i32 to vector<16xi32>
    %div3A_460 = arith.divsi %iota3A, %div3A_459 : vector<16xi32>
    %sign3A_461 = arith.constant 0 : i32
    %sign3A_462 = vector.broadcast %sign3A_461 : i32 to vector<16xi32>
    %sign3A_463 = arith.cmpi sgt, %iota3A, %sign3A_462 : vector<16xi32>
    %sign3A_464 = arith.extui %sign3A_463 : vector<16xi1> to vector<16xi32>
    %sign3A_465 = arith.constant 0 : i32
    %sign3A_466 = vector.broadcast %sign3A_465 : i32 to vector<16xi32>
    %sign3A_467 = arith.cmpi slt, %iota3A, %sign3A_466 : vector<16xi32>
    %sign3A_468 = arith.extui %sign3A_467 : vector<16xi1> to vector<16xi32>
    %sign3A_469 = arith.subi %sign3A_464, %sign3A_468 : vector<16xi32>
    %sign3A_470 = arith.constant 0 : i32
    %sign3A_471 = arith.cmpi sgt, %jit3A_458, %sign3A_470 : i32
    %sign3A_472 = arith.extui %sign3A_471 : i1 to i32
    %sign3A_473 = arith.constant 0 : i32
    %sign3A_474 = arith.cmpi slt, %jit3A_458, %sign3A_473 : i32
    %sign3A_475 = arith.extui %sign3A_474 : i1 to i32
    %sign3A_476 = arith.subi %sign3A_472, %sign3A_475 : i32
    %ne3A_477 = vector.broadcast %sign3A_476 : i32 to vector<16xi32>
    %ne3A_478 = arith.cmpi ne, %sign3A_469, %ne3A_477 : vector<16xi32>
    %rem3A_479 = vector.broadcast %jit3A_458 : i32 to vector<16xi32>
    %rem3A_480 = arith.remsi %iota3A, %rem3A_479 : vector<16xi32>
    %ne3A_481 = arith.constant 0 : i32
    %ne3A_482 = vector.broadcast %ne3A_481 : i32 to vector<16xi32>
    %ne3A_483 = arith.cmpi ne, %rem3A_480, %ne3A_482 : vector<16xi32>
    %and3A_484 = arith.andi %ne3A_478, %ne3A_483 : vector<16xi1>
    %sub3A_485 = arith.constant 1 : i32
    %sub3A_486 = vector.broadcast %sub3A_485 : i32 to vector<16xi32>
    %sub3A_487 = arith.subi %div3A_460, %sub3A_486 : vector<16xi32>
    %select_n3A_488 = arith.select %and3A_484, %sub3A_487, %div3A_460 : vector<16xi1>, vector<16xi32>
    %add3A_489 = arith.constant 26 : i32
    %add3A_490 = vector.broadcast %add3A_489 : i32 to vector<16xi32>
    %add3A_491 = arith.addi %select_n3A_488, %add3A_490 : vector<16xi32>
    %jit3A_492 = arith.constant 8 : i32
    %div3A_493 = vector.broadcast %jit3A_492 : i32 to vector<16xi32>
    %div3A_494 = arith.divsi %iota3A, %div3A_493 : vector<16xi32>
    %sign3A_495 = arith.constant 0 : i32
    %sign3A_496 = vector.broadcast %sign3A_495 : i32 to vector<16xi32>
    %sign3A_497 = arith.cmpi sgt, %iota3A, %sign3A_496 : vector<16xi32>
    %sign3A_498 = arith.extui %sign3A_497 : vector<16xi1> to vector<16xi32>
    %sign3A_499 = arith.constant 0 : i32
    %sign3A_500 = vector.broadcast %sign3A_499 : i32 to vector<16xi32>
    %sign3A_501 = arith.cmpi slt, %iota3A, %sign3A_500 : vector<16xi32>
    %sign3A_502 = arith.extui %sign3A_501 : vector<16xi1> to vector<16xi32>
    %sign3A_503 = arith.subi %sign3A_498, %sign3A_502 : vector<16xi32>
    %sign3A_504 = arith.constant 0 : i32
    %sign3A_505 = arith.cmpi sgt, %jit3A_492, %sign3A_504 : i32
    %sign3A_506 = arith.extui %sign3A_505 : i1 to i32
    %sign3A_507 = arith.constant 0 : i32
    %sign3A_508 = arith.cmpi slt, %jit3A_492, %sign3A_507 : i32
    %sign3A_509 = arith.extui %sign3A_508 : i1 to i32
    %sign3A_510 = arith.subi %sign3A_506, %sign3A_509 : i32
    %ne3A_511 = vector.broadcast %sign3A_510 : i32 to vector<16xi32>
    %ne3A_512 = arith.cmpi ne, %sign3A_503, %ne3A_511 : vector<16xi32>
    %rem3A_513 = vector.broadcast %jit3A_492 : i32 to vector<16xi32>
    %rem3A_514 = arith.remsi %iota3A, %rem3A_513 : vector<16xi32>
    %ne3A_515 = arith.constant 0 : i32
    %ne3A_516 = vector.broadcast %ne3A_515 : i32 to vector<16xi32>
    %ne3A_517 = arith.cmpi ne, %rem3A_514, %ne3A_516 : vector<16xi32>
    %and3A_518 = arith.andi %ne3A_512, %ne3A_517 : vector<16xi1>
    %sub3A_519 = arith.constant 1 : i32
    %sub3A_520 = vector.broadcast %sub3A_519 : i32 to vector<16xi32>
    %sub3A_521 = arith.subi %div3A_494, %sub3A_520 : vector<16xi32>
    %select_n3A_522 = arith.select %and3A_518, %sub3A_521, %div3A_494 : vector<16xi1>, vector<16xi32>
    %add3A_523 = arith.constant 28 : i32
    %add3A_524 = vector.broadcast %add3A_523 : i32 to vector<16xi32>
    %add3A_525 = arith.addi %select_n3A_522, %add3A_524 : vector<16xi32>
    %jit3A_526 = arith.constant 8 : i32
    %div3A_527 = vector.broadcast %jit3A_526 : i32 to vector<16xi32>
    %div3A_528 = arith.divsi %iota3A, %div3A_527 : vector<16xi32>
    %sign3A_529 = arith.constant 0 : i32
    %sign3A_530 = vector.broadcast %sign3A_529 : i32 to vector<16xi32>
    %sign3A_531 = arith.cmpi sgt, %iota3A, %sign3A_530 : vector<16xi32>
    %sign3A_532 = arith.extui %sign3A_531 : vector<16xi1> to vector<16xi32>
    %sign3A_533 = arith.constant 0 : i32
    %sign3A_534 = vector.broadcast %sign3A_533 : i32 to vector<16xi32>
    %sign3A_535 = arith.cmpi slt, %iota3A, %sign3A_534 : vector<16xi32>
    %sign3A_536 = arith.extui %sign3A_535 : vector<16xi1> to vector<16xi32>
    %sign3A_537 = arith.subi %sign3A_532, %sign3A_536 : vector<16xi32>
    %sign3A_538 = arith.constant 0 : i32
    %sign3A_539 = arith.cmpi sgt, %jit3A_526, %sign3A_538 : i32
    %sign3A_540 = arith.extui %sign3A_539 : i1 to i32
    %sign3A_541 = arith.constant 0 : i32
    %sign3A_542 = arith.cmpi slt, %jit3A_526, %sign3A_541 : i32
    %sign3A_543 = arith.extui %sign3A_542 : i1 to i32
    %sign3A_544 = arith.subi %sign3A_540, %sign3A_543 : i32
    %ne3A_545 = vector.broadcast %sign3A_544 : i32 to vector<16xi32>
    %ne3A_546 = arith.cmpi ne, %sign3A_537, %ne3A_545 : vector<16xi32>
    %rem3A_547 = vector.broadcast %jit3A_526 : i32 to vector<16xi32>
    %rem3A_548 = arith.remsi %iota3A, %rem3A_547 : vector<16xi32>
    %ne3A_549 = arith.constant 0 : i32
    %ne3A_550 = vector.broadcast %ne3A_549 : i32 to vector<16xi32>
    %ne3A_551 = arith.cmpi ne, %rem3A_548, %ne3A_550 : vector<16xi32>
    %and3A_552 = arith.andi %ne3A_546, %ne3A_551 : vector<16xi1>
    %sub3A_553 = arith.constant 1 : i32
    %sub3A_554 = vector.broadcast %sub3A_553 : i32 to vector<16xi32>
    %sub3A_555 = arith.subi %div3A_528, %sub3A_554 : vector<16xi32>
    %select_n3A_556 = arith.select %and3A_552, %sub3A_555, %div3A_528 : vector<16xi1>, vector<16xi32>
    %add3A_557 = arith.constant 30 : i32
    %add3A_558 = vector.broadcast %add3A_557 : i32 to vector<16xi32>
    %add3A_559 = arith.addi %select_n3A_556, %add3A_558 : vector<16xi32>
    %jit3A_560 = arith.constant 8 : i32
    %div3A_561 = vector.broadcast %jit3A_560 : i32 to vector<16xi32>
    %div3A_562 = arith.divsi %iota3A, %div3A_561 : vector<16xi32>
    %sign3A_563 = arith.constant 0 : i32
    %sign3A_564 = vector.broadcast %sign3A_563 : i32 to vector<16xi32>
    %sign3A_565 = arith.cmpi sgt, %iota3A, %sign3A_564 : vector<16xi32>
    %sign3A_566 = arith.extui %sign3A_565 : vector<16xi1> to vector<16xi32>
    %sign3A_567 = arith.constant 0 : i32
    %sign3A_568 = vector.broadcast %sign3A_567 : i32 to vector<16xi32>
    %sign3A_569 = arith.cmpi slt, %iota3A, %sign3A_568 : vector<16xi32>
    %sign3A_570 = arith.extui %sign3A_569 : vector<16xi1> to vector<16xi32>
    %sign3A_571 = arith.subi %sign3A_566, %sign3A_570 : vector<16xi32>
    %sign3A_572 = arith.constant 0 : i32
    %sign3A_573 = arith.cmpi sgt, %jit3A_560, %sign3A_572 : i32
    %sign3A_574 = arith.extui %sign3A_573 : i1 to i32
    %sign3A_575 = arith.constant 0 : i32
    %sign3A_576 = arith.cmpi slt, %jit3A_560, %sign3A_575 : i32
    %sign3A_577 = arith.extui %sign3A_576 : i1 to i32
    %sign3A_578 = arith.subi %sign3A_574, %sign3A_577 : i32
    %ne3A_579 = vector.broadcast %sign3A_578 : i32 to vector<16xi32>
    %ne3A_580 = arith.cmpi ne, %sign3A_571, %ne3A_579 : vector<16xi32>
    %rem3A_581 = vector.broadcast %jit3A_560 : i32 to vector<16xi32>
    %rem3A_582 = arith.remsi %iota3A, %rem3A_581 : vector<16xi32>
    %ne3A_583 = arith.constant 0 : i32
    %ne3A_584 = vector.broadcast %ne3A_583 : i32 to vector<16xi32>
    %ne3A_585 = arith.cmpi ne, %rem3A_582, %ne3A_584 : vector<16xi32>
    %and3A_586 = arith.andi %ne3A_580, %ne3A_585 : vector<16xi1>
    %sub3A_587 = arith.constant 1 : i32
    %sub3A_588 = vector.broadcast %sub3A_587 : i32 to vector<16xi32>
    %sub3A_589 = arith.subi %div3A_562, %sub3A_588 : vector<16xi32>
    %select_n3A_590 = arith.select %and3A_586, %sub3A_589, %div3A_562 : vector<16xi1>, vector<16xi32>
    %add3A_591 = arith.constant 32 : i32
    %add3A_592 = vector.broadcast %add3A_591 : i32 to vector<16xi32>
    %add3A_593 = arith.addi %select_n3A_590, %add3A_592 : vector<16xi32>
    %jit3A_594 = arith.constant 8 : i32
    %div3A_595 = vector.broadcast %jit3A_594 : i32 to vector<16xi32>
    %div3A_596 = arith.divsi %iota3A, %div3A_595 : vector<16xi32>
    %sign3A_597 = arith.constant 0 : i32
    %sign3A_598 = vector.broadcast %sign3A_597 : i32 to vector<16xi32>
    %sign3A_599 = arith.cmpi sgt, %iota3A, %sign3A_598 : vector<16xi32>
    %sign3A_600 = arith.extui %sign3A_599 : vector<16xi1> to vector<16xi32>
    %sign3A_601 = arith.constant 0 : i32
    %sign3A_602 = vector.broadcast %sign3A_601 : i32 to vector<16xi32>
    %sign3A_603 = arith.cmpi slt, %iota3A, %sign3A_602 : vector<16xi32>
    %sign3A_604 = arith.extui %sign3A_603 : vector<16xi1> to vector<16xi32>
    %sign3A_605 = arith.subi %sign3A_600, %sign3A_604 : vector<16xi32>
    %sign3A_606 = arith.constant 0 : i32
    %sign3A_607 = arith.cmpi sgt, %jit3A_594, %sign3A_606 : i32
    %sign3A_608 = arith.extui %sign3A_607 : i1 to i32
    %sign3A_609 = arith.constant 0 : i32
    %sign3A_610 = arith.cmpi slt, %jit3A_594, %sign3A_609 : i32
    %sign3A_611 = arith.extui %sign3A_610 : i1 to i32
    %sign3A_612 = arith.subi %sign3A_608, %sign3A_611 : i32
    %ne3A_613 = vector.broadcast %sign3A_612 : i32 to vector<16xi32>
    %ne3A_614 = arith.cmpi ne, %sign3A_605, %ne3A_613 : vector<16xi32>
    %rem3A_615 = vector.broadcast %jit3A_594 : i32 to vector<16xi32>
    %rem3A_616 = arith.remsi %iota3A, %rem3A_615 : vector<16xi32>
    %ne3A_617 = arith.constant 0 : i32
    %ne3A_618 = vector.broadcast %ne3A_617 : i32 to vector<16xi32>
    %ne3A_619 = arith.cmpi ne, %rem3A_616, %ne3A_618 : vector<16xi32>
    %and3A_620 = arith.andi %ne3A_614, %ne3A_619 : vector<16xi1>
    %sub3A_621 = arith.constant 1 : i32
    %sub3A_622 = vector.broadcast %sub3A_621 : i32 to vector<16xi32>
    %sub3A_623 = arith.subi %div3A_596, %sub3A_622 : vector<16xi32>
    %select_n3A_624 = arith.select %and3A_620, %sub3A_623, %div3A_596 : vector<16xi1>, vector<16xi32>
    %add3A_625 = arith.constant 34 : i32
    %add3A_626 = vector.broadcast %add3A_625 : i32 to vector<16xi32>
    %add3A_627 = arith.addi %select_n3A_624, %add3A_626 : vector<16xi32>
    %jit3A_628 = arith.constant 8 : i32
    %div3A_629 = vector.broadcast %jit3A_628 : i32 to vector<16xi32>
    %div3A_630 = arith.divsi %iota3A, %div3A_629 : vector<16xi32>
    %sign3A_631 = arith.constant 0 : i32
    %sign3A_632 = vector.broadcast %sign3A_631 : i32 to vector<16xi32>
    %sign3A_633 = arith.cmpi sgt, %iota3A, %sign3A_632 : vector<16xi32>
    %sign3A_634 = arith.extui %sign3A_633 : vector<16xi1> to vector<16xi32>
    %sign3A_635 = arith.constant 0 : i32
    %sign3A_636 = vector.broadcast %sign3A_635 : i32 to vector<16xi32>
    %sign3A_637 = arith.cmpi slt, %iota3A, %sign3A_636 : vector<16xi32>
    %sign3A_638 = arith.extui %sign3A_637 : vector<16xi1> to vector<16xi32>
    %sign3A_639 = arith.subi %sign3A_634, %sign3A_638 : vector<16xi32>
    %sign3A_640 = arith.constant 0 : i32
    %sign3A_641 = arith.cmpi sgt, %jit3A_628, %sign3A_640 : i32
    %sign3A_642 = arith.extui %sign3A_641 : i1 to i32
    %sign3A_643 = arith.constant 0 : i32
    %sign3A_644 = arith.cmpi slt, %jit3A_628, %sign3A_643 : i32
    %sign3A_645 = arith.extui %sign3A_644 : i1 to i32
    %sign3A_646 = arith.subi %sign3A_642, %sign3A_645 : i32
    %ne3A_647 = vector.broadcast %sign3A_646 : i32 to vector<16xi32>
    %ne3A_648 = arith.cmpi ne, %sign3A_639, %ne3A_647 : vector<16xi32>
    %rem3A_649 = vector.broadcast %jit3A_628 : i32 to vector<16xi32>
    %rem3A_650 = arith.remsi %iota3A, %rem3A_649 : vector<16xi32>
    %ne3A_651 = arith.constant 0 : i32
    %ne3A_652 = vector.broadcast %ne3A_651 : i32 to vector<16xi32>
    %ne3A_653 = arith.cmpi ne, %rem3A_650, %ne3A_652 : vector<16xi32>
    %and3A_654 = arith.andi %ne3A_648, %ne3A_653 : vector<16xi1>
    %sub3A_655 = arith.constant 1 : i32
    %sub3A_656 = vector.broadcast %sub3A_655 : i32 to vector<16xi32>
    %sub3A_657 = arith.subi %div3A_630, %sub3A_656 : vector<16xi32>
    %select_n3A_658 = arith.select %and3A_654, %sub3A_657, %div3A_630 : vector<16xi1>, vector<16xi32>
    %add3A_659 = arith.constant 36 : i32
    %add3A_660 = vector.broadcast %add3A_659 : i32 to vector<16xi32>
    %add3A_661 = arith.addi %select_n3A_658, %add3A_660 : vector<16xi32>
    %jit3A_662 = arith.constant 8 : i32
    %div3A_663 = vector.broadcast %jit3A_662 : i32 to vector<16xi32>
    %div3A_664 = arith.divsi %iota3A, %div3A_663 : vector<16xi32>
    %sign3A_665 = arith.constant 0 : i32
    %sign3A_666 = vector.broadcast %sign3A_665 : i32 to vector<16xi32>
    %sign3A_667 = arith.cmpi sgt, %iota3A, %sign3A_666 : vector<16xi32>
    %sign3A_668 = arith.extui %sign3A_667 : vector<16xi1> to vector<16xi32>
    %sign3A_669 = arith.constant 0 : i32
    %sign3A_670 = vector.broadcast %sign3A_669 : i32 to vector<16xi32>
    %sign3A_671 = arith.cmpi slt, %iota3A, %sign3A_670 : vector<16xi32>
    %sign3A_672 = arith.extui %sign3A_671 : vector<16xi1> to vector<16xi32>
    %sign3A_673 = arith.subi %sign3A_668, %sign3A_672 : vector<16xi32>
    %sign3A_674 = arith.constant 0 : i32
    %sign3A_675 = arith.cmpi sgt, %jit3A_662, %sign3A_674 : i32
    %sign3A_676 = arith.extui %sign3A_675 : i1 to i32
    %sign3A_677 = arith.constant 0 : i32
    %sign3A_678 = arith.cmpi slt, %jit3A_662, %sign3A_677 : i32
    %sign3A_679 = arith.extui %sign3A_678 : i1 to i32
    %sign3A_680 = arith.subi %sign3A_676, %sign3A_679 : i32
    %ne3A_681 = vector.broadcast %sign3A_680 : i32 to vector<16xi32>
    %ne3A_682 = arith.cmpi ne, %sign3A_673, %ne3A_681 : vector<16xi32>
    %rem3A_683 = vector.broadcast %jit3A_662 : i32 to vector<16xi32>
    %rem3A_684 = arith.remsi %iota3A, %rem3A_683 : vector<16xi32>
    %ne3A_685 = arith.constant 0 : i32
    %ne3A_686 = vector.broadcast %ne3A_685 : i32 to vector<16xi32>
    %ne3A_687 = arith.cmpi ne, %rem3A_684, %ne3A_686 : vector<16xi32>
    %and3A_688 = arith.andi %ne3A_682, %ne3A_687 : vector<16xi1>
    %sub3A_689 = arith.constant 1 : i32
    %sub3A_690 = vector.broadcast %sub3A_689 : i32 to vector<16xi32>
    %sub3A_691 = arith.subi %div3A_664, %sub3A_690 : vector<16xi32>
    %select_n3A_692 = arith.select %and3A_688, %sub3A_691, %div3A_664 : vector<16xi1>, vector<16xi32>
    %add3A_693 = arith.constant 38 : i32
    %add3A_694 = vector.broadcast %add3A_693 : i32 to vector<16xi32>
    %add3A_695 = arith.addi %select_n3A_692, %add3A_694 : vector<16xi32>
    %jit3A_696 = arith.constant 8 : i32
    %div3A_697 = vector.broadcast %jit3A_696 : i32 to vector<16xi32>
    %div3A_698 = arith.divsi %iota3A, %div3A_697 : vector<16xi32>
    %sign3A_699 = arith.constant 0 : i32
    %sign3A_700 = vector.broadcast %sign3A_699 : i32 to vector<16xi32>
    %sign3A_701 = arith.cmpi sgt, %iota3A, %sign3A_700 : vector<16xi32>
    %sign3A_702 = arith.extui %sign3A_701 : vector<16xi1> to vector<16xi32>
    %sign3A_703 = arith.constant 0 : i32
    %sign3A_704 = vector.broadcast %sign3A_703 : i32 to vector<16xi32>
    %sign3A_705 = arith.cmpi slt, %iota3A, %sign3A_704 : vector<16xi32>
    %sign3A_706 = arith.extui %sign3A_705 : vector<16xi1> to vector<16xi32>
    %sign3A_707 = arith.subi %sign3A_702, %sign3A_706 : vector<16xi32>
    %sign3A_708 = arith.constant 0 : i32
    %sign3A_709 = arith.cmpi sgt, %jit3A_696, %sign3A_708 : i32
    %sign3A_710 = arith.extui %sign3A_709 : i1 to i32
    %sign3A_711 = arith.constant 0 : i32
    %sign3A_712 = arith.cmpi slt, %jit3A_696, %sign3A_711 : i32
    %sign3A_713 = arith.extui %sign3A_712 : i1 to i32
    %sign3A_714 = arith.subi %sign3A_710, %sign3A_713 : i32
    %ne3A_715 = vector.broadcast %sign3A_714 : i32 to vector<16xi32>
    %ne3A_716 = arith.cmpi ne, %sign3A_707, %ne3A_715 : vector<16xi32>
    %rem3A_717 = vector.broadcast %jit3A_696 : i32 to vector<16xi32>
    %rem3A_718 = arith.remsi %iota3A, %rem3A_717 : vector<16xi32>
    %ne3A_719 = arith.constant 0 : i32
    %ne3A_720 = vector.broadcast %ne3A_719 : i32 to vector<16xi32>
    %ne3A_721 = arith.cmpi ne, %rem3A_718, %ne3A_720 : vector<16xi32>
    %and3A_722 = arith.andi %ne3A_716, %ne3A_721 : vector<16xi1>
    %sub3A_723 = arith.constant 1 : i32
    %sub3A_724 = vector.broadcast %sub3A_723 : i32 to vector<16xi32>
    %sub3A_725 = arith.subi %div3A_698, %sub3A_724 : vector<16xi32>
    %select_n3A_726 = arith.select %and3A_722, %sub3A_725, %div3A_698 : vector<16xi1>, vector<16xi32>
    %add3A_727 = arith.constant 40 : i32
    %add3A_728 = vector.broadcast %add3A_727 : i32 to vector<16xi32>
    %add3A_729 = arith.addi %select_n3A_726, %add3A_728 : vector<16xi32>
    %jit3A_730 = arith.constant 8 : i32
    %div3A_731 = vector.broadcast %jit3A_730 : i32 to vector<16xi32>
    %div3A_732 = arith.divsi %iota3A, %div3A_731 : vector<16xi32>
    %sign3A_733 = arith.constant 0 : i32
    %sign3A_734 = vector.broadcast %sign3A_733 : i32 to vector<16xi32>
    %sign3A_735 = arith.cmpi sgt, %iota3A, %sign3A_734 : vector<16xi32>
    %sign3A_736 = arith.extui %sign3A_735 : vector<16xi1> to vector<16xi32>
    %sign3A_737 = arith.constant 0 : i32
    %sign3A_738 = vector.broadcast %sign3A_737 : i32 to vector<16xi32>
    %sign3A_739 = arith.cmpi slt, %iota3A, %sign3A_738 : vector<16xi32>
    %sign3A_740 = arith.extui %sign3A_739 : vector<16xi1> to vector<16xi32>
    %sign3A_741 = arith.subi %sign3A_736, %sign3A_740 : vector<16xi32>
    %sign3A_742 = arith.constant 0 : i32
    %sign3A_743 = arith.cmpi sgt, %jit3A_730, %sign3A_742 : i32
    %sign3A_744 = arith.extui %sign3A_743 : i1 to i32
    %sign3A_745 = arith.constant 0 : i32
    %sign3A_746 = arith.cmpi slt, %jit3A_730, %sign3A_745 : i32
    %sign3A_747 = arith.extui %sign3A_746 : i1 to i32
    %sign3A_748 = arith.subi %sign3A_744, %sign3A_747 : i32
    %ne3A_749 = vector.broadcast %sign3A_748 : i32 to vector<16xi32>
    %ne3A_750 = arith.cmpi ne, %sign3A_741, %ne3A_749 : vector<16xi32>
    %rem3A_751 = vector.broadcast %jit3A_730 : i32 to vector<16xi32>
    %rem3A_752 = arith.remsi %iota3A, %rem3A_751 : vector<16xi32>
    %ne3A_753 = arith.constant 0 : i32
    %ne3A_754 = vector.broadcast %ne3A_753 : i32 to vector<16xi32>
    %ne3A_755 = arith.cmpi ne, %rem3A_752, %ne3A_754 : vector<16xi32>
    %and3A_756 = arith.andi %ne3A_750, %ne3A_755 : vector<16xi1>
    %sub3A_757 = arith.constant 1 : i32
    %sub3A_758 = vector.broadcast %sub3A_757 : i32 to vector<16xi32>
    %sub3A_759 = arith.subi %div3A_732, %sub3A_758 : vector<16xi32>
    %select_n3A_760 = arith.select %and3A_756, %sub3A_759, %div3A_732 : vector<16xi1>, vector<16xi32>
    %add3A_761 = arith.constant 42 : i32
    %add3A_762 = vector.broadcast %add3A_761 : i32 to vector<16xi32>
    %add3A_763 = arith.addi %select_n3A_760, %add3A_762 : vector<16xi32>
    %jit3A_764 = arith.constant 8 : i32
    %div3A_765 = vector.broadcast %jit3A_764 : i32 to vector<16xi32>
    %div3A_766 = arith.divsi %iota3A, %div3A_765 : vector<16xi32>
    %sign3A_767 = arith.constant 0 : i32
    %sign3A_768 = vector.broadcast %sign3A_767 : i32 to vector<16xi32>
    %sign3A_769 = arith.cmpi sgt, %iota3A, %sign3A_768 : vector<16xi32>
    %sign3A_770 = arith.extui %sign3A_769 : vector<16xi1> to vector<16xi32>
    %sign3A_771 = arith.constant 0 : i32
    %sign3A_772 = vector.broadcast %sign3A_771 : i32 to vector<16xi32>
    %sign3A_773 = arith.cmpi slt, %iota3A, %sign3A_772 : vector<16xi32>
    %sign3A_774 = arith.extui %sign3A_773 : vector<16xi1> to vector<16xi32>
    %sign3A_775 = arith.subi %sign3A_770, %sign3A_774 : vector<16xi32>
    %sign3A_776 = arith.constant 0 : i32
    %sign3A_777 = arith.cmpi sgt, %jit3A_764, %sign3A_776 : i32
    %sign3A_778 = arith.extui %sign3A_777 : i1 to i32
    %sign3A_779 = arith.constant 0 : i32
    %sign3A_780 = arith.cmpi slt, %jit3A_764, %sign3A_779 : i32
    %sign3A_781 = arith.extui %sign3A_780 : i1 to i32
    %sign3A_782 = arith.subi %sign3A_778, %sign3A_781 : i32
    %ne3A_783 = vector.broadcast %sign3A_782 : i32 to vector<16xi32>
    %ne3A_784 = arith.cmpi ne, %sign3A_775, %ne3A_783 : vector<16xi32>
    %rem3A_785 = vector.broadcast %jit3A_764 : i32 to vector<16xi32>
    %rem3A_786 = arith.remsi %iota3A, %rem3A_785 : vector<16xi32>
    %ne3A_787 = arith.constant 0 : i32
    %ne3A_788 = vector.broadcast %ne3A_787 : i32 to vector<16xi32>
    %ne3A_789 = arith.cmpi ne, %rem3A_786, %ne3A_788 : vector<16xi32>
    %and3A_790 = arith.andi %ne3A_784, %ne3A_789 : vector<16xi1>
    %sub3A_791 = arith.constant 1 : i32
    %sub3A_792 = vector.broadcast %sub3A_791 : i32 to vector<16xi32>
    %sub3A_793 = arith.subi %div3A_766, %sub3A_792 : vector<16xi32>
    %select_n3A_794 = arith.select %and3A_790, %sub3A_793, %div3A_766 : vector<16xi1>, vector<16xi32>
    %add3A_795 = arith.constant 44 : i32
    %add3A_796 = vector.broadcast %add3A_795 : i32 to vector<16xi32>
    %add3A_797 = arith.addi %select_n3A_794, %add3A_796 : vector<16xi32>
    %jit3A_798 = arith.constant 8 : i32
    %div3A_799 = vector.broadcast %jit3A_798 : i32 to vector<16xi32>
    %div3A_800 = arith.divsi %iota3A, %div3A_799 : vector<16xi32>
    %sign3A_801 = arith.constant 0 : i32
    %sign3A_802 = vector.broadcast %sign3A_801 : i32 to vector<16xi32>
    %sign3A_803 = arith.cmpi sgt, %iota3A, %sign3A_802 : vector<16xi32>
    %sign3A_804 = arith.extui %sign3A_803 : vector<16xi1> to vector<16xi32>
    %sign3A_805 = arith.constant 0 : i32
    %sign3A_806 = vector.broadcast %sign3A_805 : i32 to vector<16xi32>
    %sign3A_807 = arith.cmpi slt, %iota3A, %sign3A_806 : vector<16xi32>
    %sign3A_808 = arith.extui %sign3A_807 : vector<16xi1> to vector<16xi32>
    %sign3A_809 = arith.subi %sign3A_804, %sign3A_808 : vector<16xi32>
    %sign3A_810 = arith.constant 0 : i32
    %sign3A_811 = arith.cmpi sgt, %jit3A_798, %sign3A_810 : i32
    %sign3A_812 = arith.extui %sign3A_811 : i1 to i32
    %sign3A_813 = arith.constant 0 : i32
    %sign3A_814 = arith.cmpi slt, %jit3A_798, %sign3A_813 : i32
    %sign3A_815 = arith.extui %sign3A_814 : i1 to i32
    %sign3A_816 = arith.subi %sign3A_812, %sign3A_815 : i32
    %ne3A_817 = vector.broadcast %sign3A_816 : i32 to vector<16xi32>
    %ne3A_818 = arith.cmpi ne, %sign3A_809, %ne3A_817 : vector<16xi32>
    %rem3A_819 = vector.broadcast %jit3A_798 : i32 to vector<16xi32>
    %rem3A_820 = arith.remsi %iota3A, %rem3A_819 : vector<16xi32>
    %ne3A_821 = arith.constant 0 : i32
    %ne3A_822 = vector.broadcast %ne3A_821 : i32 to vector<16xi32>
    %ne3A_823 = arith.cmpi ne, %rem3A_820, %ne3A_822 : vector<16xi32>
    %and3A_824 = arith.andi %ne3A_818, %ne3A_823 : vector<16xi1>
    %sub3A_825 = arith.constant 1 : i32
    %sub3A_826 = vector.broadcast %sub3A_825 : i32 to vector<16xi32>
    %sub3A_827 = arith.subi %div3A_800, %sub3A_826 : vector<16xi32>
    %select_n3A_828 = arith.select %and3A_824, %sub3A_827, %div3A_800 : vector<16xi1>, vector<16xi32>
    %add3A_829 = arith.constant 46 : i32
    %add3A_830 = vector.broadcast %add3A_829 : i32 to vector<16xi32>
    %add3A_831 = arith.addi %select_n3A_828, %add3A_830 : vector<16xi32>
    %jit3A_832 = arith.constant 8 : i32
    %div3A_833 = vector.broadcast %jit3A_832 : i32 to vector<16xi32>
    %div3A_834 = arith.divsi %iota3A, %div3A_833 : vector<16xi32>
    %sign3A_835 = arith.constant 0 : i32
    %sign3A_836 = vector.broadcast %sign3A_835 : i32 to vector<16xi32>
    %sign3A_837 = arith.cmpi sgt, %iota3A, %sign3A_836 : vector<16xi32>
    %sign3A_838 = arith.extui %sign3A_837 : vector<16xi1> to vector<16xi32>
    %sign3A_839 = arith.constant 0 : i32
    %sign3A_840 = vector.broadcast %sign3A_839 : i32 to vector<16xi32>
    %sign3A_841 = arith.cmpi slt, %iota3A, %sign3A_840 : vector<16xi32>
    %sign3A_842 = arith.extui %sign3A_841 : vector<16xi1> to vector<16xi32>
    %sign3A_843 = arith.subi %sign3A_838, %sign3A_842 : vector<16xi32>
    %sign3A_844 = arith.constant 0 : i32
    %sign3A_845 = arith.cmpi sgt, %jit3A_832, %sign3A_844 : i32
    %sign3A_846 = arith.extui %sign3A_845 : i1 to i32
    %sign3A_847 = arith.constant 0 : i32
    %sign3A_848 = arith.cmpi slt, %jit3A_832, %sign3A_847 : i32
    %sign3A_849 = arith.extui %sign3A_848 : i1 to i32
    %sign3A_850 = arith.subi %sign3A_846, %sign3A_849 : i32
    %ne3A_851 = vector.broadcast %sign3A_850 : i32 to vector<16xi32>
    %ne3A_852 = arith.cmpi ne, %sign3A_843, %ne3A_851 : vector<16xi32>
    %rem3A_853 = vector.broadcast %jit3A_832 : i32 to vector<16xi32>
    %rem3A_854 = arith.remsi %iota3A, %rem3A_853 : vector<16xi32>
    %ne3A_855 = arith.constant 0 : i32
    %ne3A_856 = vector.broadcast %ne3A_855 : i32 to vector<16xi32>
    %ne3A_857 = arith.cmpi ne, %rem3A_854, %ne3A_856 : vector<16xi32>
    %and3A_858 = arith.andi %ne3A_852, %ne3A_857 : vector<16xi1>
    %sub3A_859 = arith.constant 1 : i32
    %sub3A_860 = vector.broadcast %sub3A_859 : i32 to vector<16xi32>
    %sub3A_861 = arith.subi %div3A_834, %sub3A_860 : vector<16xi32>
    %select_n3A_862 = arith.select %and3A_858, %sub3A_861, %div3A_834 : vector<16xi1>, vector<16xi32>
    %add3A_863 = arith.constant 48 : i32
    %add3A_864 = vector.broadcast %add3A_863 : i32 to vector<16xi32>
    %add3A_865 = arith.addi %select_n3A_862, %add3A_864 : vector<16xi32>
    %jit3A_866 = arith.constant 8 : i32
    %div3A_867 = vector.broadcast %jit3A_866 : i32 to vector<16xi32>
    %div3A_868 = arith.divsi %iota3A, %div3A_867 : vector<16xi32>
    %sign3A_869 = arith.constant 0 : i32
    %sign3A_870 = vector.broadcast %sign3A_869 : i32 to vector<16xi32>
    %sign3A_871 = arith.cmpi sgt, %iota3A, %sign3A_870 : vector<16xi32>
    %sign3A_872 = arith.extui %sign3A_871 : vector<16xi1> to vector<16xi32>
    %sign3A_873 = arith.constant 0 : i32
    %sign3A_874 = vector.broadcast %sign3A_873 : i32 to vector<16xi32>
    %sign3A_875 = arith.cmpi slt, %iota3A, %sign3A_874 : vector<16xi32>
    %sign3A_876 = arith.extui %sign3A_875 : vector<16xi1> to vector<16xi32>
    %sign3A_877 = arith.subi %sign3A_872, %sign3A_876 : vector<16xi32>
    %sign3A_878 = arith.constant 0 : i32
    %sign3A_879 = arith.cmpi sgt, %jit3A_866, %sign3A_878 : i32
    %sign3A_880 = arith.extui %sign3A_879 : i1 to i32
    %sign3A_881 = arith.constant 0 : i32
    %sign3A_882 = arith.cmpi slt, %jit3A_866, %sign3A_881 : i32
    %sign3A_883 = arith.extui %sign3A_882 : i1 to i32
    %sign3A_884 = arith.subi %sign3A_880, %sign3A_883 : i32
    %ne3A_885 = vector.broadcast %sign3A_884 : i32 to vector<16xi32>
    %ne3A_886 = arith.cmpi ne, %sign3A_877, %ne3A_885 : vector<16xi32>
    %rem3A_887 = vector.broadcast %jit3A_866 : i32 to vector<16xi32>
    %rem3A_888 = arith.remsi %iota3A, %rem3A_887 : vector<16xi32>
    %ne3A_889 = arith.constant 0 : i32
    %ne3A_890 = vector.broadcast %ne3A_889 : i32 to vector<16xi32>
    %ne3A_891 = arith.cmpi ne, %rem3A_888, %ne3A_890 : vector<16xi32>
    %and3A_892 = arith.andi %ne3A_886, %ne3A_891 : vector<16xi1>
    %sub3A_893 = arith.constant 1 : i32
    %sub3A_894 = vector.broadcast %sub3A_893 : i32 to vector<16xi32>
    %sub3A_895 = arith.subi %div3A_868, %sub3A_894 : vector<16xi32>
    %select_n3A_896 = arith.select %and3A_892, %sub3A_895, %div3A_868 : vector<16xi1>, vector<16xi32>
    %add3A_897 = arith.constant 50 : i32
    %add3A_898 = vector.broadcast %add3A_897 : i32 to vector<16xi32>
    %add3A_899 = arith.addi %select_n3A_896, %add3A_898 : vector<16xi32>
    %mul3A_900 = arith.constant 512 : i32
    %mul3A_901 = arith.muli %add3A, %mul3A_900 : i32
    "tpu.region"() ({
      %run_scoped3A = tpu.sem_alloc : memref<!tpu.dma_semaphore, #tpu.memory_space<semaphore_mem>>
      %dma_start3A_1076 = arith.constant 0 : i32
      %dma_start3A_1077 = tpu.memref_slice %arg2[%dma_start3A_1076, %mul3A_901] : memref<26x16384xi32, #tpu.memory_space<hbm>> -> memref<26x512xi32, #tpu.memory_space<hbm>>
      %dma_start3A_1078 = arith.constant 0 : i32
      %dma_start3A_1079 = tpu.memref_slice %arg2[%dma_start3A_1078, %mul3A_901] : memref<26x16384xi32, #tpu.memory_space<hbm>> -> memref<26x512xi32, #tpu.memory_space<hbm>>
      tpu.enqueue_dma source(%dma_start3A_1079 : memref<26x512xi32, #tpu.memory_space<hbm>>) target(%arg5 : memref<26x512xi32, #tpu.memory_space<vmem>>) target_semaphore(%run_scoped3A : memref<!tpu.dma_semaphore, #tpu.memory_space<semaphore_mem>>)
      %dma_wait3A_1080 = arith.constant 0 : i32
      %dma_wait3A_1081 = tpu.memref_slice %arg2[%dma_wait3A_1080, %mul3A_901] : memref<26x16384xi32, #tpu.memory_space<hbm>> -> memref<26x512xi32, #tpu.memory_space<hbm>>
      %dma_wait3A_1082 = arith.constant 0 : i32
      %dma_wait3A_1083 = tpu.memref_slice %arg2[%dma_wait3A_1082, %mul3A_901] : memref<26x16384xi32, #tpu.memory_space<hbm>> -> memref<26x512xi32, #tpu.memory_space<hbm>>
      tpu.wait_dma2 semaphore(%run_scoped3A : memref<!tpu.dma_semaphore, #tpu.memory_space<semaphore_mem>>) src(%dma_wait3A_1083 : memref<26x512xi32, #tpu.memory_space<hbm>>) dst(%arg5 : memref<26x512xi32, #tpu.memory_space<vmem>>)
      tpu.yield
    }) : () -> ()
    %dma_start3A = arith.constant 0 : i32
    %dma_start3A_902 = arith.constant 0 : i32
    %dma_start3A_903 = arith.constant 0 : i32
    %dma_start3A_904 = arith.constant 0 : i32
    %dma_start3A_905 = tpu.memref_slice %arg6[%dma_start3A_902, %dma_start3A_903, %dma_start3A_904] : memref<2x832x32xf32, #tpu.memory_space<vmem>> -> memref<1x64x32xf32, #tpu.memory_space<vmem>>
    %dma_start3A_906 = tpu.memref_squeeze %dma_start3A_905 : memref<1x64x32xf32, #tpu.memory_space<vmem>> -> memref<64x32xf32, #tpu.memory_space<vmem>>
    %dma_start3A_907 = arith.constant 0 : i32
    %dma_start3A_908 = tpu.memref_slice %arg5[%dma_start3A, %dma_start3A_907] : memref<26x512xi32, #tpu.memory_space<vmem>> -> memref<1x64xi32, #tpu.memory_space<vmem>>
    %dma_start3A_909 = tpu.memref_squeeze %dma_start3A_908 : memref<1x64xi32, #tpu.memory_space<vmem>> -> memref<64xi32, #tpu.memory_space<vmem>>
    %dma_start3A_910 = arith.constant 0 : i32
    %dma_start3A_911 = arith.constant 0 : i32
    %dma_start3A_912 = tpu.memref_slice %arg3[%dma_start3A_910, %dma_start3A_911] : memref<1015808x32xf32, #tpu.memory_space<hbm>> -> memref<1015808x32xf32, #tpu.memory_space<hbm>>
    tpu.enqueue_indirect_dma source(%dma_start3A_912 : memref<1015808x32xf32, #tpu.memory_space<hbm>>) target(%dma_start3A_906 : memref<64x32xf32, #tpu.memory_space<vmem>>) offsets(%dma_start3A_909 : memref<64xi32, #tpu.memory_space<vmem>>) semaphore(%arg8 : memref<!tpu.dma_semaphore, #tpu.memory_space<semaphore_mem>>)
    %dma_start3A_913 = arith.constant 1 : i32
    %dma_start3A_914 = arith.constant 0 : i32
    %dma_start3A_915 = arith.constant 64 : i32
    %dma_start3A_916 = arith.constant 0 : i32
    %dma_start3A_917 = tpu.memref_slice %arg6[%dma_start3A_914, %dma_start3A_915, %dma_start3A_916] : memref<2x832x32xf32, #tpu.memory_space<vmem>> -> memref<1x64x32xf32, #tpu.memory_space<vmem>>
    %dma_start3A_918 = tpu.memref_squeeze %dma_start3A_917 : memref<1x64x32xf32, #tpu.memory_space<vmem>> -> memref<64x32xf32, #tpu.memory_space<vmem>>
    %dma_start3A_919 = arith.constant 0 : i32
    %dma_start3A_920 = tpu.memref_slice %arg5[%dma_start3A_913, %dma_start3A_919] : memref<26x512xi32, #tpu.memory_space<vmem>> -> memref<1x64xi32, #tpu.memory_space<vmem>>
    %dma_start3A_921 = tpu.memref_squeeze %dma_start3A_920 : memref<1x64xi32, #tpu.memory_space<vmem>> -> memref<64xi32, #tpu.memory_space<vmem>>
    %dma_start3A_922 = arith.constant 0 : i32
    %dma_start3A_923 = arith.constant 0 : i32
    %dma_start3A_924 = tpu.memref_slice %arg3[%dma_start3A_922, %dma_start3A_923] : memref<1015808x32xf32, #tpu.memory_space<hbm>> -> memref<1015808x32xf32, #tpu.memory_space<hbm>>
    tpu.enqueue_indirect_dma source(%dma_start3A_924 : memref<1015808x32xf32, #tpu.memory_space<hbm>>) target(%dma_start3A_918 : memref<64x32xf32, #tpu.memory_space<vmem>>) offsets(%dma_start3A_921 : memref<64xi32, #tpu.memory_space<vmem>>) semaphore(%arg8 : memref<!tpu.dma_semaphore, #tpu.memory_space<semaphore_mem>>)
    %dma_start3A_925 = arith.constant 2 : i32
    %dma_start3A_926 = arith.constant 0 : i32
    %dma_start3A_927 = arith.constant 128 : i32
    %dma_start3A_928 = arith.constant 0 : i32
    %dma_start3A_929 = tpu.memref_slice %arg6[%dma_start3A_926, %dma_start3A_927, %dma_start3A_928] : memref<2x832x32xf32, #tpu.memory_space<vmem>> -> memref<1x64x32xf32, #tpu.memory_space<vmem>>
    %dma_start3A_930 = tpu.memref_squeeze %dma_start3A_929 : memref<1x64x32xf32, #tpu.memory_space<vmem>> -> memref<64x32xf32, #tpu.memory_space<vmem>>
    %dma_start3A_931 = arith.constant 0 : i32
    %dma_start3A_932 = tpu.memref_slice %arg5[%dma_start3A_925, %dma_start3A_931] : memref<26x512xi32, #tpu.memory_space<vmem>> -> memref<1x64xi32, #tpu.memory_space<vmem>>
    %dma_start3A_933 = tpu.memref_squeeze %dma_start3A_932 : memref<1x64xi32, #tpu.memory_space<vmem>> -> memref<64xi32, #tpu.memory_space<vmem>>
    %dma_start3A_934 = arith.constant 0 : i32
    %dma_start3A_935 = arith.constant 0 : i32
    %dma_start3A_936 = tpu.memref_slice %arg3[%dma_start3A_934, %dma_start3A_935] : memref<1015808x32xf32, #tpu.memory_space<hbm>> -> memref<1015808x32xf32, #tpu.memory_space<hbm>>
    tpu.enqueue_indirect_dma source(%dma_start3A_936 : memref<1015808x32xf32, #tpu.memory_space<hbm>>) target(%dma_start3A_930 : memref<64x32xf32, #tpu.memory_space<vmem>>) offsets(%dma_start3A_933 : memref<64xi32, #tpu.memory_space<vmem>>) semaphore(%arg8 : memref<!tpu.dma_semaphore, #tpu.memory_space<semaphore_mem>>)
    %dma_start3A_937 = arith.constant 3 : i32
    %dma_start3A_938 = arith.constant 0 : i32
    %dma_start3A_939 = arith.constant 192 : i32
    %dma_start3A_940 = arith.constant 0 : i32
    %dma_start3A_941 = tpu.memref_slice %arg6[%dma_start3A_938, %dma_start3A_939, %dma_start3A_940] : memref<2x832x32xf32, #tpu.memory_space<vmem>> -> memref<1x64x32xf32, #tpu.memory_space<vmem>>
    %dma_start3A_942 = tpu.memref_squeeze %dma_start3A_941 : memref<1x64x32xf32, #tpu.memory_space<vmem>> -> memref<64x32xf32, #tpu.memory_space<vmem>>
    %dma_start3A_943 = arith.constant 0 : i32
    %dma_start3A_944 = tpu.memref_slice %arg5[%dma_start3A_937, %dma_start3A_943] : memref<26x512xi32, #tpu.memory_space<vmem>> -> memref<1x64xi32, #tpu.memory_space<vmem>>
    %dma_start3A_945 = tpu.memref_squeeze %dma_start3A_944 : memref<1x64xi32, #tpu.memory_space<vmem>> -> memref<64xi32, #tpu.memory_space<vmem>>
    %dma_start3A_946 = arith.constant 0 : i32
    %dma_start3A_947 = arith.constant 0 : i32
    %dma_start3A_948 = tpu.memref_slice %arg3[%dma_start3A_946, %dma_start3A_947] : memref<1015808x32xf32, #tpu.memory_space<hbm>> -> memref<1015808x32xf32, #tpu.memory_space<hbm>>
    tpu.enqueue_indirect_dma source(%dma_start3A_948 : memref<1015808x32xf32, #tpu.memory_space<hbm>>) target(%dma_start3A_942 : memref<64x32xf32, #tpu.memory_space<vmem>>) offsets(%dma_start3A_945 : memref<64xi32, #tpu.memory_space<vmem>>) semaphore(%arg8 : memref<!tpu.dma_semaphore, #tpu.memory_space<semaphore_mem>>)
    %dma_start3A_949 = arith.constant 4 : i32
    %dma_start3A_950 = arith.constant 0 : i32
    %dma_start3A_951 = arith.constant 256 : i32
    %dma_start3A_952 = arith.constant 0 : i32
    %dma_start3A_953 = tpu.memref_slice %arg6[%dma_start3A_950, %dma_start3A_951, %dma_start3A_952] : memref<2x832x32xf32, #tpu.memory_space<vmem>> -> memref<1x64x32xf32, #tpu.memory_space<vmem>>
    %dma_start3A_954 = tpu.memref_squeeze %dma_start3A_953 : memref<1x64x32xf32, #tpu.memory_space<vmem>> -> memref<64x32xf32, #tpu.memory_space<vmem>>
    %dma_start3A_955 = arith.constant 0 : i32
    %dma_start3A_956 = tpu.memref_slice %arg5[%dma_start3A_949, %dma_start3A_955] : memref<26x512xi32, #tpu.memory_space<vmem>> -> memref<1x64xi32, #tpu.memory_space<vmem>>
    %dma_start3A_957 = tpu.memref_squeeze %dma_start3A_956 : memref<1x64xi32, #tpu.memory_space<vmem>> -> memref<64xi32, #tpu.memory_space<vmem>>
    %dma_start3A_958 = arith.constant 0 : i32
    %dma_start3A_959 = arith.constant 0 : i32
    %dma_start3A_960 = tpu.memref_slice %arg3[%dma_start3A_958, %dma_start3A_959] : memref<1015808x32xf32, #tpu.memory_space<hbm>> -> memref<1015808x32xf32, #tpu.memory_space<hbm>>
    tpu.enqueue_indirect_dma source(%dma_start3A_960 : memref<1015808x32xf32, #tpu.memory_space<hbm>>) target(%dma_start3A_954 : memref<64x32xf32, #tpu.memory_space<vmem>>) offsets(%dma_start3A_957 : memref<64xi32, #tpu.memory_space<vmem>>) semaphore(%arg8 : memref<!tpu.dma_semaphore, #tpu.memory_space<semaphore_mem>>)
    %dma_start3A_961 = arith.constant 5 : i32
    %dma_start3A_962 = arith.constant 0 : i32
    %dma_start3A_963 = arith.constant 320 : i32
    %dma_start3A_964 = arith.constant 0 : i32
    %dma_start3A_965 = tpu.memref_slice %arg6[%dma_start3A_962, %dma_start3A_963, %dma_start3A_964] : memref<2x832x32xf32, #tpu.memory_space<vmem>> -> memref<1x64x32xf32, #tpu.memory_space<vmem>>
    %dma_start3A_966 = tpu.memref_squeeze %dma_start3A_965 : memref<1x64x32xf32, #tpu.memory_space<vmem>> -> memref<64x32xf32, #tpu.memory_space<vmem>>
    %dma_start3A_967 = arith.constant 0 : i32
    %dma_start3A_968 = tpu.memref_slice %arg5[%dma_start3A_961, %dma_start3A_967] : memref<26x512xi32, #tpu.memory_space<vmem>> -> memref<1x64xi32, #tpu.memory_space<vmem>>
    %dma_start3A_969 = tpu.memref_squeeze %dma_start3A_968 : memref<1x64xi32, #tpu.memory_space<vmem>> -> memref<64xi32, #tpu.memory_space<vmem>>
    %dma_start3A_970 = arith.constant 0 : i32
    %dma_start3A_971 = arith.constant 0 : i32
    %dma_start3A_972 = tpu.memref_slice %arg3[%dma_start3A_970, %dma_start3A_971] : memref<1015808x32xf32, #tpu.memory_space<hbm>> -> memref<1015808x32xf32, #tpu.memory_space<hbm>>
    tpu.enqueue_indirect_dma source(%dma_start3A_972 : memref<1015808x32xf32, #tpu.memory_space<hbm>>) target(%dma_start3A_966 : memref<64x32xf32, #tpu.memory_space<vmem>>) offsets(%dma_start3A_969 : memref<64xi32, #tpu.memory_space<vmem>>) semaphore(%arg8 : memref<!tpu.dma_semaphore, #tpu.memory_space<semaphore_mem>>)
    %dma_start3A_973 = arith.constant 6 : i32
    %dma_start3A_974 = arith.constant 0 : i32
    %dma_start3A_975 = arith.constant 384 : i32
    %dma_start3A_976 = arith.constant 0 : i32
    %dma_start3A_977 = tpu.memref_slice %arg6[%dma_start3A_974, %dma_start3A_975, %dma_start3A_976] : memref<2x832x32xf32, #tpu.memory_space<vmem>> -> memref<1x64x32xf32, #tpu.memory_space<vmem>>
    %dma_start3A_978 = tpu.memref_squeeze %dma_start3A_977 : memref<1x64x32xf32, #tpu.memory_space<vmem>> -> memref<64x32xf32, #tpu.memory_space<vmem>>
    %dma_start3A_979 = arith.constant 0 : i32
    %dma_start3A_980 = tpu.memref_slice %arg5[%dma_start3A_973, %dma_start3A_979] : memref<26x512xi32, #tpu.memory_space<vmem>> -> memref<1x64xi32, #tpu.memory_space<vmem>>
    %dma_start3A_981 = tpu.memref_squeeze %dma_start3A_980 : memref<1x64xi32, #tpu.memory_space<vmem>> -> memref<64xi32, #tpu.memory_space<vmem>>
    %dma_start3A_982 = arith.constant 0 : i32
    %dma_start3A_983 = arith.constant 0 : i32
    %dma_start3A_984 = tpu.memref_slice %arg3[%dma_start3A_982, %dma_start3A_983] : memref<1015808x32xf32, #tpu.memory_space<hbm>> -> memref<1015808x32xf32, #tpu.memory_space<hbm>>
    tpu.enqueue_indirect_dma source(%dma_start3A_984 : memref<1015808x32xf32, #tpu.memory_space<hbm>>) target(%dma_start3A_978 : memref<64x32xf32, #tpu.memory_space<vmem>>) offsets(%dma_start3A_981 : memref<64xi32, #tpu.memory_space<vmem>>) semaphore(%arg8 : memref<!tpu.dma_semaphore, #tpu.memory_space<semaphore_mem>>)
    %dma_start3A_985 = arith.constant 7 : i32
    %dma_start3A_986 = arith.constant 0 : i32
    %dma_start3A_987 = arith.constant 448 : i32
    %dma_start3A_988 = arith.constant 0 : i32
    %dma_start3A_989 = tpu.memref_slice %arg6[%dma_start3A_986, %dma_start3A_987, %dma_start3A_988] : memref<2x832x32xf32, #tpu.memory_space<vmem>> -> memref<1x64x32xf32, #tpu.memory_space<vmem>>
    %dma_start3A_990 = tpu.memref_squeeze %dma_start3A_989 : memref<1x64x32xf32, #tpu.memory_space<vmem>> -> memref<64x32xf32, #tpu.memory_space<vmem>>
    %dma_start3A_991 = arith.constant 0 : i32
    %dma_start3A_992 = tpu.memref_slice %arg5[%dma_start3A_985, %dma_start3A_991] : memref<26x512xi32, #tpu.memory_space<vmem>> -> memref<1x64xi32, #tpu.memory_space<vmem>>
    %dma_start3A_993 = tpu.memref_squeeze %dma_start3A_992 : memref<1x64xi32, #tpu.memory_space<vmem>> -> memref<64xi32, #tpu.memory_space<vmem>>
    %dma_start3A_994 = arith.constant 0 : i32
    %dma_start3A_995 = arith.constant 0 : i32
    %dma_start3A_996 = tpu.memref_slice %arg3[%dma_start3A_994, %dma_start3A_995] : memref<1015808x32xf32, #tpu.memory_space<hbm>> -> memref<1015808x32xf32, #tpu.memory_space<hbm>>
    tpu.enqueue_indirect_dma source(%dma_start3A_996 : memref<1015808x32xf32, #tpu.memory_space<hbm>>) target(%dma_start3A_990 : memref<64x32xf32, #tpu.memory_space<vmem>>) offsets(%dma_start3A_993 : memref<64xi32, #tpu.memory_space<vmem>>) semaphore(%arg8 : memref<!tpu.dma_semaphore, #tpu.memory_space<semaphore_mem>>)
    %dma_start3A_997 = arith.constant 8 : i32
    %dma_start3A_998 = arith.constant 0 : i32
    %dma_start3A_999 = arith.constant 512 : i32
    %dma_start3A_1000 = arith.constant 0 : i32
    %dma_start3A_1001 = tpu.memref_slice %arg6[%dma_start3A_998, %dma_start3A_999, %dma_start3A_1000] : memref<2x832x32xf32, #tpu.memory_space<vmem>> -> memref<1x64x32xf32, #tpu.memory_space<vmem>>
    %dma_start3A_1002 = tpu.memref_squeeze %dma_start3A_1001 : memref<1x64x32xf32, #tpu.memory_space<vmem>> -> memref<64x32xf32, #tpu.memory_space<vmem>>
    %dma_start3A_1003 = arith.constant 0 : i32
    %dma_start3A_1004 = tpu.memref_slice %arg5[%dma_start3A_997, %dma_start3A_1003] : memref<26x512xi32, #tpu.memory_space<vmem>> -> memref<1x64xi32, #tpu.memory_space<vmem>>
    %dma_start3A_1005 = tpu.memref_squeeze %dma_start3A_1004 : memref<1x64xi32, #tpu.memory_space<vmem>> -> memref<64xi32, #tpu.memory_space<vmem>>
    %dma_start3A_1006 = arith.constant 0 : i32
    %dma_start3A_1007 = arith.constant 0 : i32
    %dma_start3A_1008 = tpu.memref_slice %arg3[%dma_start3A_1006, %dma_start3A_1007] : memref<1015808x32xf32, #tpu.memory_space<hbm>> -> memref<1015808x32xf32, #tpu.memory_space<hbm>>
    tpu.enqueue_indirect_dma source(%dma_start3A_1008 : memref<1015808x32xf32, #tpu.memory_space<hbm>>) target(%dma_start3A_1002 : memref<64x32xf32, #tpu.memory_space<vmem>>) offsets(%dma_start3A_1005 : memref<64xi32, #tpu.memory_space<vmem>>) semaphore(%arg8 : memref<!tpu.dma_semaphore, #tpu.memory_space<semaphore_mem>>)
    %dma_start3A_1009 = arith.constant 9 : i32
    %dma_start3A_1010 = arith.constant 0 : i32
    %dma_start3A_1011 = arith.constant 576 : i32
    %dma_start3A_1012 = arith.constant 0 : i32
    %dma_start3A_1013 = tpu.memref_slice %arg6[%dma_start3A_1010, %dma_start3A_1011, %dma_start3A_1012] : memref<2x832x32xf32, #tpu.memory_space<vmem>> -> memref<1x64x32xf32, #tpu.memory_space<vmem>>
    %dma_start3A_1014 = tpu.memref_squeeze %dma_start3A_1013 : memref<1x64x32xf32, #tpu.memory_space<vmem>> -> memref<64x32xf32, #tpu.memory_space<vmem>>
    %dma_start3A_1015 = arith.constant 0 : i32
    %dma_start3A_1016 = tpu.memref_slice %arg5[%dma_start3A_1009, %dma_start3A_1015] : memref<26x512xi32, #tpu.memory_space<vmem>> -> memref<1x64xi32, #tpu.memory_space<vmem>>
    %dma_start3A_1017 = tpu.memref_squeeze %dma_start3A_1016 : memref<1x64xi32, #tpu.memory_space<vmem>> -> memref<64xi32, #tpu.memory_space<vmem>>
    %dma_start3A_1018 = arith.constant 0 : i32
    %dma_start3A_1019 = arith.constant 0 : i32
    %dma_start3A_1020 = tpu.memref_slice %arg3[%dma_start3A_1018, %dma_start3A_1019] : memref<1015808x32xf32, #tpu.memory_space<hbm>> -> memref<1015808x32xf32, #tpu.memory_space<hbm>>
    tpu.enqueue_indirect_dma source(%dma_start3A_1020 : memref<1015808x32xf32, #tpu.memory_space<hbm>>) target(%dma_start3A_1014 : memref<64x32xf32, #tpu.memory_space<vmem>>) offsets(%dma_start3A_1017 : memref<64xi32, #tpu.memory_space<vmem>>) semaphore(%arg8 : memref<!tpu.dma_semaphore, #tpu.memory_space<semaphore_mem>>)
    %dma_start3A_1021 = arith.constant 10 : i32
    %dma_start3A_1022 = arith.constant 0 : i32
    %dma_start3A_1023 = arith.constant 640 : i32
    %dma_start3A_1024 = arith.constant 0 : i32
    %dma_start3A_1025 = tpu.memref_slice %arg6[%dma_start3A_1022, %dma_start3A_1023, %dma_start3A_1024] : memref<2x832x32xf32, #tpu.memory_space<vmem>> -> memref<1x64x32xf32, #tpu.memory_space<vmem>>
    %dma_start3A_1026 = tpu.memref_squeeze %dma_start3A_1025 : memref<1x64x32xf32, #tpu.memory_space<vmem>> -> memref<64x32xf32, #tpu.memory_space<vmem>>
    %dma_start3A_1027 = arith.constant 0 : i32
    %dma_start3A_1028 = tpu.memref_slice %arg5[%dma_start3A_1021, %dma_start3A_1027] : memref<26x512xi32, #tpu.memory_space<vmem>> -> memref<1x64xi32, #tpu.memory_space<vmem>>
    %dma_start3A_1029 = tpu.memref_squeeze %dma_start3A_1028 : memref<1x64xi32, #tpu.memory_space<vmem>> -> memref<64xi32, #tpu.memory_space<vmem>>
    %dma_start3A_1030 = arith.constant 0 : i32
    %dma_start3A_1031 = arith.constant 0 : i32
    %dma_start3A_1032 = tpu.memref_slice %arg3[%dma_start3A_1030, %dma_start3A_1031] : memref<1015808x32xf32, #tpu.memory_space<hbm>> -> memref<1015808x32xf32, #tpu.memory_space<hbm>>
    tpu.enqueue_indirect_dma source(%dma_start3A_1032 : memref<1015808x32xf32, #tpu.memory_space<hbm>>) target(%dma_start3A_1026 : memref<64x32xf32, #tpu.memory_space<vmem>>) offsets(%dma_start3A_1029 : memref<64xi32, #tpu.memory_space<vmem>>) semaphore(%arg8 : memref<!tpu.dma_semaphore, #tpu.memory_space<semaphore_mem>>)
    %dma_start3A_1033 = arith.constant 11 : i32
    %dma_start3A_1034 = arith.constant 0 : i32
    %dma_start3A_1035 = arith.constant 704 : i32
    %dma_start3A_1036 = arith.constant 0 : i32
    %dma_start3A_1037 = tpu.memref_slice %arg6[%dma_start3A_1034, %dma_start3A_1035, %dma_start3A_1036] : memref<2x832x32xf32, #tpu.memory_space<vmem>> -> memref<1x64x32xf32, #tpu.memory_space<vmem>>
    %dma_start3A_1038 = tpu.memref_squeeze %dma_start3A_1037 : memref<1x64x32xf32, #tpu.memory_space<vmem>> -> memref<64x32xf32, #tpu.memory_space<vmem>>
    %dma_start3A_1039 = arith.constant 0 : i32
    %dma_start3A_1040 = tpu.memref_slice %arg5[%dma_start3A_1033, %dma_start3A_1039] : memref<26x512xi32, #tpu.memory_space<vmem>> -> memref<1x64xi32, #tpu.memory_space<vmem>>
    %dma_start3A_1041 = tpu.memref_squeeze %dma_start3A_1040 : memref<1x64xi32, #tpu.memory_space<vmem>> -> memref<64xi32, #tpu.memory_space<vmem>>
    %dma_start3A_1042 = arith.constant 0 : i32
    %dma_start3A_1043 = arith.constant 0 : i32
    %dma_start3A_1044 = tpu.memref_slice %arg3[%dma_start3A_1042, %dma_start3A_1043] : memref<1015808x32xf32, #tpu.memory_space<hbm>> -> memref<1015808x32xf32, #tpu.memory_space<hbm>>
    tpu.enqueue_indirect_dma source(%dma_start3A_1044 : memref<1015808x32xf32, #tpu.memory_space<hbm>>) target(%dma_start3A_1038 : memref<64x32xf32, #tpu.memory_space<vmem>>) offsets(%dma_start3A_1041 : memref<64xi32, #tpu.memory_space<vmem>>) semaphore(%arg8 : memref<!tpu.dma_semaphore, #tpu.memory_space<semaphore_mem>>)
    %dma_start3A_1045 = arith.constant 12 : i32
    %dma_start3A_1046 = arith.constant 0 : i32
    %dma_start3A_1047 = arith.constant 768 : i32
    %dma_start3A_1048 = arith.constant 0 : i32
    %dma_start3A_1049 = tpu.memref_slice %arg6[%dma_start3A_1046, %dma_start3A_1047, %dma_start3A_1048] : memref<2x832x32xf32, #tpu.memory_space<vmem>> -> memref<1x64x32xf32, #tpu.memory_space<vmem>>
    %dma_start3A_1050 = tpu.memref_squeeze %dma_start3A_1049 : memref<1x64x32xf32, #tpu.memory_space<vmem>> -> memref<64x32xf32, #tpu.memory_space<vmem>>
    %dma_start3A_1051 = arith.constant 0 : i32
    %dma_start3A_1052 = tpu.memref_slice %arg5[%dma_start3A_1045, %dma_start3A_1051] : memref<26x512xi32, #tpu.memory_space<vmem>> -> memref<1x64xi32, #tpu.memory_space<vmem>>
    %dma_start3A_1053 = tpu.memref_squeeze %dma_start3A_1052 : memref<1x64xi32, #tpu.memory_space<vmem>> -> memref<64xi32, #tpu.memory_space<vmem>>
    %dma_start3A_1054 = arith.constant 0 : i32
    %dma_start3A_1055 = arith.constant 0 : i32
    %dma_start3A_1056 = tpu.memref_slice %arg3[%dma_start3A_1054, %dma_start3A_1055] : memref<1015808x32xf32, #tpu.memory_space<hbm>> -> memref<1015808x32xf32, #tpu.memory_space<hbm>>
    tpu.enqueue_indirect_dma source(%dma_start3A_1056 : memref<1015808x32xf32, #tpu.memory_space<hbm>>) target(%dma_start3A_1050 : memref<64x32xf32, #tpu.memory_space<vmem>>) offsets(%dma_start3A_1053 : memref<64xi32, #tpu.memory_space<vmem>>) semaphore(%arg8 : memref<!tpu.dma_semaphore, #tpu.memory_space<semaphore_mem>>)
    %scan3A = arith.constant 0 : i32
    %scan3A_1057 = arith.constant 16 : i32
    %scan3A_1058 = arith.addi %scan3A, %scan3A_1057 : i32
    %scan3A_1059 = arith.constant 1 : i32
    scf.for %scan3A_1076 = %scan3A to %scan3A_1058 step %scan3A_1059  : i32 {
      %and3A_1077 = arith.constant 1 : i32
      %and3A_1078 = arith.andi %scan3A_1076, %and3A_1077 : i32
      %add3A_1079 = arith.constant 1 : i32
      %add3A_1080 = arith.addi %scan3A_1076, %add3A_1079 : i32
      %lt3A_1081 = arith.constant 16 : i32
      %lt3A_1082 = arith.cmpi slt, %add3A_1080, %lt3A_1081 : i32
      %convert_element_type3A = arith.extui %lt3A_1082 : i1 to i32
      %cond3A = arith.constant 0 : i32
      %cond3A_1083 = arith.cmpi ne, %convert_element_type3A, %cond3A : i32
      scf.if %cond3A_1083 {
        %add3A_1159 = arith.constant 1 : i32
        %add3A_1160 = arith.addi %scan3A_1076, %add3A_1159 : i32
        %sub3A_1161 = arith.constant 1 : i32
        %sub3A_1162 = arith.subi %sub3A_1161, %and3A_1078 : i32
        %shift_right_arithmetic3A_1163 = arith.constant 2 : i32
        %shift_right_arithmetic3A_1164 = arith.shrsi %add3A_1160, %shift_right_arithmetic3A_1163 : i32
        %mul3A_1165 = arith.constant 128 : i32
        %mul3A_1166 = arith.muli %shift_right_arithmetic3A_1164, %mul3A_1165 : i32
        %and3A_1167 = arith.constant 1 : i32
        %and3A_1168 = arith.andi %add3A_1160, %and3A_1167 : i32
        %mul3A_1169 = arith.constant 64 : i32
        %mul3A_1170 = arith.muli %and3A_1168, %mul3A_1169 : i32
        %add3A_1171 = arith.addi %mul3A_1166, %mul3A_1170 : i32
        %shift_right_arithmetic3A_1172 = arith.constant 1 : i32
        %shift_right_arithmetic3A_1173 = arith.shrsi %add3A_1160, %shift_right_arithmetic3A_1172 : i32
        %and3A_1174 = arith.constant 1 : i32
        %and3A_1175 = arith.andi %shift_right_arithmetic3A_1173, %and3A_1174 : i32
        %mul3A_1176 = arith.constant 13 : i32
        %mul3A_1177 = arith.muli %and3A_1175, %mul3A_1176 : i32
        %add3A_1178 = arith.constant 0 : i32
        %add3A_1179 = arith.addi %mul3A_1177, %add3A_1178 : i32
        %dma_start3A_1180 = arith.constant 0 : i32
        %dma_start3A_1181 = arith.constant 0 : i32
        %dma_start3A_1182 = tpu.memref_slice %arg6[%sub3A_1162, %dma_start3A_1180, %dma_start3A_1181] : memref<2x832x32xf32, #tpu.memory_space<vmem>> -> memref<1x64x32xf32, #tpu.memory_space<vmem>>
        %dma_start3A_1183 = tpu.memref_squeeze %dma_start3A_1182 : memref<1x64x32xf32, #tpu.memory_space<vmem>> -> memref<64x32xf32, #tpu.memory_space<vmem>>
        %dma_start3A_1184 = tpu.memref_slice %arg5[%add3A_1179, %add3A_1171] : memref<26x512xi32, #tpu.memory_space<vmem>> -> memref<1x64xi32, #tpu.memory_space<vmem>>
        %dma_start3A_1185 = tpu.memref_squeeze %dma_start3A_1184 : memref<1x64xi32, #tpu.memory_space<vmem>> -> memref<64xi32, #tpu.memory_space<vmem>>
        %dma_start3A_1186 = arith.constant 0 : i32
        %dma_start3A_1187 = arith.constant 0 : i32
        %dma_start3A_1188 = tpu.memref_slice %arg3[%dma_start3A_1186, %dma_start3A_1187] : memref<1015808x32xf32, #tpu.memory_space<hbm>> -> memref<1015808x32xf32, #tpu.memory_space<hbm>>
        tpu.enqueue_indirect_dma source(%dma_start3A_1188 : memref<1015808x32xf32, #tpu.memory_space<hbm>>) target(%dma_start3A_1183 : memref<64x32xf32, #tpu.memory_space<vmem>>) offsets(%dma_start3A_1185 : memref<64xi32, #tpu.memory_space<vmem>>) semaphore(%arg8 : memref<!tpu.dma_semaphore, #tpu.memory_space<semaphore_mem>>)
        %mul3A_1189 = arith.constant 13 : i32
        %mul3A_1190 = arith.muli %and3A_1175, %mul3A_1189 : i32
        %add3A_1191 = arith.constant 1 : i32
        %add3A_1192 = arith.addi %mul3A_1190, %add3A_1191 : i32
        %dma_start3A_1193 = arith.constant 64 : i32
        %dma_start3A_1194 = arith.constant 0 : i32
        %dma_start3A_1195 = tpu.memref_slice %arg6[%sub3A_1162, %dma_start3A_1193, %dma_start3A_1194] : memref<2x832x32xf32, #tpu.memory_space<vmem>> -> memref<1x64x32xf32, #tpu.memory_space<vmem>>
        %dma_start3A_1196 = tpu.memref_squeeze %dma_start3A_1195 : memref<1x64x32xf32, #tpu.memory_space<vmem>> -> memref<64x32xf32, #tpu.memory_space<vmem>>
        %dma_start3A_1197 = tpu.memref_slice %arg5[%add3A_1192, %add3A_1171] : memref<26x512xi32, #tpu.memory_space<vmem>> -> memref<1x64xi32, #tpu.memory_space<vmem>>
        %dma_start3A_1198 = tpu.memref_squeeze %dma_start3A_1197 : memref<1x64xi32, #tpu.memory_space<vmem>> -> memref<64xi32, #tpu.memory_space<vmem>>
        %dma_start3A_1199 = arith.constant 0 : i32
        %dma_start3A_1200 = arith.constant 0 : i32
        %dma_start3A_1201 = tpu.memref_slice %arg3[%dma_start3A_1199, %dma_start3A_1200] : memref<1015808x32xf32, #tpu.memory_space<hbm>> -> memref<1015808x32xf32, #tpu.memory_space<hbm>>
        tpu.enqueue_indirect_dma source(%dma_start3A_1201 : memref<1015808x32xf32, #tpu.memory_space<hbm>>) target(%dma_start3A_1196 : memref<64x32xf32, #tpu.memory_space<vmem>>) offsets(%dma_start3A_1198 : memref<64xi32, #tpu.memory_space<vmem>>) semaphore(%arg8 : memref<!tpu.dma_semaphore, #tpu.memory_space<semaphore_mem>>)
        %mul3A_1202 = arith.constant 13 : i32
        %mul3A_1203 = arith.muli %and3A_1175, %mul3A_1202 : i32
        %add3A_1204 = arith.constant 2 : i32
        %add3A_1205 = arith.addi %mul3A_1203, %add3A_1204 : i32
        %dma_start3A_1206 = arith.constant 128 : i32
        %dma_start3A_1207 = arith.constant 0 : i32
        %dma_start3A_1208 = tpu.memref_slice %arg6[%sub3A_1162, %dma_start3A_1206, %dma_start3A_1207] : memref<2x832x32xf32, #tpu.memory_space<vmem>> -> memref<1x64x32xf32, #tpu.memory_space<vmem>>
        %dma_start3A_1209 = tpu.memref_squeeze %dma_start3A_1208 : memref<1x64x32xf32, #tpu.memory_space<vmem>> -> memref<64x32xf32, #tpu.memory_space<vmem>>
        %dma_start3A_1210 = tpu.memref_slice %arg5[%add3A_1205, %add3A_1171] : memref<26x512xi32, #tpu.memory_space<vmem>> -> memref<1x64xi32, #tpu.memory_space<vmem>>
        %dma_start3A_1211 = tpu.memref_squeeze %dma_start3A_1210 : memref<1x64xi32, #tpu.memory_space<vmem>> -> memref<64xi32, #tpu.memory_space<vmem>>
        %dma_start3A_1212 = arith.constant 0 : i32
        %dma_start3A_1213 = arith.constant 0 : i32
        %dma_start3A_1214 = tpu.memref_slice %arg3[%dma_start3A_1212, %dma_start3A_1213] : memref<1015808x32xf32, #tpu.memory_space<hbm>> -> memref<1015808x32xf32, #tpu.memory_space<hbm>>
        tpu.enqueue_indirect_dma source(%dma_start3A_1214 : memref<1015808x32xf32, #tpu.memory_space<hbm>>) target(%dma_start3A_1209 : memref<64x32xf32, #tpu.memory_space<vmem>>) offsets(%dma_start3A_1211 : memref<64xi32, #tpu.memory_space<vmem>>) semaphore(%arg8 : memref<!tpu.dma_semaphore, #tpu.memory_space<semaphore_mem>>)
        %mul3A_1215 = arith.constant 13 : i32
        %mul3A_1216 = arith.muli %and3A_1175, %mul3A_1215 : i32
        %add3A_1217 = arith.constant 3 : i32
        %add3A_1218 = arith.addi %mul3A_1216, %add3A_1217 : i32
        %dma_start3A_1219 = arith.constant 192 : i32
        %dma_start3A_1220 = arith.constant 0 : i32
        %dma_start3A_1221 = tpu.memref_slice %arg6[%sub3A_1162, %dma_start3A_1219, %dma_start3A_1220] : memref<2x832x32xf32, #tpu.memory_space<vmem>> -> memref<1x64x32xf32, #tpu.memory_space<vmem>>
        %dma_start3A_1222 = tpu.memref_squeeze %dma_start3A_1221 : memref<1x64x32xf32, #tpu.memory_space<vmem>> -> memref<64x32xf32, #tpu.memory_space<vmem>>
        %dma_start3A_1223 = tpu.memref_slice %arg5[%add3A_1218, %add3A_1171] : memref<26x512xi32, #tpu.memory_space<vmem>> -> memref<1x64xi32, #tpu.memory_space<vmem>>
        %dma_start3A_1224 = tpu.memref_squeeze %dma_start3A_1223 : memref<1x64xi32, #tpu.memory_space<vmem>> -> memref<64xi32, #tpu.memory_space<vmem>>
        %dma_start3A_1225 = arith.constant 0 : i32
        %dma_start3A_1226 = arith.constant 0 : i32
        %dma_start3A_1227 = tpu.memref_slice %arg3[%dma_start3A_1225, %dma_start3A_1226] : memref<1015808x32xf32, #tpu.memory_space<hbm>> -> memref<1015808x32xf32, #tpu.memory_space<hbm>>
        tpu.enqueue_indirect_dma source(%dma_start3A_1227 : memref<1015808x32xf32, #tpu.memory_space<hbm>>) target(%dma_start3A_1222 : memref<64x32xf32, #tpu.memory_space<vmem>>) offsets(%dma_start3A_1224 : memref<64xi32, #tpu.memory_space<vmem>>) semaphore(%arg8 : memref<!tpu.dma_semaphore, #tpu.memory_space<semaphore_mem>>)
        %mul3A_1228 = arith.constant 13 : i32
        %mul3A_1229 = arith.muli %and3A_1175, %mul3A_1228 : i32
        %add3A_1230 = arith.constant 4 : i32
        %add3A_1231 = arith.addi %mul3A_1229, %add3A_1230 : i32
        %dma_start3A_1232 = arith.constant 256 : i32
        %dma_start3A_1233 = arith.constant 0 : i32
        %dma_start3A_1234 = tpu.memref_slice %arg6[%sub3A_1162, %dma_start3A_1232, %dma_start3A_1233] : memref<2x832x32xf32, #tpu.memory_space<vmem>> -> memref<1x64x32xf32, #tpu.memory_space<vmem>>
        %dma_start3A_1235 = tpu.memref_squeeze %dma_start3A_1234 : memref<1x64x32xf32, #tpu.memory_space<vmem>> -> memref<64x32xf32, #tpu.memory_space<vmem>>
        %dma_start3A_1236 = tpu.memref_slice %arg5[%add3A_1231, %add3A_1171] : memref<26x512xi32, #tpu.memory_space<vmem>> -> memref<1x64xi32, #tpu.memory_space<vmem>>
        %dma_start3A_1237 = tpu.memref_squeeze %dma_start3A_1236 : memref<1x64xi32, #tpu.memory_space<vmem>> -> memref<64xi32, #tpu.memory_space<vmem>>
        %dma_start3A_1238 = arith.constant 0 : i32
        %dma_start3A_1239 = arith.constant 0 : i32
        %dma_start3A_1240 = tpu.memref_slice %arg3[%dma_start3A_1238, %dma_start3A_1239] : memref<1015808x32xf32, #tpu.memory_space<hbm>> -> memref<1015808x32xf32, #tpu.memory_space<hbm>>
        tpu.enqueue_indirect_dma source(%dma_start3A_1240 : memref<1015808x32xf32, #tpu.memory_space<hbm>>) target(%dma_start3A_1235 : memref<64x32xf32, #tpu.memory_space<vmem>>) offsets(%dma_start3A_1237 : memref<64xi32, #tpu.memory_space<vmem>>) semaphore(%arg8 : memref<!tpu.dma_semaphore, #tpu.memory_space<semaphore_mem>>)
        %mul3A_1241 = arith.constant 13 : i32
        %mul3A_1242 = arith.muli %and3A_1175, %mul3A_1241 : i32
        %add3A_1243 = arith.constant 5 : i32
        %add3A_1244 = arith.addi %mul3A_1242, %add3A_1243 : i32
        %dma_start3A_1245 = arith.constant 320 : i32
        %dma_start3A_1246 = arith.constant 0 : i32
        %dma_start3A_1247 = tpu.memref_slice %arg6[%sub3A_1162, %dma_start3A_1245, %dma_start3A_1246] : memref<2x832x32xf32, #tpu.memory_space<vmem>> -> memref<1x64x32xf32, #tpu.memory_space<vmem>>
        %dma_start3A_1248 = tpu.memref_squeeze %dma_start3A_1247 : memref<1x64x32xf32, #tpu.memory_space<vmem>> -> memref<64x32xf32, #tpu.memory_space<vmem>>
        %dma_start3A_1249 = tpu.memref_slice %arg5[%add3A_1244, %add3A_1171] : memref<26x512xi32, #tpu.memory_space<vmem>> -> memref<1x64xi32, #tpu.memory_space<vmem>>
        %dma_start3A_1250 = tpu.memref_squeeze %dma_start3A_1249 : memref<1x64xi32, #tpu.memory_space<vmem>> -> memref<64xi32, #tpu.memory_space<vmem>>
        %dma_start3A_1251 = arith.constant 0 : i32
        %dma_start3A_1252 = arith.constant 0 : i32
        %dma_start3A_1253 = tpu.memref_slice %arg3[%dma_start3A_1251, %dma_start3A_1252] : memref<1015808x32xf32, #tpu.memory_space<hbm>> -> memref<1015808x32xf32, #tpu.memory_space<hbm>>
        tpu.enqueue_indirect_dma source(%dma_start3A_1253 : memref<1015808x32xf32, #tpu.memory_space<hbm>>) target(%dma_start3A_1248 : memref<64x32xf32, #tpu.memory_space<vmem>>) offsets(%dma_start3A_1250 : memref<64xi32, #tpu.memory_space<vmem>>) semaphore(%arg8 : memref<!tpu.dma_semaphore, #tpu.memory_space<semaphore_mem>>)
        %mul3A_1254 = arith.constant 13 : i32
        %mul3A_1255 = arith.muli %and3A_1175, %mul3A_1254 : i32
        %add3A_1256 = arith.constant 6 : i32
        %add3A_1257 = arith.addi %mul3A_1255, %add3A_1256 : i32
        %dma_start3A_1258 = arith.constant 384 : i32
        %dma_start3A_1259 = arith.constant 0 : i32
        %dma_start3A_1260 = tpu.memref_slice %arg6[%sub3A_1162, %dma_start3A_1258, %dma_start3A_1259] : memref<2x832x32xf32, #tpu.memory_space<vmem>> -> memref<1x64x32xf32, #tpu.memory_space<vmem>>
        %dma_start3A_1261 = tpu.memref_squeeze %dma_start3A_1260 : memref<1x64x32xf32, #tpu.memory_space<vmem>> -> memref<64x32xf32, #tpu.memory_space<vmem>>
        %dma_start3A_1262 = tpu.memref_slice %arg5[%add3A_1257, %add3A_1171] : memref<26x512xi32, #tpu.memory_space<vmem>> -> memref<1x64xi32, #tpu.memory_space<vmem>>
        %dma_start3A_1263 = tpu.memref_squeeze %dma_start3A_1262 : memref<1x64xi32, #tpu.memory_space<vmem>> -> memref<64xi32, #tpu.memory_space<vmem>>
        %dma_start3A_1264 = arith.constant 0 : i32
        %dma_start3A_1265 = arith.constant 0 : i32
        %dma_start3A_1266 = tpu.memref_slice %arg3[%dma_start3A_1264, %dma_start3A_1265] : memref<1015808x32xf32, #tpu.memory_space<hbm>> -> memref<1015808x32xf32, #tpu.memory_space<hbm>>
        tpu.enqueue_indirect_dma source(%dma_start3A_1266 : memref<1015808x32xf32, #tpu.memory_space<hbm>>) target(%dma_start3A_1261 : memref<64x32xf32, #tpu.memory_space<vmem>>) offsets(%dma_start3A_1263 : memref<64xi32, #tpu.memory_space<vmem>>) semaphore(%arg8 : memref<!tpu.dma_semaphore, #tpu.memory_space<semaphore_mem>>)
        %mul3A_1267 = arith.constant 13 : i32
        %mul3A_1268 = arith.muli %and3A_1175, %mul3A_1267 : i32
        %add3A_1269 = arith.constant 7 : i32
        %add3A_1270 = arith.addi %mul3A_1268, %add3A_1269 : i32
        %dma_start3A_1271 = arith.constant 448 : i32
        %dma_start3A_1272 = arith.constant 0 : i32
        %dma_start3A_1273 = tpu.memref_slice %arg6[%sub3A_1162, %dma_start3A_1271, %dma_start3A_1272] : memref<2x832x32xf32, #tpu.memory_space<vmem>> -> memref<1x64x32xf32, #tpu.memory_space<vmem>>
        %dma_start3A_1274 = tpu.memref_squeeze %dma_start3A_1273 : memref<1x64x32xf32, #tpu.memory_space<vmem>> -> memref<64x32xf32, #tpu.memory_space<vmem>>
        %dma_start3A_1275 = tpu.memref_slice %arg5[%add3A_1270, %add3A_1171] : memref<26x512xi32, #tpu.memory_space<vmem>> -> memref<1x64xi32, #tpu.memory_space<vmem>>
        %dma_start3A_1276 = tpu.memref_squeeze %dma_start3A_1275 : memref<1x64xi32, #tpu.memory_space<vmem>> -> memref<64xi32, #tpu.memory_space<vmem>>
        %dma_start3A_1277 = arith.constant 0 : i32
        %dma_start3A_1278 = arith.constant 0 : i32
        %dma_start3A_1279 = tpu.memref_slice %arg3[%dma_start3A_1277, %dma_start3A_1278] : memref<1015808x32xf32, #tpu.memory_space<hbm>> -> memref<1015808x32xf32, #tpu.memory_space<hbm>>
        tpu.enqueue_indirect_dma source(%dma_start3A_1279 : memref<1015808x32xf32, #tpu.memory_space<hbm>>) target(%dma_start3A_1274 : memref<64x32xf32, #tpu.memory_space<vmem>>) offsets(%dma_start3A_1276 : memref<64xi32, #tpu.memory_space<vmem>>) semaphore(%arg8 : memref<!tpu.dma_semaphore, #tpu.memory_space<semaphore_mem>>)
        %mul3A_1280 = arith.constant 13 : i32
        %mul3A_1281 = arith.muli %and3A_1175, %mul3A_1280 : i32
        %add3A_1282 = arith.constant 8 : i32
        %add3A_1283 = arith.addi %mul3A_1281, %add3A_1282 : i32
        %dma_start3A_1284 = arith.constant 512 : i32
        %dma_start3A_1285 = arith.constant 0 : i32
        %dma_start3A_1286 = tpu.memref_slice %arg6[%sub3A_1162, %dma_start3A_1284, %dma_start3A_1285] : memref<2x832x32xf32, #tpu.memory_space<vmem>> -> memref<1x64x32xf32, #tpu.memory_space<vmem>>
        %dma_start3A_1287 = tpu.memref_squeeze %dma_start3A_1286 : memref<1x64x32xf32, #tpu.memory_space<vmem>> -> memref<64x32xf32, #tpu.memory_space<vmem>>
        %dma_start3A_1288 = tpu.memref_slice %arg5[%add3A_1283, %add3A_1171] : memref<26x512xi32, #tpu.memory_space<vmem>> -> memref<1x64xi32, #tpu.memory_space<vmem>>
        %dma_start3A_1289 = tpu.memref_squeeze %dma_start3A_1288 : memref<1x64xi32, #tpu.memory_space<vmem>> -> memref<64xi32, #tpu.memory_space<vmem>>
        %dma_start3A_1290 = arith.constant 0 : i32
        %dma_start3A_1291 = arith.constant 0 : i32
        %dma_start3A_1292 = tpu.memref_slice %arg3[%dma_start3A_1290, %dma_start3A_1291] : memref<1015808x32xf32, #tpu.memory_space<hbm>> -> memref<1015808x32xf32, #tpu.memory_space<hbm>>
        tpu.enqueue_indirect_dma source(%dma_start3A_1292 : memref<1015808x32xf32, #tpu.memory_space<hbm>>) target(%dma_start3A_1287 : memref<64x32xf32, #tpu.memory_space<vmem>>) offsets(%dma_start3A_1289 : memref<64xi32, #tpu.memory_space<vmem>>) semaphore(%arg8 : memref<!tpu.dma_semaphore, #tpu.memory_space<semaphore_mem>>)
        %mul3A_1293 = arith.constant 13 : i32
        %mul3A_1294 = arith.muli %and3A_1175, %mul3A_1293 : i32
        %add3A_1295 = arith.constant 9 : i32
        %add3A_1296 = arith.addi %mul3A_1294, %add3A_1295 : i32
        %dma_start3A_1297 = arith.constant 576 : i32
        %dma_start3A_1298 = arith.constant 0 : i32
        %dma_start3A_1299 = tpu.memref_slice %arg6[%sub3A_1162, %dma_start3A_1297, %dma_start3A_1298] : memref<2x832x32xf32, #tpu.memory_space<vmem>> -> memref<1x64x32xf32, #tpu.memory_space<vmem>>
        %dma_start3A_1300 = tpu.memref_squeeze %dma_start3A_1299 : memref<1x64x32xf32, #tpu.memory_space<vmem>> -> memref<64x32xf32, #tpu.memory_space<vmem>>
        %dma_start3A_1301 = tpu.memref_slice %arg5[%add3A_1296, %add3A_1171] : memref<26x512xi32, #tpu.memory_space<vmem>> -> memref<1x64xi32, #tpu.memory_space<vmem>>
        %dma_start3A_1302 = tpu.memref_squeeze %dma_start3A_1301 : memref<1x64xi32, #tpu.memory_space<vmem>> -> memref<64xi32, #tpu.memory_space<vmem>>
        %dma_start3A_1303 = arith.constant 0 : i32
        %dma_start3A_1304 = arith.constant 0 : i32
        %dma_start3A_1305 = tpu.memref_slice %arg3[%dma_start3A_1303, %dma_start3A_1304] : memref<1015808x32xf32, #tpu.memory_space<hbm>> -> memref<1015808x32xf32, #tpu.memory_space<hbm>>
        tpu.enqueue_indirect_dma source(%dma_start3A_1305 : memref<1015808x32xf32, #tpu.memory_space<hbm>>) target(%dma_start3A_1300 : memref<64x32xf32, #tpu.memory_space<vmem>>) offsets(%dma_start3A_1302 : memref<64xi32, #tpu.memory_space<vmem>>) semaphore(%arg8 : memref<!tpu.dma_semaphore, #tpu.memory_space<semaphore_mem>>)
        %mul3A_1306 = arith.constant 13 : i32
        %mul3A_1307 = arith.muli %and3A_1175, %mul3A_1306 : i32
        %add3A_1308 = arith.constant 10 : i32
        %add3A_1309 = arith.addi %mul3A_1307, %add3A_1308 : i32
        %dma_start3A_1310 = arith.constant 640 : i32
        %dma_start3A_1311 = arith.constant 0 : i32
        %dma_start3A_1312 = tpu.memref_slice %arg6[%sub3A_1162, %dma_start3A_1310, %dma_start3A_1311] : memref<2x832x32xf32, #tpu.memory_space<vmem>> -> memref<1x64x32xf32, #tpu.memory_space<vmem>>
        %dma_start3A_1313 = tpu.memref_squeeze %dma_start3A_1312 : memref<1x64x32xf32, #tpu.memory_space<vmem>> -> memref<64x32xf32, #tpu.memory_space<vmem>>
        %dma_start3A_1314 = tpu.memref_slice %arg5[%add3A_1309, %add3A_1171] : memref<26x512xi32, #tpu.memory_space<vmem>> -> memref<1x64xi32, #tpu.memory_space<vmem>>
        %dma_start3A_1315 = tpu.memref_squeeze %dma_start3A_1314 : memref<1x64xi32, #tpu.memory_space<vmem>> -> memref<64xi32, #tpu.memory_space<vmem>>
        %dma_start3A_1316 = arith.constant 0 : i32
        %dma_start3A_1317 = arith.constant 0 : i32
        %dma_start3A_1318 = tpu.memref_slice %arg3[%dma_start3A_1316, %dma_start3A_1317] : memref<1015808x32xf32, #tpu.memory_space<hbm>> -> memref<1015808x32xf32, #tpu.memory_space<hbm>>
        tpu.enqueue_indirect_dma source(%dma_start3A_1318 : memref<1015808x32xf32, #tpu.memory_space<hbm>>) target(%dma_start3A_1313 : memref<64x32xf32, #tpu.memory_space<vmem>>) offsets(%dma_start3A_1315 : memref<64xi32, #tpu.memory_space<vmem>>) semaphore(%arg8 : memref<!tpu.dma_semaphore, #tpu.memory_space<semaphore_mem>>)
        %mul3A_1319 = arith.constant 13 : i32
        %mul3A_1320 = arith.muli %and3A_1175, %mul3A_1319 : i32
        %add3A_1321 = arith.constant 11 : i32
        %add3A_1322 = arith.addi %mul3A_1320, %add3A_1321 : i32
        %dma_start3A_1323 = arith.constant 704 : i32
        %dma_start3A_1324 = arith.constant 0 : i32
        %dma_start3A_1325 = tpu.memref_slice %arg6[%sub3A_1162, %dma_start3A_1323, %dma_start3A_1324] : memref<2x832x32xf32, #tpu.memory_space<vmem>> -> memref<1x64x32xf32, #tpu.memory_space<vmem>>
        %dma_start3A_1326 = tpu.memref_squeeze %dma_start3A_1325 : memref<1x64x32xf32, #tpu.memory_space<vmem>> -> memref<64x32xf32, #tpu.memory_space<vmem>>
        %dma_start3A_1327 = tpu.memref_slice %arg5[%add3A_1322, %add3A_1171] : memref<26x512xi32, #tpu.memory_space<vmem>> -> memref<1x64xi32, #tpu.memory_space<vmem>>
        %dma_start3A_1328 = tpu.memref_squeeze %dma_start3A_1327 : memref<1x64xi32, #tpu.memory_space<vmem>> -> memref<64xi32, #tpu.memory_space<vmem>>
        %dma_start3A_1329 = arith.constant 0 : i32
        %dma_start3A_1330 = arith.constant 0 : i32
        %dma_start3A_1331 = tpu.memref_slice %arg3[%dma_start3A_1329, %dma_start3A_1330] : memref<1015808x32xf32, #tpu.memory_space<hbm>> -> memref<1015808x32xf32, #tpu.memory_space<hbm>>
        tpu.enqueue_indirect_dma source(%dma_start3A_1331 : memref<1015808x32xf32, #tpu.memory_space<hbm>>) target(%dma_start3A_1326 : memref<64x32xf32, #tpu.memory_space<vmem>>) offsets(%dma_start3A_1328 : memref<64xi32, #tpu.memory_space<vmem>>) semaphore(%arg8 : memref<!tpu.dma_semaphore, #tpu.memory_space<semaphore_mem>>)
        %mul3A_1332 = arith.constant 13 : i32
        %mul3A_1333 = arith.muli %and3A_1175, %mul3A_1332 : i32
        %add3A_1334 = arith.constant 12 : i32
        %add3A_1335 = arith.addi %mul3A_1333, %add3A_1334 : i32
        %dma_start3A_1336 = arith.constant 768 : i32
        %dma_start3A_1337 = arith.constant 0 : i32
        %dma_start3A_1338 = tpu.memref_slice %arg6[%sub3A_1162, %dma_start3A_1336, %dma_start3A_1337] : memref<2x832x32xf32, #tpu.memory_space<vmem>> -> memref<1x64x32xf32, #tpu.memory_space<vmem>>
        %dma_start3A_1339 = tpu.memref_squeeze %dma_start3A_1338 : memref<1x64x32xf32, #tpu.memory_space<vmem>> -> memref<64x32xf32, #tpu.memory_space<vmem>>
        %dma_start3A_1340 = tpu.memref_slice %arg5[%add3A_1335, %add3A_1171] : memref<26x512xi32, #tpu.memory_space<vmem>> -> memref<1x64xi32, #tpu.memory_space<vmem>>
        %dma_start3A_1341 = tpu.memref_squeeze %dma_start3A_1340 : memref<1x64xi32, #tpu.memory_space<vmem>> -> memref<64xi32, #tpu.memory_space<vmem>>
        %dma_start3A_1342 = arith.constant 0 : i32
        %dma_start3A_1343 = arith.constant 0 : i32
        %dma_start3A_1344 = tpu.memref_slice %arg3[%dma_start3A_1342, %dma_start3A_1343] : memref<1015808x32xf32, #tpu.memory_space<hbm>> -> memref<1015808x32xf32, #tpu.memory_space<hbm>>
        tpu.enqueue_indirect_dma source(%dma_start3A_1344 : memref<1015808x32xf32, #tpu.memory_space<hbm>>) target(%dma_start3A_1339 : memref<64x32xf32, #tpu.memory_space<vmem>>) offsets(%dma_start3A_1341 : memref<64xi32, #tpu.memory_space<vmem>>) semaphore(%arg8 : memref<!tpu.dma_semaphore, #tpu.memory_space<semaphore_mem>>)
      } else {
      }
      %dma_wait3A_1084 = arith.constant 0 : i32
      %dma_wait3A_1085 = arith.constant 0 : i32
      %dma_wait3A_1086 = tpu.memref_slice %arg6[%and3A_1078, %dma_wait3A_1084, %dma_wait3A_1085] : memref<2x832x32xf32, #tpu.memory_space<vmem>> -> memref<1x832x32xf32, #tpu.memory_space<vmem>>
      %dma_wait3A_1087 = tpu.memref_squeeze %dma_wait3A_1086 : memref<1x832x32xf32, #tpu.memory_space<vmem>> -> memref<832x32xf32, #tpu.memory_space<vmem>>
      %dma_wait3A_1088 = arith.constant 0 : i32
      %dma_wait3A_1089 = arith.constant 0 : i32
      %dma_wait3A_1090 = tpu.memref_slice %arg3[%dma_wait3A_1088, %dma_wait3A_1089] : memref<1015808x32xf32, #tpu.memory_space<hbm>> -> memref<832x32xf32, #tpu.memory_space<hbm>>
      %dma_wait3A_1091 = arith.constant 0 : i32
      %dma_wait3A_1092 = arith.constant 0 : i32
      %dma_wait3A_1093 = tpu.memref_slice %arg6[%and3A_1078, %dma_wait3A_1091, %dma_wait3A_1092] : memref<2x832x32xf32, #tpu.memory_space<vmem>> -> memref<1x832x32xf32, #tpu.memory_space<vmem>>
      %dma_wait3A_1094 = tpu.memref_squeeze %dma_wait3A_1093 : memref<1x832x32xf32, #tpu.memory_space<vmem>> -> memref<832x32xf32, #tpu.memory_space<vmem>>
      %dma_wait3A_1095 = arith.constant 0 : i32
      %dma_wait3A_1096 = arith.constant 0 : i32
      %dma_wait3A_1097 = tpu.memref_slice %arg3[%dma_wait3A_1095, %dma_wait3A_1096] : memref<1015808x32xf32, #tpu.memory_space<hbm>> -> memref<832x32xf32, #tpu.memory_space<hbm>>
      tpu.wait_dma2 semaphore(%arg8 : memref<!tpu.dma_semaphore, #tpu.memory_space<semaphore_mem>>) src(%dma_wait3A_1097 : memref<832x32xf32, #tpu.memory_space<hbm>>) dst(%dma_wait3A_1094 : memref<832x32xf32, #tpu.memory_space<vmem>>)
      %gt3A = arith.constant 0 : i32
      %gt3A_1098 = arith.cmpi sgt, %scan3A_1076, %gt3A : i32
      %convert_element_type3A_1099 = arith.extui %gt3A_1098 : i1 to i32
      %cond3A_1100 = arith.constant 0 : i32
      %cond3A_1101 = arith.cmpi ne, %convert_element_type3A_1099, %cond3A_1100 : i32
      scf.if %cond3A_1101 {
        %dma_wait3A_1159 = arith.constant 0 : i32
        %dma_wait3A_1160 = arith.constant 0 : i32
        %dma_wait3A_1161 = arith.constant 0 : i32
        %dma_wait3A_1162 = tpu.memref_slice %arg7[%dma_wait3A_1159, %dma_wait3A_1160, %dma_wait3A_1161] : memref<52x8x65xf32, #tpu.memory_space<vmem>> -> memref<52x8x64xf32, #tpu.memory_space<vmem>>
        %dma_wait3A_1163 = arith.constant 0 : i32
        %dma_wait3A_1164 = arith.constant 0 : i32
        %dma_wait3A_1165 = arith.constant 0 : i32
        %dma_wait3A_1166 = tpu.memref_slice %arg4[%dma_wait3A_1163, %dma_wait3A_1164, %dma_wait3A_1165] : memref<104x1024x128xf32, #tpu.memory_space<hbm>> -> memref<52x8x64xf32, #tpu.memory_space<hbm>>
        %dma_wait3A_1167 = arith.constant 0 : i32
        %dma_wait3A_1168 = arith.constant 0 : i32
        %dma_wait3A_1169 = arith.constant 0 : i32
        %dma_wait3A_1170 = tpu.memref_slice %arg7[%dma_wait3A_1167, %dma_wait3A_1168, %dma_wait3A_1169] : memref<52x8x65xf32, #tpu.memory_space<vmem>> -> memref<52x8x64xf32, #tpu.memory_space<vmem>>
        %dma_wait3A_1171 = arith.constant 0 : i32
        %dma_wait3A_1172 = arith.constant 0 : i32
        %dma_wait3A_1173 = arith.constant 0 : i32
        %dma_wait3A_1174 = tpu.memref_slice %arg4[%dma_wait3A_1171, %dma_wait3A_1172, %dma_wait3A_1173] : memref<104x1024x128xf32, #tpu.memory_space<hbm>> -> memref<52x8x64xf32, #tpu.memory_space<hbm>>
        tpu.wait_dma2 semaphore(%arg9 : memref<!tpu.dma_semaphore, #tpu.memory_space<semaphore_mem>>) src(%dma_wait3A_1174 : memref<52x8x64xf32, #tpu.memory_space<hbm>>) dst(%dma_wait3A_1170 : memref<52x8x64xf32, #tpu.memory_space<vmem>>)
      } else {
      }
      %scan3A_1102 = arith.constant 0 : i32
      %scan3A_1103 = arith.constant 64 : i32
      %scan3A_1104 = arith.addi %scan3A_1102, %scan3A_1103 : i32
      %scan3A_1105 = arith.constant 4 : i32
      scf.for %scan3A_1159 = %scan3A_1102 to %scan3A_1104 step %scan3A_1105  : i32 {
        %add3A_1160 = vector.broadcast %scan3A_1159 : i32 to vector<16xi32>
        %add3A_1161 = arith.addi %mul3A_3, %add3A_1160 : vector<16xi32>
        %add3A_1162 = arith.constant 0 : i32
        %add3A_1163 = arith.addi %add3A_1162, %scan3A_1159 : i32
        %get3A = arith.index_cast %and3A_1078 : i32 to index
        %get3A_1164 = arith.index_cast %add3A_1163 : i32 to index
        %get3A_1165 = arith.constant 0 : index
        %get3A_1166 = tpu.vector_load %arg6[%get3A, %get3A_1164, %get3A_1165] {strides = array<i32>} : memref<2x832x32xf32, #tpu.memory_space<vmem>>, vector<16xf32>,
        %get3A_1167 = arith.index_cast %and3A_1078 : i32 to index
        %get3A_1168 = arith.index_cast %add3A_1163 : i32 to index
        %get3A_1169 = arith.constant 16 : index
        %get3A_1170 = tpu.vector_load %arg6[%get3A_1167, %get3A_1168, %get3A_1169] {strides = array<i32>} : memref<2x832x32xf32, #tpu.memory_space<vmem>>, vector<16xf32>,
        tpu.vector_store_idx %arg7[%add3A_49, %select_n3A_18, %add3A_1161], %get3A_1166 : memref<52x8x65xf32, #tpu.memory_space<vmem>>[vector<16xi32>, vector<16xi32>, vector<16xi32>], vector<16xf32>,
        tpu.vector_store_idx %arg7[%add3A_83, %select_n3A_18, %add3A_1161], %get3A_1170 : memref<52x8x65xf32, #tpu.memory_space<vmem>>[vector<16xi32>, vector<16xi32>, vector<16xi32>], vector<16xf32>,
        %add3A_1171 = arith.constant 64 : i32
        %add3A_1172 = arith.addi %add3A_1171, %scan3A_1159 : i32
        %get3A_1173 = arith.index_cast %and3A_1078 : i32 to index
        %get3A_1174 = arith.index_cast %add3A_1172 : i32 to index
        %get3A_1175 = arith.constant 0 : index
        %get3A_1176 = tpu.vector_load %arg6[%get3A_1173, %get3A_1174, %get3A_1175] {strides = array<i32>} : memref<2x832x32xf32, #tpu.memory_space<vmem>>, vector<16xf32>,
        %get3A_1177 = arith.index_cast %and3A_1078 : i32 to index
        %get3A_1178 = arith.index_cast %add3A_1172 : i32 to index
        %get3A_1179 = arith.constant 16 : index
        %get3A_1180 = tpu.vector_load %arg6[%get3A_1177, %get3A_1178, %get3A_1179] {strides = array<i32>} : memref<2x832x32xf32, #tpu.memory_space<vmem>>, vector<16xf32>,
        tpu.vector_store_idx %arg7[%add3A_117, %select_n3A_18, %add3A_1161], %get3A_1176 : memref<52x8x65xf32, #tpu.memory_space<vmem>>[vector<16xi32>, vector<16xi32>, vector<16xi32>], vector<16xf32>,
        tpu.vector_store_idx %arg7[%add3A_151, %select_n3A_18, %add3A_1161], %get3A_1180 : memref<52x8x65xf32, #tpu.memory_space<vmem>>[vector<16xi32>, vector<16xi32>, vector<16xi32>], vector<16xf32>,
        %add3A_1181 = arith.constant 128 : i32
        %add3A_1182 = arith.addi %add3A_1181, %scan3A_1159 : i32
        %get3A_1183 = arith.index_cast %and3A_1078 : i32 to index
        %get3A_1184 = arith.index_cast %add3A_1182 : i32 to index
        %get3A_1185 = arith.constant 0 : index
        %get3A_1186 = tpu.vector_load %arg6[%get3A_1183, %get3A_1184, %get3A_1185] {strides = array<i32>} : memref<2x832x32xf32, #tpu.memory_space<vmem>>, vector<16xf32>,
        %get3A_1187 = arith.index_cast %and3A_1078 : i32 to index
        %get3A_1188 = arith.index_cast %add3A_1182 : i32 to index
        %get3A_1189 = arith.constant 16 : index
        %get3A_1190 = tpu.vector_load %arg6[%get3A_1187, %get3A_1188, %get3A_1189] {strides = array<i32>} : memref<2x832x32xf32, #tpu.memory_space<vmem>>, vector<16xf32>,
        tpu.vector_store_idx %arg7[%add3A_185, %select_n3A_18, %add3A_1161], %get3A_1186 : memref<52x8x65xf32, #tpu.memory_space<vmem>>[vector<16xi32>, vector<16xi32>, vector<16xi32>], vector<16xf32>,
        tpu.vector_store_idx %arg7[%add3A_219, %select_n3A_18, %add3A_1161], %get3A_1190 : memref<52x8x65xf32, #tpu.memory_space<vmem>>[vector<16xi32>, vector<16xi32>, vector<16xi32>], vector<16xf32>,
        %add3A_1191 = arith.constant 192 : i32
        %add3A_1192 = arith.addi %add3A_1191, %scan3A_1159 : i32
        %get3A_1193 = arith.index_cast %and3A_1078 : i32 to index
        %get3A_1194 = arith.index_cast %add3A_1192 : i32 to index
        %get3A_1195 = arith.constant 0 : index
        %get3A_1196 = tpu.vector_load %arg6[%get3A_1193, %get3A_1194, %get3A_1195] {strides = array<i32>} : memref<2x832x32xf32, #tpu.memory_space<vmem>>, vector<16xf32>,
        %get3A_1197 = arith.index_cast %and3A_1078 : i32 to index
        %get3A_1198 = arith.index_cast %add3A_1192 : i32 to index
        %get3A_1199 = arith.constant 16 : index
        %get3A_1200 = tpu.vector_load %arg6[%get3A_1197, %get3A_1198, %get3A_1199] {strides = array<i32>} : memref<2x832x32xf32, #tpu.memory_space<vmem>>, vector<16xf32>,
        tpu.vector_store_idx %arg7[%add3A_253, %select_n3A_18, %add3A_1161], %get3A_1196 : memref<52x8x65xf32, #tpu.memory_space<vmem>>[vector<16xi32>, vector<16xi32>, vector<16xi32>], vector<16xf32>,
        tpu.vector_store_idx %arg7[%add3A_287, %select_n3A_18, %add3A_1161], %get3A_1200 : memref<52x8x65xf32, #tpu.memory_space<vmem>>[vector<16xi32>, vector<16xi32>, vector<16xi32>], vector<16xf32>,
        %add3A_1201 = arith.constant 256 : i32
        %add3A_1202 = arith.addi %add3A_1201, %scan3A_1159 : i32
        %get3A_1203 = arith.index_cast %and3A_1078 : i32 to index
        %get3A_1204 = arith.index_cast %add3A_1202 : i32 to index
        %get3A_1205 = arith.constant 0 : index
        %get3A_1206 = tpu.vector_load %arg6[%get3A_1203, %get3A_1204, %get3A_1205] {strides = array<i32>} : memref<2x832x32xf32, #tpu.memory_space<vmem>>, vector<16xf32>,
        %get3A_1207 = arith.index_cast %and3A_1078 : i32 to index
        %get3A_1208 = arith.index_cast %add3A_1202 : i32 to index
        %get3A_1209 = arith.constant 16 : index
        %get3A_1210 = tpu.vector_load %arg6[%get3A_1207, %get3A_1208, %get3A_1209] {strides = array<i32>} : memref<2x832x32xf32, #tpu.memory_space<vmem>>, vector<16xf32>,
        tpu.vector_store_idx %arg7[%add3A_321, %select_n3A_18, %add3A_1161], %get3A_1206 : memref<52x8x65xf32, #tpu.memory_space<vmem>>[vector<16xi32>, vector<16xi32>, vector<16xi32>], vector<16xf32>,
        tpu.vector_store_idx %arg7[%add3A_355, %select_n3A_18, %add3A_1161], %get3A_1210 : memref<52x8x65xf32, #tpu.memory_space<vmem>>[vector<16xi32>, vector<16xi32>, vector<16xi32>], vector<16xf32>,
        %add3A_1211 = arith.constant 320 : i32
        %add3A_1212 = arith.addi %add3A_1211, %scan3A_1159 : i32
        %get3A_1213 = arith.index_cast %and3A_1078 : i32 to index
        %get3A_1214 = arith.index_cast %add3A_1212 : i32 to index
        %get3A_1215 = arith.constant 0 : index
        %get3A_1216 = tpu.vector_load %arg6[%get3A_1213, %get3A_1214, %get3A_1215] {strides = array<i32>} : memref<2x832x32xf32, #tpu.memory_space<vmem>>, vector<16xf32>,
        %get3A_1217 = arith.index_cast %and3A_1078 : i32 to index
        %get3A_1218 = arith.index_cast %add3A_1212 : i32 to index
        %get3A_1219 = arith.constant 16 : index
        %get3A_1220 = tpu.vector_load %arg6[%get3A_1217, %get3A_1218, %get3A_1219] {strides = array<i32>} : memref<2x832x32xf32, #tpu.memory_space<vmem>>, vector<16xf32>,
        tpu.vector_store_idx %arg7[%add3A_389, %select_n3A_18, %add3A_1161], %get3A_1216 : memref<52x8x65xf32, #tpu.memory_space<vmem>>[vector<16xi32>, vector<16xi32>, vector<16xi32>], vector<16xf32>,
        tpu.vector_store_idx %arg7[%add3A_423, %select_n3A_18, %add3A_1161], %get3A_1220 : memref<52x8x65xf32, #tpu.memory_space<vmem>>[vector<16xi32>, vector<16xi32>, vector<16xi32>], vector<16xf32>,
        %add3A_1221 = arith.constant 384 : i32
        %add3A_1222 = arith.addi %add3A_1221, %scan3A_1159 : i32
        %get3A_1223 = arith.index_cast %and3A_1078 : i32 to index
        %get3A_1224 = arith.index_cast %add3A_1222 : i32 to index
        %get3A_1225 = arith.constant 0 : index
        %get3A_1226 = tpu.vector_load %arg6[%get3A_1223, %get3A_1224, %get3A_1225] {strides = array<i32>} : memref<2x832x32xf32, #tpu.memory_space<vmem>>, vector<16xf32>,
        %get3A_1227 = arith.index_cast %and3A_1078 : i32 to index
        %get3A_1228 = arith.index_cast %add3A_1222 : i32 to index
        %get3A_1229 = arith.constant 16 : index
        %get3A_1230 = tpu.vector_load %arg6[%get3A_1227, %get3A_1228, %get3A_1229] {strides = array<i32>} : memref<2x832x32xf32, #tpu.memory_space<vmem>>, vector<16xf32>,
        tpu.vector_store_idx %arg7[%add3A_457, %select_n3A_18, %add3A_1161], %get3A_1226 : memref<52x8x65xf32, #tpu.memory_space<vmem>>[vector<16xi32>, vector<16xi32>, vector<16xi32>], vector<16xf32>,
        tpu.vector_store_idx %arg7[%add3A_491, %select_n3A_18, %add3A_1161], %get3A_1230 : memref<52x8x65xf32, #tpu.memory_space<vmem>>[vector<16xi32>, vector<16xi32>, vector<16xi32>], vector<16xf32>,
        %add3A_1231 = arith.constant 448 : i32
        %add3A_1232 = arith.addi %add3A_1231, %scan3A_1159 : i32
        %get3A_1233 = arith.index_cast %and3A_1078 : i32 to index
        %get3A_1234 = arith.index_cast %add3A_1232 : i32 to index
        %get3A_1235 = arith.constant 0 : index
        %get3A_1236 = tpu.vector_load %arg6[%get3A_1233, %get3A_1234, %get3A_1235] {strides = array<i32>} : memref<2x832x32xf32, #tpu.memory_space<vmem>>, vector<16xf32>,
        %get3A_1237 = arith.index_cast %and3A_1078 : i32 to index
        %get3A_1238 = arith.index_cast %add3A_1232 : i32 to index
        %get3A_1239 = arith.constant 16 : index
        %get3A_1240 = tpu.vector_load %arg6[%get3A_1237, %get3A_1238, %get3A_1239] {strides = array<i32>} : memref<2x832x32xf32, #tpu.memory_space<vmem>>, vector<16xf32>,
        tpu.vector_store_idx %arg7[%add3A_525, %select_n3A_18, %add3A_1161], %get3A_1236 : memref<52x8x65xf32, #tpu.memory_space<vmem>>[vector<16xi32>, vector<16xi32>, vector<16xi32>], vector<16xf32>,
        tpu.vector_store_idx %arg7[%add3A_559, %select_n3A_18, %add3A_1161], %get3A_1240 : memref<52x8x65xf32, #tpu.memory_space<vmem>>[vector<16xi32>, vector<16xi32>, vector<16xi32>], vector<16xf32>,
        %add3A_1241 = arith.constant 512 : i32
        %add3A_1242 = arith.addi %add3A_1241, %scan3A_1159 : i32
        %get3A_1243 = arith.index_cast %and3A_1078 : i32 to index
        %get3A_1244 = arith.index_cast %add3A_1242 : i32 to index
        %get3A_1245 = arith.constant 0 : index
        %get3A_1246 = tpu.vector_load %arg6[%get3A_1243, %get3A_1244, %get3A_1245] {strides = array<i32>} : memref<2x832x32xf32, #tpu.memory_space<vmem>>, vector<16xf32>,
        %get3A_1247 = arith.index_cast %and3A_1078 : i32 to index
        %get3A_1248 = arith.index_cast %add3A_1242 : i32 to index
        %get3A_1249 = arith.constant 16 : index
        %get3A_1250 = tpu.vector_load %arg6[%get3A_1247, %get3A_1248, %get3A_1249] {strides = array<i32>} : memref<2x832x32xf32, #tpu.memory_space<vmem>>, vector<16xf32>,
        tpu.vector_store_idx %arg7[%add3A_593, %select_n3A_18, %add3A_1161], %get3A_1246 : memref<52x8x65xf32, #tpu.memory_space<vmem>>[vector<16xi32>, vector<16xi32>, vector<16xi32>], vector<16xf32>,
        tpu.vector_store_idx %arg7[%add3A_627, %select_n3A_18, %add3A_1161], %get3A_1250 : memref<52x8x65xf32, #tpu.memory_space<vmem>>[vector<16xi32>, vector<16xi32>, vector<16xi32>], vector<16xf32>,
        %add3A_1251 = arith.constant 576 : i32
        %add3A_1252 = arith.addi %add3A_1251, %scan3A_1159 : i32
        %get3A_1253 = arith.index_cast %and3A_1078 : i32 to index
        %get3A_1254 = arith.index_cast %add3A_1252 : i32 to index
        %get3A_1255 = arith.constant 0 : index
        %get3A_1256 = tpu.vector_load %arg6[%get3A_1253, %get3A_1254, %get3A_1255] {strides = array<i32>} : memref<2x832x32xf32, #tpu.memory_space<vmem>>, vector<16xf32>,
        %get3A_1257 = arith.index_cast %and3A_1078 : i32 to index
        %get3A_1258 = arith.index_cast %add3A_1252 : i32 to index
        %get3A_1259 = arith.constant 16 : index
        %get3A_1260 = tpu.vector_load %arg6[%get3A_1257, %get3A_1258, %get3A_1259] {strides = array<i32>} : memref<2x832x32xf32, #tpu.memory_space<vmem>>, vector<16xf32>,
        tpu.vector_store_idx %arg7[%add3A_661, %select_n3A_18, %add3A_1161], %get3A_1256 : memref<52x8x65xf32, #tpu.memory_space<vmem>>[vector<16xi32>, vector<16xi32>, vector<16xi32>], vector<16xf32>,
        tpu.vector_store_idx %arg7[%add3A_695, %select_n3A_18, %add3A_1161], %get3A_1260 : memref<52x8x65xf32, #tpu.memory_space<vmem>>[vector<16xi32>, vector<16xi32>, vector<16xi32>], vector<16xf32>,
        %add3A_1261 = arith.constant 640 : i32
        %add3A_1262 = arith.addi %add3A_1261, %scan3A_1159 : i32
        %get3A_1263 = arith.index_cast %and3A_1078 : i32 to index
        %get3A_1264 = arith.index_cast %add3A_1262 : i32 to index
        %get3A_1265 = arith.constant 0 : index
        %get3A_1266 = tpu.vector_load %arg6[%get3A_1263, %get3A_1264, %get3A_1265] {strides = array<i32>} : memref<2x832x32xf32, #tpu.memory_space<vmem>>, vector<16xf32>,
        %get3A_1267 = arith.index_cast %and3A_1078 : i32 to index
        %get3A_1268 = arith.index_cast %add3A_1262 : i32 to index
        %get3A_1269 = arith.constant 16 : index
        %get3A_1270 = tpu.vector_load %arg6[%get3A_1267, %get3A_1268, %get3A_1269] {strides = array<i32>} : memref<2x832x32xf32, #tpu.memory_space<vmem>>, vector<16xf32>,
        tpu.vector_store_idx %arg7[%add3A_729, %select_n3A_18, %add3A_1161], %get3A_1266 : memref<52x8x65xf32, #tpu.memory_space<vmem>>[vector<16xi32>, vector<16xi32>, vector<16xi32>], vector<16xf32>,
        tpu.vector_store_idx %arg7[%add3A_763, %select_n3A_18, %add3A_1161], %get3A_1270 : memref<52x8x65xf32, #tpu.memory_space<vmem>>[vector<16xi32>, vector<16xi32>, vector<16xi32>], vector<16xf32>,
        %add3A_1271 = arith.constant 704 : i32
        %add3A_1272 = arith.addi %add3A_1271, %scan3A_1159 : i32
        %get3A_1273 = arith.index_cast %and3A_1078 : i32 to index
        %get3A_1274 = arith.index_cast %add3A_1272 : i32 to index
        %get3A_1275 = arith.constant 0 : index
        %get3A_1276 = tpu.vector_load %arg6[%get3A_1273, %get3A_1274, %get3A_1275] {strides = array<i32>} : memref<2x832x32xf32, #tpu.memory_space<vmem>>, vector<16xf32>,
        %get3A_1277 = arith.index_cast %and3A_1078 : i32 to index
        %get3A_1278 = arith.index_cast %add3A_1272 : i32 to index
        %get3A_1279 = arith.constant 16 : index
        %get3A_1280 = tpu.vector_load %arg6[%get3A_1277, %get3A_1278, %get3A_1279] {strides = array<i32>} : memref<2x832x32xf32, #tpu.memory_space<vmem>>, vector<16xf32>,
        tpu.vector_store_idx %arg7[%add3A_797, %select_n3A_18, %add3A_1161], %get3A_1276 : memref<52x8x65xf32, #tpu.memory_space<vmem>>[vector<16xi32>, vector<16xi32>, vector<16xi32>], vector<16xf32>,
        tpu.vector_store_idx %arg7[%add3A_831, %select_n3A_18, %add3A_1161], %get3A_1280 : memref<52x8x65xf32, #tpu.memory_space<vmem>>[vector<16xi32>, vector<16xi32>, vector<16xi32>], vector<16xf32>,
        %add3A_1281 = arith.constant 768 : i32
        %add3A_1282 = arith.addi %add3A_1281, %scan3A_1159 : i32
        %get3A_1283 = arith.index_cast %and3A_1078 : i32 to index
        %get3A_1284 = arith.index_cast %add3A_1282 : i32 to index
        %get3A_1285 = arith.constant 0 : index
        %get3A_1286 = tpu.vector_load %arg6[%get3A_1283, %get3A_1284, %get3A_1285] {strides = array<i32>} : memref<2x832x32xf32, #tpu.memory_space<vmem>>, vector<16xf32>,
        %get3A_1287 = arith.index_cast %and3A_1078 : i32 to index
        %get3A_1288 = arith.index_cast %add3A_1282 : i32 to index
        %get3A_1289 = arith.constant 16 : index
        %get3A_1290 = tpu.vector_load %arg6[%get3A_1287, %get3A_1288, %get3A_1289] {strides = array<i32>} : memref<2x832x32xf32, #tpu.memory_space<vmem>>, vector<16xf32>,
        tpu.vector_store_idx %arg7[%add3A_865, %select_n3A_18, %add3A_1161], %get3A_1286 : memref<52x8x65xf32, #tpu.memory_space<vmem>>[vector<16xi32>, vector<16xi32>, vector<16xi32>], vector<16xf32>,
        tpu.vector_store_idx %arg7[%add3A_899, %select_n3A_18, %add3A_1161], %get3A_1290 : memref<52x8x65xf32, #tpu.memory_space<vmem>>[vector<16xi32>, vector<16xi32>, vector<16xi32>], vector<16xf32>,
        %scan3A_1291 = arith.constant 1 : i32
        %scan3A_1292 = arith.addi %scan3A_1159, %scan3A_1291 : i32
        %add3A_1293 = vector.broadcast %scan3A_1292 : i32 to vector<16xi32>
        %add3A_1294 = arith.addi %mul3A_3, %add3A_1293 : vector<16xi32>
        %add3A_1295 = arith.constant 0 : i32
        %add3A_1296 = arith.addi %add3A_1295, %scan3A_1292 : i32
        %get3A_1297 = arith.index_cast %and3A_1078 : i32 to index
        %get3A_1298 = arith.index_cast %add3A_1296 : i32 to index
        %get3A_1299 = arith.constant 0 : index
        %get3A_1300 = tpu.vector_load %arg6[%get3A_1297, %get3A_1298, %get3A_1299] {strides = array<i32>} : memref<2x832x32xf32, #tpu.memory_space<vmem>>, vector<16xf32>,
        %get3A_1301 = arith.index_cast %and3A_1078 : i32 to index
        %get3A_1302 = arith.index_cast %add3A_1296 : i32 to index
        %get3A_1303 = arith.constant 16 : index
        %get3A_1304 = tpu.vector_load %arg6[%get3A_1301, %get3A_1302, %get3A_1303] {strides = array<i32>} : memref<2x832x32xf32, #tpu.memory_space<vmem>>, vector<16xf32>,
        tpu.vector_store_idx %arg7[%add3A_49, %select_n3A_18, %add3A_1294], %get3A_1300 : memref<52x8x65xf32, #tpu.memory_space<vmem>>[vector<16xi32>, vector<16xi32>, vector<16xi32>], vector<16xf32>,
        tpu.vector_store_idx %arg7[%add3A_83, %select_n3A_18, %add3A_1294], %get3A_1304 : memref<52x8x65xf32, #tpu.memory_space<vmem>>[vector<16xi32>, vector<16xi32>, vector<16xi32>], vector<16xf32>,
        %add3A_1305 = arith.constant 64 : i32
        %add3A_1306 = arith.addi %add3A_1305, %scan3A_1292 : i32
        %get3A_1307 = arith.index_cast %and3A_1078 : i32 to index
        %get3A_1308 = arith.index_cast %add3A_1306 : i32 to index
        %get3A_1309 = arith.constant 0 : index
        %get3A_1310 = tpu.vector_load %arg6[%get3A_1307, %get3A_1308, %get3A_1309] {strides = array<i32>} : memref<2x832x32xf32, #tpu.memory_space<vmem>>, vector<16xf32>,
        %get3A_1311 = arith.index_cast %and3A_1078 : i32 to index
        %get3A_1312 = arith.index_cast %add3A_1306 : i32 to index
        %get3A_1313 = arith.constant 16 : index
        %get3A_1314 = tpu.vector_load %arg6[%get3A_1311, %get3A_1312, %get3A_1313] {strides = array<i32>} : memref<2x832x32xf32, #tpu.memory_space<vmem>>, vector<16xf32>,
        tpu.vector_store_idx %arg7[%add3A_117, %select_n3A_18, %add3A_1294], %get3A_1310 : memref<52x8x65xf32, #tpu.memory_space<vmem>>[vector<16xi32>, vector<16xi32>, vector<16xi32>], vector<16xf32>,
        tpu.vector_store_idx %arg7[%add3A_151, %select_n3A_18, %add3A_1294], %get3A_1314 : memref<52x8x65xf32, #tpu.memory_space<vmem>>[vector<16xi32>, vector<16xi32>, vector<16xi32>], vector<16xf32>,
        %add3A_1315 = arith.constant 128 : i32
        %add3A_1316 = arith.addi %add3A_1315, %scan3A_1292 : i32
        %get3A_1317 = arith.index_cast %and3A_1078 : i32 to index
        %get3A_1318 = arith.index_cast %add3A_1316 : i32 to index
        %get3A_1319 = arith.constant 0 : index
        %get3A_1320 = tpu.vector_load %arg6[%get3A_1317, %get3A_1318, %get3A_1319] {strides = array<i32>} : memref<2x832x32xf32, #tpu.memory_space<vmem>>, vector<16xf32>,
        %get3A_1321 = arith.index_cast %and3A_1078 : i32 to index
        %get3A_1322 = arith.index_cast %add3A_1316 : i32 to index
        %get3A_1323 = arith.constant 16 : index
        %get3A_1324 = tpu.vector_load %arg6[%get3A_1321, %get3A_1322, %get3A_1323] {strides = array<i32>} : memref<2x832x32xf32, #tpu.memory_space<vmem>>, vector<16xf32>,
        tpu.vector_store_idx %arg7[%add3A_185, %select_n3A_18, %add3A_1294], %get3A_1320 : memref<52x8x65xf32, #tpu.memory_space<vmem>>[vector<16xi32>, vector<16xi32>, vector<16xi32>], vector<16xf32>,
        tpu.vector_store_idx %arg7[%add3A_219, %select_n3A_18, %add3A_1294], %get3A_1324 : memref<52x8x65xf32, #tpu.memory_space<vmem>>[vector<16xi32>, vector<16xi32>, vector<16xi32>], vector<16xf32>,
        %add3A_1325 = arith.constant 192 : i32
        %add3A_1326 = arith.addi %add3A_1325, %scan3A_1292 : i32
        %get3A_1327 = arith.index_cast %and3A_1078 : i32 to index
        %get3A_1328 = arith.index_cast %add3A_1326 : i32 to index
        %get3A_1329 = arith.constant 0 : index
        %get3A_1330 = tpu.vector_load %arg6[%get3A_1327, %get3A_1328, %get3A_1329] {strides = array<i32>} : memref<2x832x32xf32, #tpu.memory_space<vmem>>, vector<16xf32>,
        %get3A_1331 = arith.index_cast %and3A_1078 : i32 to index
        %get3A_1332 = arith.index_cast %add3A_1326 : i32 to index
        %get3A_1333 = arith.constant 16 : index
        %get3A_1334 = tpu.vector_load %arg6[%get3A_1331, %get3A_1332, %get3A_1333] {strides = array<i32>} : memref<2x832x32xf32, #tpu.memory_space<vmem>>, vector<16xf32>,
        tpu.vector_store_idx %arg7[%add3A_253, %select_n3A_18, %add3A_1294], %get3A_1330 : memref<52x8x65xf32, #tpu.memory_space<vmem>>[vector<16xi32>, vector<16xi32>, vector<16xi32>], vector<16xf32>,
        tpu.vector_store_idx %arg7[%add3A_287, %select_n3A_18, %add3A_1294], %get3A_1334 : memref<52x8x65xf32, #tpu.memory_space<vmem>>[vector<16xi32>, vector<16xi32>, vector<16xi32>], vector<16xf32>,
        %add3A_1335 = arith.constant 256 : i32
        %add3A_1336 = arith.addi %add3A_1335, %scan3A_1292 : i32
        %get3A_1337 = arith.index_cast %and3A_1078 : i32 to index
        %get3A_1338 = arith.index_cast %add3A_1336 : i32 to index
        %get3A_1339 = arith.constant 0 : index
        %get3A_1340 = tpu.vector_load %arg6[%get3A_1337, %get3A_1338, %get3A_1339] {strides = array<i32>} : memref<2x832x32xf32, #tpu.memory_space<vmem>>, vector<16xf32>,
        %get3A_1341 = arith.index_cast %and3A_1078 : i32 to index
        %get3A_1342 = arith.index_cast %add3A_1336 : i32 to index
        %get3A_1343 = arith.constant 16 : index
        %get3A_1344 = tpu.vector_load %arg6[%get3A_1341, %get3A_1342, %get3A_1343] {strides = array<i32>} : memref<2x832x32xf32, #tpu.memory_space<vmem>>, vector<16xf32>,
        tpu.vector_store_idx %arg7[%add3A_321, %select_n3A_18, %add3A_1294], %get3A_1340 : memref<52x8x65xf32, #tpu.memory_space<vmem>>[vector<16xi32>, vector<16xi32>, vector<16xi32>], vector<16xf32>,
        tpu.vector_store_idx %arg7[%add3A_355, %select_n3A_18, %add3A_1294], %get3A_1344 : memref<52x8x65xf32, #tpu.memory_space<vmem>>[vector<16xi32>, vector<16xi32>, vector<16xi32>], vector<16xf32>,
        %add3A_1345 = arith.constant 320 : i32
        %add3A_1346 = arith.addi %add3A_1345, %scan3A_1292 : i32
        %get3A_1347 = arith.index_cast %and3A_1078 : i32 to index
        %get3A_1348 = arith.index_cast %add3A_1346 : i32 to index
        %get3A_1349 = arith.constant 0 : index
        %get3A_1350 = tpu.vector_load %arg6[%get3A_1347, %get3A_1348, %get3A_1349] {strides = array<i32>} : memref<2x832x32xf32, #tpu.memory_space<vmem>>, vector<16xf32>,
        %get3A_1351 = arith.index_cast %and3A_1078 : i32 to index
        %get3A_1352 = arith.index_cast %add3A_1346 : i32 to index
        %get3A_1353 = arith.constant 16 : index
        %get3A_1354 = tpu.vector_load %arg6[%get3A_1351, %get3A_1352, %get3A_1353] {strides = array<i32>} : memref<2x832x32xf32, #tpu.memory_space<vmem>>, vector<16xf32>,
        tpu.vector_store_idx %arg7[%add3A_389, %select_n3A_18, %add3A_1294], %get3A_1350 : memref<52x8x65xf32, #tpu.memory_space<vmem>>[vector<16xi32>, vector<16xi32>, vector<16xi32>], vector<16xf32>,
        tpu.vector_store_idx %arg7[%add3A_423, %select_n3A_18, %add3A_1294], %get3A_1354 : memref<52x8x65xf32, #tpu.memory_space<vmem>>[vector<16xi32>, vector<16xi32>, vector<16xi32>], vector<16xf32>,
        %add3A_1355 = arith.constant 384 : i32
        %add3A_1356 = arith.addi %add3A_1355, %scan3A_1292 : i32
        %get3A_1357 = arith.index_cast %and3A_1078 : i32 to index
        %get3A_1358 = arith.index_cast %add3A_1356 : i32 to index
        %get3A_1359 = arith.constant 0 : index
        %get3A_1360 = tpu.vector_load %arg6[%get3A_1357, %get3A_1358, %get3A_1359] {strides = array<i32>} : memref<2x832x32xf32, #tpu.memory_space<vmem>>, vector<16xf32>,
        %get3A_1361 = arith.index_cast %and3A_1078 : i32 to index
        %get3A_1362 = arith.index_cast %add3A_1356 : i32 to index
        %get3A_1363 = arith.constant 16 : index
        %get3A_1364 = tpu.vector_load %arg6[%get3A_1361, %get3A_1362, %get3A_1363] {strides = array<i32>} : memref<2x832x32xf32, #tpu.memory_space<vmem>>, vector<16xf32>,
        tpu.vector_store_idx %arg7[%add3A_457, %select_n3A_18, %add3A_1294], %get3A_1360 : memref<52x8x65xf32, #tpu.memory_space<vmem>>[vector<16xi32>, vector<16xi32>, vector<16xi32>], vector<16xf32>,
        tpu.vector_store_idx %arg7[%add3A_491, %select_n3A_18, %add3A_1294], %get3A_1364 : memref<52x8x65xf32, #tpu.memory_space<vmem>>[vector<16xi32>, vector<16xi32>, vector<16xi32>], vector<16xf32>,
        %add3A_1365 = arith.constant 448 : i32
        %add3A_1366 = arith.addi %add3A_1365, %scan3A_1292 : i32
        %get3A_1367 = arith.index_cast %and3A_1078 : i32 to index
        %get3A_1368 = arith.index_cast %add3A_1366 : i32 to index
        %get3A_1369 = arith.constant 0 : index
        %get3A_1370 = tpu.vector_load %arg6[%get3A_1367, %get3A_1368, %get3A_1369] {strides = array<i32>} : memref<2x832x32xf32, #tpu.memory_space<vmem>>, vector<16xf32>,
        %get3A_1371 = arith.index_cast %and3A_1078 : i32 to index
        %get3A_1372 = arith.index_cast %add3A_1366 : i32 to index
        %get3A_1373 = arith.constant 16 : index
        %get3A_1374 = tpu.vector_load %arg6[%get3A_1371, %get3A_1372, %get3A_1373] {strides = array<i32>} : memref<2x832x32xf32, #tpu.memory_space<vmem>>, vector<16xf32>,
        tpu.vector_store_idx %arg7[%add3A_525, %select_n3A_18, %add3A_1294], %get3A_1370 : memref<52x8x65xf32, #tpu.memory_space<vmem>>[vector<16xi32>, vector<16xi32>, vector<16xi32>], vector<16xf32>,
        tpu.vector_store_idx %arg7[%add3A_559, %select_n3A_18, %add3A_1294], %get3A_1374 : memref<52x8x65xf32, #tpu.memory_space<vmem>>[vector<16xi32>, vector<16xi32>, vector<16xi32>], vector<16xf32>,
        %add3A_1375 = arith.constant 512 : i32
        %add3A_1376 = arith.addi %add3A_1375, %scan3A_1292 : i32
        %get3A_1377 = arith.index_cast %and3A_1078 : i32 to index
        %get3A_1378 = arith.index_cast %add3A_1376 : i32 to index
        %get3A_1379 = arith.constant 0 : index
        %get3A_1380 = tpu.vector_load %arg6[%get3A_1377, %get3A_1378, %get3A_1379] {strides = array<i32>} : memref<2x832x32xf32, #tpu.memory_space<vmem>>, vector<16xf32>,
        %get3A_1381 = arith.index_cast %and3A_1078 : i32 to index
        %get3A_1382 = arith.index_cast %add3A_1376 : i32 to index
        %get3A_1383 = arith.constant 16 : index
        %get3A_1384 = tpu.vector_load %arg6[%get3A_1381, %get3A_1382, %get3A_1383] {strides = array<i32>} : memref<2x832x32xf32, #tpu.memory_space<vmem>>, vector<16xf32>,
        tpu.vector_store_idx %arg7[%add3A_593, %select_n3A_18, %add3A_1294], %get3A_1380 : memref<52x8x65xf32, #tpu.memory_space<vmem>>[vector<16xi32>, vector<16xi32>, vector<16xi32>], vector<16xf32>,
        tpu.vector_store_idx %arg7[%add3A_627, %select_n3A_18, %add3A_1294], %get3A_1384 : memref<52x8x65xf32, #tpu.memory_space<vmem>>[vector<16xi32>, vector<16xi32>, vector<16xi32>], vector<16xf32>,
        %add3A_1385 = arith.constant 576 : i32
        %add3A_1386 = arith.addi %add3A_1385, %scan3A_1292 : i32
        %get3A_1387 = arith.index_cast %and3A_1078 : i32 to index
        %get3A_1388 = arith.index_cast %add3A_1386 : i32 to index
        %get3A_1389 = arith.constant 0 : index
        %get3A_1390 = tpu.vector_load %arg6[%get3A_1387, %get3A_1388, %get3A_1389] {strides = array<i32>} : memref<2x832x32xf32, #tpu.memory_space<vmem>>, vector<16xf32>,
        %get3A_1391 = arith.index_cast %and3A_1078 : i32 to index
        %get3A_1392 = arith.index_cast %add3A_1386 : i32 to index
        %get3A_1393 = arith.constant 16 : index
        %get3A_1394 = tpu.vector_load %arg6[%get3A_1391, %get3A_1392, %get3A_1393] {strides = array<i32>} : memref<2x832x32xf32, #tpu.memory_space<vmem>>, vector<16xf32>,
        tpu.vector_store_idx %arg7[%add3A_661, %select_n3A_18, %add3A_1294], %get3A_1390 : memref<52x8x65xf32, #tpu.memory_space<vmem>>[vector<16xi32>, vector<16xi32>, vector<16xi32>], vector<16xf32>,
        tpu.vector_store_idx %arg7[%add3A_695, %select_n3A_18, %add3A_1294], %get3A_1394 : memref<52x8x65xf32, #tpu.memory_space<vmem>>[vector<16xi32>, vector<16xi32>, vector<16xi32>], vector<16xf32>,
        %add3A_1395 = arith.constant 640 : i32
        %add3A_1396 = arith.addi %add3A_1395, %scan3A_1292 : i32
        %get3A_1397 = arith.index_cast %and3A_1078 : i32 to index
        %get3A_1398 = arith.index_cast %add3A_1396 : i32 to index
        %get3A_1399 = arith.constant 0 : index
        %get3A_1400 = tpu.vector_load %arg6[%get3A_1397, %get3A_1398, %get3A_1399] {strides = array<i32>} : memref<2x832x32xf32, #tpu.memory_space<vmem>>, vector<16xf32>,
        %get3A_1401 = arith.index_cast %and3A_1078 : i32 to index
        %get3A_1402 = arith.index_cast %add3A_1396 : i32 to index
        %get3A_1403 = arith.constant 16 : index
        %get3A_1404 = tpu.vector_load %arg6[%get3A_1401, %get3A_1402, %get3A_1403] {strides = array<i32>} : memref<2x832x32xf32, #tpu.memory_space<vmem>>, vector<16xf32>,
        tpu.vector_store_idx %arg7[%add3A_729, %select_n3A_18, %add3A_1294], %get3A_1400 : memref<52x8x65xf32, #tpu.memory_space<vmem>>[vector<16xi32>, vector<16xi32>, vector<16xi32>], vector<16xf32>,
        tpu.vector_store_idx %arg7[%add3A_763, %select_n3A_18, %add3A_1294], %get3A_1404 : memref<52x8x65xf32, #tpu.memory_space<vmem>>[vector<16xi32>, vector<16xi32>, vector<16xi32>], vector<16xf32>,
        %add3A_1405 = arith.constant 704 : i32
        %add3A_1406 = arith.addi %add3A_1405, %scan3A_1292 : i32
        %get3A_1407 = arith.index_cast %and3A_1078 : i32 to index
        %get3A_1408 = arith.index_cast %add3A_1406 : i32 to index
        %get3A_1409 = arith.constant 0 : index
        %get3A_1410 = tpu.vector_load %arg6[%get3A_1407, %get3A_1408, %get3A_1409] {strides = array<i32>} : memref<2x832x32xf32, #tpu.memory_space<vmem>>, vector<16xf32>,
        %get3A_1411 = arith.index_cast %and3A_1078 : i32 to index
        %get3A_1412 = arith.index_cast %add3A_1406 : i32 to index
        %get3A_1413 = arith.constant 16 : index
        %get3A_1414 = tpu.vector_load %arg6[%get3A_1411, %get3A_1412, %get3A_1413] {strides = array<i32>} : memref<2x832x32xf32, #tpu.memory_space<vmem>>, vector<16xf32>,
        tpu.vector_store_idx %arg7[%add3A_797, %select_n3A_18, %add3A_1294], %get3A_1410 : memref<52x8x65xf32, #tpu.memory_space<vmem>>[vector<16xi32>, vector<16xi32>, vector<16xi32>], vector<16xf32>,
        tpu.vector_store_idx %arg7[%add3A_831, %select_n3A_18, %add3A_1294], %get3A_1414 : memref<52x8x65xf32, #tpu.memory_space<vmem>>[vector<16xi32>, vector<16xi32>, vector<16xi32>], vector<16xf32>,
        %add3A_1415 = arith.constant 768 : i32
        %add3A_1416 = arith.addi %add3A_1415, %scan3A_1292 : i32
        %get3A_1417 = arith.index_cast %and3A_1078 : i32 to index
        %get3A_1418 = arith.index_cast %add3A_1416 : i32 to index
        %get3A_1419 = arith.constant 0 : index
        %get3A_1420 = tpu.vector_load %arg6[%get3A_1417, %get3A_1418, %get3A_1419] {strides = array<i32>} : memref<2x832x32xf32, #tpu.memory_space<vmem>>, vector<16xf32>,
        %get3A_1421 = arith.index_cast %and3A_1078 : i32 to index
        %get3A_1422 = arith.index_cast %add3A_1416 : i32 to index
        %get3A_1423 = arith.constant 16 : index
        %get3A_1424 = tpu.vector_load %arg6[%get3A_1421, %get3A_1422, %get3A_1423] {strides = array<i32>} : memref<2x832x32xf32, #tpu.memory_space<vmem>>, vector<16xf32>,
        tpu.vector_store_idx %arg7[%add3A_865, %select_n3A_18, %add3A_1294], %get3A_1420 : memref<52x8x65xf32, #tpu.memory_space<vmem>>[vector<16xi32>, vector<16xi32>, vector<16xi32>], vector<16xf32>,
        tpu.vector_store_idx %arg7[%add3A_899, %select_n3A_18, %add3A_1294], %get3A_1424 : memref<52x8x65xf32, #tpu.memory_space<vmem>>[vector<16xi32>, vector<16xi32>, vector<16xi32>], vector<16xf32>,
        %scan3A_1425 = arith.constant 2 : i32
        %scan3A_1426 = arith.addi %scan3A_1159, %scan3A_1425 : i32
        %add3A_1427 = vector.broadcast %scan3A_1426 : i32 to vector<16xi32>
        %add3A_1428 = arith.addi %mul3A_3, %add3A_1427 : vector<16xi32>
        %add3A_1429 = arith.constant 0 : i32
        %add3A_1430 = arith.addi %add3A_1429, %scan3A_1426 : i32
        %get3A_1431 = arith.index_cast %and3A_1078 : i32 to index
        %get3A_1432 = arith.index_cast %add3A_1430 : i32 to index
        %get3A_1433 = arith.constant 0 : index
        %get3A_1434 = tpu.vector_load %arg6[%get3A_1431, %get3A_1432, %get3A_1433] {strides = array<i32>} : memref<2x832x32xf32, #tpu.memory_space<vmem>>, vector<16xf32>,
        %get3A_1435 = arith.index_cast %and3A_1078 : i32 to index
        %get3A_1436 = arith.index_cast %add3A_1430 : i32 to index
        %get3A_1437 = arith.constant 16 : index
        %get3A_1438 = tpu.vector_load %arg6[%get3A_1435, %get3A_1436, %get3A_1437] {strides = array<i32>} : memref<2x832x32xf32, #tpu.memory_space<vmem>>, vector<16xf32>,
        tpu.vector_store_idx %arg7[%add3A_49, %select_n3A_18, %add3A_1428], %get3A_1434 : memref<52x8x65xf32, #tpu.memory_space<vmem>>[vector<16xi32>, vector<16xi32>, vector<16xi32>], vector<16xf32>,
        tpu.vector_store_idx %arg7[%add3A_83, %select_n3A_18, %add3A_1428], %get3A_1438 : memref<52x8x65xf32, #tpu.memory_space<vmem>>[vector<16xi32>, vector<16xi32>, vector<16xi32>], vector<16xf32>,
        %add3A_1439 = arith.constant 64 : i32
        %add3A_1440 = arith.addi %add3A_1439, %scan3A_1426 : i32
        %get3A_1441 = arith.index_cast %and3A_1078 : i32 to index
        %get3A_1442 = arith.index_cast %add3A_1440 : i32 to index
        %get3A_1443 = arith.constant 0 : index
        %get3A_1444 = tpu.vector_load %arg6[%get3A_1441, %get3A_1442, %get3A_1443] {strides = array<i32>} : memref<2x832x32xf32, #tpu.memory_space<vmem>>, vector<16xf32>,
        %get3A_1445 = arith.index_cast %and3A_1078 : i32 to index
        %get3A_1446 = arith.index_cast %add3A_1440 : i32 to index
        %get3A_1447 = arith.constant 16 : index
        %get3A_1448 = tpu.vector_load %arg6[%get3A_1445, %get3A_1446, %get3A_1447] {strides = array<i32>} : memref<2x832x32xf32, #tpu.memory_space<vmem>>, vector<16xf32>,
        tpu.vector_store_idx %arg7[%add3A_117, %select_n3A_18, %add3A_1428], %get3A_1444 : memref<52x8x65xf32, #tpu.memory_space<vmem>>[vector<16xi32>, vector<16xi32>, vector<16xi32>], vector<16xf32>,
        tpu.vector_store_idx %arg7[%add3A_151, %select_n3A_18, %add3A_1428], %get3A_1448 : memref<52x8x65xf32, #tpu.memory_space<vmem>>[vector<16xi32>, vector<16xi32>, vector<16xi32>], vector<16xf32>,
        %add3A_1449 = arith.constant 128 : i32
        %add3A_1450 = arith.addi %add3A_1449, %scan3A_1426 : i32
        %get3A_1451 = arith.index_cast %and3A_1078 : i32 to index
        %get3A_1452 = arith.index_cast %add3A_1450 : i32 to index
        %get3A_1453 = arith.constant 0 : index
        %get3A_1454 = tpu.vector_load %arg6[%get3A_1451, %get3A_1452, %get3A_1453] {strides = array<i32>} : memref<2x832x32xf32, #tpu.memory_space<vmem>>, vector<16xf32>,
        %get3A_1455 = arith.index_cast %and3A_1078 : i32 to index
        %get3A_1456 = arith.index_cast %add3A_1450 : i32 to index
        %get3A_1457 = arith.constant 16 : index
        %get3A_1458 = tpu.vector_load %arg6[%get3A_1455, %get3A_1456, %get3A_1457] {strides = array<i32>} : memref<2x832x32xf32, #tpu.memory_space<vmem>>, vector<16xf32>,
        tpu.vector_store_idx %arg7[%add3A_185, %select_n3A_18, %add3A_1428], %get3A_1454 : memref<52x8x65xf32, #tpu.memory_space<vmem>>[vector<16xi32>, vector<16xi32>, vector<16xi32>], vector<16xf32>,
        tpu.vector_store_idx %arg7[%add3A_219, %select_n3A_18, %add3A_1428], %get3A_1458 : memref<52x8x65xf32, #tpu.memory_space<vmem>>[vector<16xi32>, vector<16xi32>, vector<16xi32>], vector<16xf32>,
        %add3A_1459 = arith.constant 192 : i32
        %add3A_1460 = arith.addi %add3A_1459, %scan3A_1426 : i32
        %get3A_1461 = arith.index_cast %and3A_1078 : i32 to index
        %get3A_1462 = arith.index_cast %add3A_1460 : i32 to index
        %get3A_1463 = arith.constant 0 : index
        %get3A_1464 = tpu.vector_load %arg6[%get3A_1461, %get3A_1462, %get3A_1463] {strides = array<i32>} : memref<2x832x32xf32, #tpu.memory_space<vmem>>, vector<16xf32>,
        %get3A_1465 = arith.index_cast %and3A_1078 : i32 to index
        %get3A_1466 = arith.index_cast %add3A_1460 : i32 to index
        %get3A_1467 = arith.constant 16 : index
        %get3A_1468 = tpu.vector_load %arg6[%get3A_1465, %get3A_1466, %get3A_1467] {strides = array<i32>} : memref<2x832x32xf32, #tpu.memory_space<vmem>>, vector<16xf32>,
        tpu.vector_store_idx %arg7[%add3A_253, %select_n3A_18, %add3A_1428], %get3A_1464 : memref<52x8x65xf32, #tpu.memory_space<vmem>>[vector<16xi32>, vector<16xi32>, vector<16xi32>], vector<16xf32>,
        tpu.vector_store_idx %arg7[%add3A_287, %select_n3A_18, %add3A_1428], %get3A_1468 : memref<52x8x65xf32, #tpu.memory_space<vmem>>[vector<16xi32>, vector<16xi32>, vector<16xi32>], vector<16xf32>,
        %add3A_1469 = arith.constant 256 : i32
        %add3A_1470 = arith.addi %add3A_1469, %scan3A_1426 : i32
        %get3A_1471 = arith.index_cast %and3A_1078 : i32 to index
        %get3A_1472 = arith.index_cast %add3A_1470 : i32 to index
        %get3A_1473 = arith.constant 0 : index
        %get3A_1474 = tpu.vector_load %arg6[%get3A_1471, %get3A_1472, %get3A_1473] {strides = array<i32>} : memref<2x832x32xf32, #tpu.memory_space<vmem>>, vector<16xf32>,
        %get3A_1475 = arith.index_cast %and3A_1078 : i32 to index
        %get3A_1476 = arith.index_cast %add3A_1470 : i32 to index
        %get3A_1477 = arith.constant 16 : index
        %get3A_1478 = tpu.vector_load %arg6[%get3A_1475, %get3A_1476, %get3A_1477] {strides = array<i32>} : memref<2x832x32xf32, #tpu.memory_space<vmem>>, vector<16xf32>,
        tpu.vector_store_idx %arg7[%add3A_321, %select_n3A_18, %add3A_1428], %get3A_1474 : memref<52x8x65xf32, #tpu.memory_space<vmem>>[vector<16xi32>, vector<16xi32>, vector<16xi32>], vector<16xf32>,
        tpu.vector_store_idx %arg7[%add3A_355, %select_n3A_18, %add3A_1428], %get3A_1478 : memref<52x8x65xf32, #tpu.memory_space<vmem>>[vector<16xi32>, vector<16xi32>, vector<16xi32>], vector<16xf32>,
        %add3A_1479 = arith.constant 320 : i32
        %add3A_1480 = arith.addi %add3A_1479, %scan3A_1426 : i32
        %get3A_1481 = arith.index_cast %and3A_1078 : i32 to index
        %get3A_1482 = arith.index_cast %add3A_1480 : i32 to index
        %get3A_1483 = arith.constant 0 : index
        %get3A_1484 = tpu.vector_load %arg6[%get3A_1481, %get3A_1482, %get3A_1483] {strides = array<i32>} : memref<2x832x32xf32, #tpu.memory_space<vmem>>, vector<16xf32>,
        %get3A_1485 = arith.index_cast %and3A_1078 : i32 to index
        %get3A_1486 = arith.index_cast %add3A_1480 : i32 to index
        %get3A_1487 = arith.constant 16 : index
        %get3A_1488 = tpu.vector_load %arg6[%get3A_1485, %get3A_1486, %get3A_1487] {strides = array<i32>} : memref<2x832x32xf32, #tpu.memory_space<vmem>>, vector<16xf32>,
        tpu.vector_store_idx %arg7[%add3A_389, %select_n3A_18, %add3A_1428], %get3A_1484 : memref<52x8x65xf32, #tpu.memory_space<vmem>>[vector<16xi32>, vector<16xi32>, vector<16xi32>], vector<16xf32>,
        tpu.vector_store_idx %arg7[%add3A_423, %select_n3A_18, %add3A_1428], %get3A_1488 : memref<52x8x65xf32, #tpu.memory_space<vmem>>[vector<16xi32>, vector<16xi32>, vector<16xi32>], vector<16xf32>,
        %add3A_1489 = arith.constant 384 : i32
        %add3A_1490 = arith.addi %add3A_1489, %scan3A_1426 : i32
        %get3A_1491 = arith.index_cast %and3A_1078 : i32 to index
        %get3A_1492 = arith.index_cast %add3A_1490 : i32 to index
        %get3A_1493 = arith.constant 0 : index
        %get3A_1494 = tpu.vector_load %arg6[%get3A_1491, %get3A_1492, %get3A_1493] {strides = array<i32>} : memref<2x832x32xf32, #tpu.memory_space<vmem>>, vector<16xf32>,
        %get3A_1495 = arith.index_cast %and3A_1078 : i32 to index
        %get3A_1496 = arith.index_cast %add3A_1490 : i32 to index
        %get3A_1497 = arith.constant 16 : index
        %get3A_1498 = tpu.vector_load %arg6[%get3A_1495, %get3A_1496, %get3A_1497] {strides = array<i32>} : memref<2x832x32xf32, #tpu.memory_space<vmem>>, vector<16xf32>,
        tpu.vector_store_idx %arg7[%add3A_457, %select_n3A_18, %add3A_1428], %get3A_1494 : memref<52x8x65xf32, #tpu.memory_space<vmem>>[vector<16xi32>, vector<16xi32>, vector<16xi32>], vector<16xf32>,
        tpu.vector_store_idx %arg7[%add3A_491, %select_n3A_18, %add3A_1428], %get3A_1498 : memref<52x8x65xf32, #tpu.memory_space<vmem>>[vector<16xi32>, vector<16xi32>, vector<16xi32>], vector<16xf32>,
        %add3A_1499 = arith.constant 448 : i32
        %add3A_1500 = arith.addi %add3A_1499, %scan3A_1426 : i32
        %get3A_1501 = arith.index_cast %and3A_1078 : i32 to index
        %get3A_1502 = arith.index_cast %add3A_1500 : i32 to index
        %get3A_1503 = arith.constant 0 : index
        %get3A_1504 = tpu.vector_load %arg6[%get3A_1501, %get3A_1502, %get3A_1503] {strides = array<i32>} : memref<2x832x32xf32, #tpu.memory_space<vmem>>, vector<16xf32>,
        %get3A_1505 = arith.index_cast %and3A_1078 : i32 to index
        %get3A_1506 = arith.index_cast %add3A_1500 : i32 to index
        %get3A_1507 = arith.constant 16 : index
        %get3A_1508 = tpu.vector_load %arg6[%get3A_1505, %get3A_1506, %get3A_1507] {strides = array<i32>} : memref<2x832x32xf32, #tpu.memory_space<vmem>>, vector<16xf32>,
        tpu.vector_store_idx %arg7[%add3A_525, %select_n3A_18, %add3A_1428], %get3A_1504 : memref<52x8x65xf32, #tpu.memory_space<vmem>>[vector<16xi32>, vector<16xi32>, vector<16xi32>], vector<16xf32>,
        tpu.vector_store_idx %arg7[%add3A_559, %select_n3A_18, %add3A_1428], %get3A_1508 : memref<52x8x65xf32, #tpu.memory_space<vmem>>[vector<16xi32>, vector<16xi32>, vector<16xi32>], vector<16xf32>,
        %add3A_1509 = arith.constant 512 : i32
        %add3A_1510 = arith.addi %add3A_1509, %scan3A_1426 : i32
        %get3A_1511 = arith.index_cast %and3A_1078 : i32 to index
        %get3A_1512 = arith.index_cast %add3A_1510 : i32 to index
        %get3A_1513 = arith.constant 0 : index
        %get3A_1514 = tpu.vector_load %arg6[%get3A_1511, %get3A_1512, %get3A_1513] {strides = array<i32>} : memref<2x832x32xf32, #tpu.memory_space<vmem>>, vector<16xf32>,
        %get3A_1515 = arith.index_cast %and3A_1078 : i32 to index
        %get3A_1516 = arith.index_cast %add3A_1510 : i32 to index
        %get3A_1517 = arith.constant 16 : index
        %get3A_1518 = tpu.vector_load %arg6[%get3A_1515, %get3A_1516, %get3A_1517] {strides = array<i32>} : memref<2x832x32xf32, #tpu.memory_space<vmem>>, vector<16xf32>,
        tpu.vector_store_idx %arg7[%add3A_593, %select_n3A_18, %add3A_1428], %get3A_1514 : memref<52x8x65xf32, #tpu.memory_space<vmem>>[vector<16xi32>, vector<16xi32>, vector<16xi32>], vector<16xf32>,
        tpu.vector_store_idx %arg7[%add3A_627, %select_n3A_18, %add3A_1428], %get3A_1518 : memref<52x8x65xf32, #tpu.memory_space<vmem>>[vector<16xi32>, vector<16xi32>, vector<16xi32>], vector<16xf32>,
        %add3A_1519 = arith.constant 576 : i32
        %add3A_1520 = arith.addi %add3A_1519, %scan3A_1426 : i32
        %get3A_1521 = arith.index_cast %and3A_1078 : i32 to index
        %get3A_1522 = arith.index_cast %add3A_1520 : i32 to index
        %get3A_1523 = arith.constant 0 : index
        %get3A_1524 = tpu.vector_load %arg6[%get3A_1521, %get3A_1522, %get3A_1523] {strides = array<i32>} : memref<2x832x32xf32, #tpu.memory_space<vmem>>, vector<16xf32>,
        %get3A_1525 = arith.index_cast %and3A_1078 : i32 to index
        %get3A_1526 = arith.index_cast %add3A_1520 : i32 to index
        %get3A_1527 = arith.constant 16 : index
        %get3A_1528 = tpu.vector_load %arg6[%get3A_1525, %get3A_1526, %get3A_1527] {strides = array<i32>} : memref<2x832x32xf32, #tpu.memory_space<vmem>>, vector<16xf32>,
        tpu.vector_store_idx %arg7[%add3A_661, %select_n3A_18, %add3A_1428], %get3A_1524 : memref<52x8x65xf32, #tpu.memory_space<vmem>>[vector<16xi32>, vector<16xi32>, vector<16xi32>], vector<16xf32>,
        tpu.vector_store_idx %arg7[%add3A_695, %select_n3A_18, %add3A_1428], %get3A_1528 : memref<52x8x65xf32, #tpu.memory_space<vmem>>[vector<16xi32>, vector<16xi32>, vector<16xi32>], vector<16xf32>,
        %add3A_1529 = arith.constant 640 : i32
        %add3A_1530 = arith.addi %add3A_1529, %scan3A_1426 : i32
        %get3A_1531 = arith.index_cast %and3A_1078 : i32 to index
        %get3A_1532 = arith.index_cast %add3A_1530 : i32 to index
        %get3A_1533 = arith.constant 0 : index
        %get3A_1534 = tpu.vector_load %arg6[%get3A_1531, %get3A_1532, %get3A_1533] {strides = array<i32>} : memref<2x832x32xf32, #tpu.memory_space<vmem>>, vector<16xf32>,
        %get3A_1535 = arith.index_cast %and3A_1078 : i32 to index
        %get3A_1536 = arith.index_cast %add3A_1530 : i32 to index
        %get3A_1537 = arith.constant 16 : index
        %get3A_1538 = tpu.vector_load %arg6[%get3A_1535, %get3A_1536, %get3A_1537] {strides = array<i32>} : memref<2x832x32xf32, #tpu.memory_space<vmem>>, vector<16xf32>,
        tpu.vector_store_idx %arg7[%add3A_729, %select_n3A_18, %add3A_1428], %get3A_1534 : memref<52x8x65xf32, #tpu.memory_space<vmem>>[vector<16xi32>, vector<16xi32>, vector<16xi32>], vector<16xf32>,
        tpu.vector_store_idx %arg7[%add3A_763, %select_n3A_18, %add3A_1428], %get3A_1538 : memref<52x8x65xf32, #tpu.memory_space<vmem>>[vector<16xi32>, vector<16xi32>, vector<16xi32>], vector<16xf32>,
        %add3A_1539 = arith.constant 704 : i32
        %add3A_1540 = arith.addi %add3A_1539, %scan3A_1426 : i32
        %get3A_1541 = arith.index_cast %and3A_1078 : i32 to index
        %get3A_1542 = arith.index_cast %add3A_1540 : i32 to index
        %get3A_1543 = arith.constant 0 : index
        %get3A_1544 = tpu.vector_load %arg6[%get3A_1541, %get3A_1542, %get3A_1543] {strides = array<i32>} : memref<2x832x32xf32, #tpu.memory_space<vmem>>, vector<16xf32>,
        %get3A_1545 = arith.index_cast %and3A_1078 : i32 to index
        %get3A_1546 = arith.index_cast %add3A_1540 : i32 to index
        %get3A_1547 = arith.constant 16 : index
        %get3A_1548 = tpu.vector_load %arg6[%get3A_1545, %get3A_1546, %get3A_1547] {strides = array<i32>} : memref<2x832x32xf32, #tpu.memory_space<vmem>>, vector<16xf32>,
        tpu.vector_store_idx %arg7[%add3A_797, %select_n3A_18, %add3A_1428], %get3A_1544 : memref<52x8x65xf32, #tpu.memory_space<vmem>>[vector<16xi32>, vector<16xi32>, vector<16xi32>], vector<16xf32>,
        tpu.vector_store_idx %arg7[%add3A_831, %select_n3A_18, %add3A_1428], %get3A_1548 : memref<52x8x65xf32, #tpu.memory_space<vmem>>[vector<16xi32>, vector<16xi32>, vector<16xi32>], vector<16xf32>,
        %add3A_1549 = arith.constant 768 : i32
        %add3A_1550 = arith.addi %add3A_1549, %scan3A_1426 : i32
        %get3A_1551 = arith.index_cast %and3A_1078 : i32 to index
        %get3A_1552 = arith.index_cast %add3A_1550 : i32 to index
        %get3A_1553 = arith.constant 0 : index
        %get3A_1554 = tpu.vector_load %arg6[%get3A_1551, %get3A_1552, %get3A_1553] {strides = array<i32>} : memref<2x832x32xf32, #tpu.memory_space<vmem>>, vector<16xf32>,
        %get3A_1555 = arith.index_cast %and3A_1078 : i32 to index
        %get3A_1556 = arith.index_cast %add3A_1550 : i32 to index
        %get3A_1557 = arith.constant 16 : index
        %get3A_1558 = tpu.vector_load %arg6[%get3A_1555, %get3A_1556, %get3A_1557] {strides = array<i32>} : memref<2x832x32xf32, #tpu.memory_space<vmem>>, vector<16xf32>,
        tpu.vector_store_idx %arg7[%add3A_865, %select_n3A_18, %add3A_1428], %get3A_1554 : memref<52x8x65xf32, #tpu.memory_space<vmem>>[vector<16xi32>, vector<16xi32>, vector<16xi32>], vector<16xf32>,
        tpu.vector_store_idx %arg7[%add3A_899, %select_n3A_18, %add3A_1428], %get3A_1558 : memref<52x8x65xf32, #tpu.memory_space<vmem>>[vector<16xi32>, vector<16xi32>, vector<16xi32>], vector<16xf32>,
        %scan3A_1559 = arith.constant 3 : i32
        %scan3A_1560 = arith.addi %scan3A_1159, %scan3A_1559 : i32
        %add3A_1561 = vector.broadcast %scan3A_1560 : i32 to vector<16xi32>
        %add3A_1562 = arith.addi %mul3A_3, %add3A_1561 : vector<16xi32>
        %add3A_1563 = arith.constant 0 : i32
        %add3A_1564 = arith.addi %add3A_1563, %scan3A_1560 : i32
        %get3A_1565 = arith.index_cast %and3A_1078 : i32 to index
        %get3A_1566 = arith.index_cast %add3A_1564 : i32 to index
        %get3A_1567 = arith.constant 0 : index
        %get3A_1568 = tpu.vector_load %arg6[%get3A_1565, %get3A_1566, %get3A_1567] {strides = array<i32>} : memref<2x832x32xf32, #tpu.memory_space<vmem>>, vector<16xf32>,
        %get3A_1569 = arith.index_cast %and3A_1078 : i32 to index
        %get3A_1570 = arith.index_cast %add3A_1564 : i32 to index
        %get3A_1571 = arith.constant 16 : index
        %get3A_1572 = tpu.vector_load %arg6[%get3A_1569, %get3A_1570, %get3A_1571] {strides = array<i32>} : memref<2x832x32xf32, #tpu.memory_space<vmem>>, vector<16xf32>,
        tpu.vector_store_idx %arg7[%add3A_49, %select_n3A_18, %add3A_1562], %get3A_1568 : memref<52x8x65xf32, #tpu.memory_space<vmem>>[vector<16xi32>, vector<16xi32>, vector<16xi32>], vector<16xf32>,
        tpu.vector_store_idx %arg7[%add3A_83, %select_n3A_18, %add3A_1562], %get3A_1572 : memref<52x8x65xf32, #tpu.memory_space<vmem>>[vector<16xi32>, vector<16xi32>, vector<16xi32>], vector<16xf32>,
        %add3A_1573 = arith.constant 64 : i32
        %add3A_1574 = arith.addi %add3A_1573, %scan3A_1560 : i32
        %get3A_1575 = arith.index_cast %and3A_1078 : i32 to index
        %get3A_1576 = arith.index_cast %add3A_1574 : i32 to index
        %get3A_1577 = arith.constant 0 : index
        %get3A_1578 = tpu.vector_load %arg6[%get3A_1575, %get3A_1576, %get3A_1577] {strides = array<i32>} : memref<2x832x32xf32, #tpu.memory_space<vmem>>, vector<16xf32>,
        %get3A_1579 = arith.index_cast %and3A_1078 : i32 to index
        %get3A_1580 = arith.index_cast %add3A_1574 : i32 to index
        %get3A_1581 = arith.constant 16 : index
        %get3A_1582 = tpu.vector_load %arg6[%get3A_1579, %get3A_1580, %get3A_1581] {strides = array<i32>} : memref<2x832x32xf32, #tpu.memory_space<vmem>>, vector<16xf32>,
        tpu.vector_store_idx %arg7[%add3A_117, %select_n3A_18, %add3A_1562], %get3A_1578 : memref<52x8x65xf32, #tpu.memory_space<vmem>>[vector<16xi32>, vector<16xi32>, vector<16xi32>], vector<16xf32>,
        tpu.vector_store_idx %arg7[%add3A_151, %select_n3A_18, %add3A_1562], %get3A_1582 : memref<52x8x65xf32, #tpu.memory_space<vmem>>[vector<16xi32>, vector<16xi32>, vector<16xi32>], vector<16xf32>,
        %add3A_1583 = arith.constant 128 : i32
        %add3A_1584 = arith.addi %add3A_1583, %scan3A_1560 : i32
        %get3A_1585 = arith.index_cast %and3A_1078 : i32 to index
        %get3A_1586 = arith.index_cast %add3A_1584 : i32 to index
        %get3A_1587 = arith.constant 0 : index
        %get3A_1588 = tpu.vector_load %arg6[%get3A_1585, %get3A_1586, %get3A_1587] {strides = array<i32>} : memref<2x832x32xf32, #tpu.memory_space<vmem>>, vector<16xf32>,
        %get3A_1589 = arith.index_cast %and3A_1078 : i32 to index
        %get3A_1590 = arith.index_cast %add3A_1584 : i32 to index
        %get3A_1591 = arith.constant 16 : index
        %get3A_1592 = tpu.vector_load %arg6[%get3A_1589, %get3A_1590, %get3A_1591] {strides = array<i32>} : memref<2x832x32xf32, #tpu.memory_space<vmem>>, vector<16xf32>,
        tpu.vector_store_idx %arg7[%add3A_185, %select_n3A_18, %add3A_1562], %get3A_1588 : memref<52x8x65xf32, #tpu.memory_space<vmem>>[vector<16xi32>, vector<16xi32>, vector<16xi32>], vector<16xf32>,
        tpu.vector_store_idx %arg7[%add3A_219, %select_n3A_18, %add3A_1562], %get3A_1592 : memref<52x8x65xf32, #tpu.memory_space<vmem>>[vector<16xi32>, vector<16xi32>, vector<16xi32>], vector<16xf32>,
        %add3A_1593 = arith.constant 192 : i32
        %add3A_1594 = arith.addi %add3A_1593, %scan3A_1560 : i32
        %get3A_1595 = arith.index_cast %and3A_1078 : i32 to index
        %get3A_1596 = arith.index_cast %add3A_1594 : i32 to index
        %get3A_1597 = arith.constant 0 : index
        %get3A_1598 = tpu.vector_load %arg6[%get3A_1595, %get3A_1596, %get3A_1597] {strides = array<i32>} : memref<2x832x32xf32, #tpu.memory_space<vmem>>, vector<16xf32>,
        %get3A_1599 = arith.index_cast %and3A_1078 : i32 to index
        %get3A_1600 = arith.index_cast %add3A_1594 : i32 to index
        %get3A_1601 = arith.constant 16 : index
        %get3A_1602 = tpu.vector_load %arg6[%get3A_1599, %get3A_1600, %get3A_1601] {strides = array<i32>} : memref<2x832x32xf32, #tpu.memory_space<vmem>>, vector<16xf32>,
        tpu.vector_store_idx %arg7[%add3A_253, %select_n3A_18, %add3A_1562], %get3A_1598 : memref<52x8x65xf32, #tpu.memory_space<vmem>>[vector<16xi32>, vector<16xi32>, vector<16xi32>], vector<16xf32>,
        tpu.vector_store_idx %arg7[%add3A_287, %select_n3A_18, %add3A_1562], %get3A_1602 : memref<52x8x65xf32, #tpu.memory_space<vmem>>[vector<16xi32>, vector<16xi32>, vector<16xi32>], vector<16xf32>,
        %add3A_1603 = arith.constant 256 : i32
        %add3A_1604 = arith.addi %add3A_1603, %scan3A_1560 : i32
        %get3A_1605 = arith.index_cast %and3A_1078 : i32 to index
        %get3A_1606 = arith.index_cast %add3A_1604 : i32 to index
        %get3A_1607 = arith.constant 0 : index
        %get3A_1608 = tpu.vector_load %arg6[%get3A_1605, %get3A_1606, %get3A_1607] {strides = array<i32>} : memref<2x832x32xf32, #tpu.memory_space<vmem>>, vector<16xf32>,
        %get3A_1609 = arith.index_cast %and3A_1078 : i32 to index
        %get3A_1610 = arith.index_cast %add3A_1604 : i32 to index
        %get3A_1611 = arith.constant 16 : index
        %get3A_1612 = tpu.vector_load %arg6[%get3A_1609, %get3A_1610, %get3A_1611] {strides = array<i32>} : memref<2x832x32xf32, #tpu.memory_space<vmem>>, vector<16xf32>,
        tpu.vector_store_idx %arg7[%add3A_321, %select_n3A_18, %add3A_1562], %get3A_1608 : memref<52x8x65xf32, #tpu.memory_space<vmem>>[vector<16xi32>, vector<16xi32>, vector<16xi32>], vector<16xf32>,
        tpu.vector_store_idx %arg7[%add3A_355, %select_n3A_18, %add3A_1562], %get3A_1612 : memref<52x8x65xf32, #tpu.memory_space<vmem>>[vector<16xi32>, vector<16xi32>, vector<16xi32>], vector<16xf32>,
        %add3A_1613 = arith.constant 320 : i32
        %add3A_1614 = arith.addi %add3A_1613, %scan3A_1560 : i32
        %get3A_1615 = arith.index_cast %and3A_1078 : i32 to index
        %get3A_1616 = arith.index_cast %add3A_1614 : i32 to index
        %get3A_1617 = arith.constant 0 : index
        %get3A_1618 = tpu.vector_load %arg6[%get3A_1615, %get3A_1616, %get3A_1617] {strides = array<i32>} : memref<2x832x32xf32, #tpu.memory_space<vmem>>, vector<16xf32>,
        %get3A_1619 = arith.index_cast %and3A_1078 : i32 to index
        %get3A_1620 = arith.index_cast %add3A_1614 : i32 to index
        %get3A_1621 = arith.constant 16 : index
        %get3A_1622 = tpu.vector_load %arg6[%get3A_1619, %get3A_1620, %get3A_1621] {strides = array<i32>} : memref<2x832x32xf32, #tpu.memory_space<vmem>>, vector<16xf32>,
        tpu.vector_store_idx %arg7[%add3A_389, %select_n3A_18, %add3A_1562], %get3A_1618 : memref<52x8x65xf32, #tpu.memory_space<vmem>>[vector<16xi32>, vector<16xi32>, vector<16xi32>], vector<16xf32>,
        tpu.vector_store_idx %arg7[%add3A_423, %select_n3A_18, %add3A_1562], %get3A_1622 : memref<52x8x65xf32, #tpu.memory_space<vmem>>[vector<16xi32>, vector<16xi32>, vector<16xi32>], vector<16xf32>,
        %add3A_1623 = arith.constant 384 : i32
        %add3A_1624 = arith.addi %add3A_1623, %scan3A_1560 : i32
        %get3A_1625 = arith.index_cast %and3A_1078 : i32 to index
        %get3A_1626 = arith.index_cast %add3A_1624 : i32 to index
        %get3A_1627 = arith.constant 0 : index
        %get3A_1628 = tpu.vector_load %arg6[%get3A_1625, %get3A_1626, %get3A_1627] {strides = array<i32>} : memref<2x832x32xf32, #tpu.memory_space<vmem>>, vector<16xf32>,
        %get3A_1629 = arith.index_cast %and3A_1078 : i32 to index
        %get3A_1630 = arith.index_cast %add3A_1624 : i32 to index
        %get3A_1631 = arith.constant 16 : index
        %get3A_1632 = tpu.vector_load %arg6[%get3A_1629, %get3A_1630, %get3A_1631] {strides = array<i32>} : memref<2x832x32xf32, #tpu.memory_space<vmem>>, vector<16xf32>,
        tpu.vector_store_idx %arg7[%add3A_457, %select_n3A_18, %add3A_1562], %get3A_1628 : memref<52x8x65xf32, #tpu.memory_space<vmem>>[vector<16xi32>, vector<16xi32>, vector<16xi32>], vector<16xf32>,
        tpu.vector_store_idx %arg7[%add3A_491, %select_n3A_18, %add3A_1562], %get3A_1632 : memref<52x8x65xf32, #tpu.memory_space<vmem>>[vector<16xi32>, vector<16xi32>, vector<16xi32>], vector<16xf32>,
        %add3A_1633 = arith.constant 448 : i32
        %add3A_1634 = arith.addi %add3A_1633, %scan3A_1560 : i32
        %get3A_1635 = arith.index_cast %and3A_1078 : i32 to index
        %get3A_1636 = arith.index_cast %add3A_1634 : i32 to index
        %get3A_1637 = arith.constant 0 : index
        %get3A_1638 = tpu.vector_load %arg6[%get3A_1635, %get3A_1636, %get3A_1637] {strides = array<i32>} : memref<2x832x32xf32, #tpu.memory_space<vmem>>, vector<16xf32>,
        %get3A_1639 = arith.index_cast %and3A_1078 : i32 to index
        %get3A_1640 = arith.index_cast %add3A_1634 : i32 to index
        %get3A_1641 = arith.constant 16 : index
        %get3A_1642 = tpu.vector_load %arg6[%get3A_1639, %get3A_1640, %get3A_1641] {strides = array<i32>} : memref<2x832x32xf32, #tpu.memory_space<vmem>>, vector<16xf32>,
        tpu.vector_store_idx %arg7[%add3A_525, %select_n3A_18, %add3A_1562], %get3A_1638 : memref<52x8x65xf32, #tpu.memory_space<vmem>>[vector<16xi32>, vector<16xi32>, vector<16xi32>], vector<16xf32>,
        tpu.vector_store_idx %arg7[%add3A_559, %select_n3A_18, %add3A_1562], %get3A_1642 : memref<52x8x65xf32, #tpu.memory_space<vmem>>[vector<16xi32>, vector<16xi32>, vector<16xi32>], vector<16xf32>,
        %add3A_1643 = arith.constant 512 : i32
        %add3A_1644 = arith.addi %add3A_1643, %scan3A_1560 : i32
        %get3A_1645 = arith.index_cast %and3A_1078 : i32 to index
        %get3A_1646 = arith.index_cast %add3A_1644 : i32 to index
        %get3A_1647 = arith.constant 0 : index
        %get3A_1648 = tpu.vector_load %arg6[%get3A_1645, %get3A_1646, %get3A_1647] {strides = array<i32>} : memref<2x832x32xf32, #tpu.memory_space<vmem>>, vector<16xf32>,
        %get3A_1649 = arith.index_cast %and3A_1078 : i32 to index
        %get3A_1650 = arith.index_cast %add3A_1644 : i32 to index
        %get3A_1651 = arith.constant 16 : index
        %get3A_1652 = tpu.vector_load %arg6[%get3A_1649, %get3A_1650, %get3A_1651] {strides = array<i32>} : memref<2x832x32xf32, #tpu.memory_space<vmem>>, vector<16xf32>,
        tpu.vector_store_idx %arg7[%add3A_593, %select_n3A_18, %add3A_1562], %get3A_1648 : memref<52x8x65xf32, #tpu.memory_space<vmem>>[vector<16xi32>, vector<16xi32>, vector<16xi32>], vector<16xf32>,
        tpu.vector_store_idx %arg7[%add3A_627, %select_n3A_18, %add3A_1562], %get3A_1652 : memref<52x8x65xf32, #tpu.memory_space<vmem>>[vector<16xi32>, vector<16xi32>, vector<16xi32>], vector<16xf32>,
        %add3A_1653 = arith.constant 576 : i32
        %add3A_1654 = arith.addi %add3A_1653, %scan3A_1560 : i32
        %get3A_1655 = arith.index_cast %and3A_1078 : i32 to index
        %get3A_1656 = arith.index_cast %add3A_1654 : i32 to index
        %get3A_1657 = arith.constant 0 : index
        %get3A_1658 = tpu.vector_load %arg6[%get3A_1655, %get3A_1656, %get3A_1657] {strides = array<i32>} : memref<2x832x32xf32, #tpu.memory_space<vmem>>, vector<16xf32>,
        %get3A_1659 = arith.index_cast %and3A_1078 : i32 to index
        %get3A_1660 = arith.index_cast %add3A_1654 : i32 to index
        %get3A_1661 = arith.constant 16 : index
        %get3A_1662 = tpu.vector_load %arg6[%get3A_1659, %get3A_1660, %get3A_1661] {strides = array<i32>} : memref<2x832x32xf32, #tpu.memory_space<vmem>>, vector<16xf32>,
        tpu.vector_store_idx %arg7[%add3A_661, %select_n3A_18, %add3A_1562], %get3A_1658 : memref<52x8x65xf32, #tpu.memory_space<vmem>>[vector<16xi32>, vector<16xi32>, vector<16xi32>], vector<16xf32>,
        tpu.vector_store_idx %arg7[%add3A_695, %select_n3A_18, %add3A_1562], %get3A_1662 : memref<52x8x65xf32, #tpu.memory_space<vmem>>[vector<16xi32>, vector<16xi32>, vector<16xi32>], vector<16xf32>,
        %add3A_1663 = arith.constant 640 : i32
        %add3A_1664 = arith.addi %add3A_1663, %scan3A_1560 : i32
        %get3A_1665 = arith.index_cast %and3A_1078 : i32 to index
        %get3A_1666 = arith.index_cast %add3A_1664 : i32 to index
        %get3A_1667 = arith.constant 0 : index
        %get3A_1668 = tpu.vector_load %arg6[%get3A_1665, %get3A_1666, %get3A_1667] {strides = array<i32>} : memref<2x832x32xf32, #tpu.memory_space<vmem>>, vector<16xf32>,
        %get3A_1669 = arith.index_cast %and3A_1078 : i32 to index
        %get3A_1670 = arith.index_cast %add3A_1664 : i32 to index
        %get3A_1671 = arith.constant 16 : index
        %get3A_1672 = tpu.vector_load %arg6[%get3A_1669, %get3A_1670, %get3A_1671] {strides = array<i32>} : memref<2x832x32xf32, #tpu.memory_space<vmem>>, vector<16xf32>,
        tpu.vector_store_idx %arg7[%add3A_729, %select_n3A_18, %add3A_1562], %get3A_1668 : memref<52x8x65xf32, #tpu.memory_space<vmem>>[vector<16xi32>, vector<16xi32>, vector<16xi32>], vector<16xf32>,
        tpu.vector_store_idx %arg7[%add3A_763, %select_n3A_18, %add3A_1562], %get3A_1672 : memref<52x8x65xf32, #tpu.memory_space<vmem>>[vector<16xi32>, vector<16xi32>, vector<16xi32>], vector<16xf32>,
        %add3A_1673 = arith.constant 704 : i32
        %add3A_1674 = arith.addi %add3A_1673, %scan3A_1560 : i32
        %get3A_1675 = arith.index_cast %and3A_1078 : i32 to index
        %get3A_1676 = arith.index_cast %add3A_1674 : i32 to index
        %get3A_1677 = arith.constant 0 : index
        %get3A_1678 = tpu.vector_load %arg6[%get3A_1675, %get3A_1676, %get3A_1677] {strides = array<i32>} : memref<2x832x32xf32, #tpu.memory_space<vmem>>, vector<16xf32>,
        %get3A_1679 = arith.index_cast %and3A_1078 : i32 to index
        %get3A_1680 = arith.index_cast %add3A_1674 : i32 to index
        %get3A_1681 = arith.constant 16 : index
        %get3A_1682 = tpu.vector_load %arg6[%get3A_1679, %get3A_1680, %get3A_1681] {strides = array<i32>} : memref<2x832x32xf32, #tpu.memory_space<vmem>>, vector<16xf32>,
        tpu.vector_store_idx %arg7[%add3A_797, %select_n3A_18, %add3A_1562], %get3A_1678 : memref<52x8x65xf32, #tpu.memory_space<vmem>>[vector<16xi32>, vector<16xi32>, vector<16xi32>], vector<16xf32>,
        tpu.vector_store_idx %arg7[%add3A_831, %select_n3A_18, %add3A_1562], %get3A_1682 : memref<52x8x65xf32, #tpu.memory_space<vmem>>[vector<16xi32>, vector<16xi32>, vector<16xi32>], vector<16xf32>,
        %add3A_1683 = arith.constant 768 : i32
        %add3A_1684 = arith.addi %add3A_1683, %scan3A_1560 : i32
        %get3A_1685 = arith.index_cast %and3A_1078 : i32 to index
        %get3A_1686 = arith.index_cast %add3A_1684 : i32 to index
        %get3A_1687 = arith.constant 0 : index
        %get3A_1688 = tpu.vector_load %arg6[%get3A_1685, %get3A_1686, %get3A_1687] {strides = array<i32>} : memref<2x832x32xf32, #tpu.memory_space<vmem>>, vector<16xf32>,
        %get3A_1689 = arith.index_cast %and3A_1078 : i32 to index
        %get3A_1690 = arith.index_cast %add3A_1684 : i32 to index
        %get3A_1691 = arith.constant 16 : index
        %get3A_1692 = tpu.vector_load %arg6[%get3A_1689, %get3A_1690, %get3A_1691] {strides = array<i32>} : memref<2x832x32xf32, #tpu.memory_space<vmem>>, vector<16xf32>,
        tpu.vector_store_idx %arg7[%add3A_865, %select_n3A_18, %add3A_1562], %get3A_1688 : memref<52x8x65xf32, #tpu.memory_space<vmem>>[vector<16xi32>, vector<16xi32>, vector<16xi32>], vector<16xf32>,
        tpu.vector_store_idx %arg7[%add3A_899, %select_n3A_18, %add3A_1562], %get3A_1692 : memref<52x8x65xf32, #tpu.memory_space<vmem>>[vector<16xi32>, vector<16xi32>, vector<16xi32>], vector<16xf32>,
      }
      %scan3A_1106 = arith.constant 64 : i32
      %mul3A_1107 = arith.constant 4 : i32
      %mul3A_1108 = arith.muli %add3A, %mul3A_1107 : i32
      %shift_right_arithmetic3A = arith.constant 2 : i32
      %shift_right_arithmetic3A_1109 = arith.shrsi %scan3A_1076, %shift_right_arithmetic3A : i32
      %add3A_1110 = arith.addi %mul3A_1108, %shift_right_arithmetic3A_1109 : i32
      %shift_right_arithmetic3A_1111 = arith.constant 1 : i32
      %shift_right_arithmetic3A_1112 = arith.shrsi %scan3A_1076, %shift_right_arithmetic3A_1111 : i32
      %and3A_1113 = arith.constant 1 : i32
      %and3A_1114 = arith.andi %shift_right_arithmetic3A_1112, %and3A_1113 : i32
      %and3A_1115 = arith.constant 1 : i32
      %and3A_1116 = arith.andi %scan3A_1076, %and3A_1115 : i32
      %mul3A_1117 = arith.constant 13 : i32
      %mul3A_1118 = arith.muli %and3A_1114, %mul3A_1117 : i32
      %mul3A_1119 = arith.constant 32 : i32
      %mul3A_1120 = arith.muli %mul3A_1118, %mul3A_1119 : i32
      %jit3A_1121 = arith.constant 8 : i32
      %div3A_1122 = arith.divsi %mul3A_1120, %jit3A_1121 : i32
      %sign3A_1123 = arith.constant 0 : i32
      %sign3A_1124 = arith.cmpi sgt, %mul3A_1120, %sign3A_1123 : i32
      %sign3A_1125 = arith.extui %sign3A_1124 : i1 to i32
      %sign3A_1126 = arith.constant 0 : i32
      %sign3A_1127 = arith.cmpi slt, %mul3A_1120, %sign3A_1126 : i32
      %sign3A_1128 = arith.extui %sign3A_1127 : i1 to i32
      %sign3A_1129 = arith.subi %sign3A_1125, %sign3A_1128 : i32
      %sign3A_1130 = arith.constant 0 : i32
      %sign3A_1131 = arith.cmpi sgt, %jit3A_1121, %sign3A_1130 : i32
      %sign3A_1132 = arith.extui %sign3A_1131 : i1 to i32
      %sign3A_1133 = arith.constant 0 : i32
      %sign3A_1134 = arith.cmpi slt, %jit3A_1121, %sign3A_1133 : i32
      %sign3A_1135 = arith.extui %sign3A_1134 : i1 to i32
      %sign3A_1136 = arith.subi %sign3A_1132, %sign3A_1135 : i32
      %ne3A_1137 = arith.cmpi ne, %sign3A_1129, %sign3A_1136 : i32
      %rem3A_1138 = arith.remsi %mul3A_1120, %jit3A_1121 : i32
      %ne3A_1139 = arith.constant 0 : i32
      %ne3A_1140 = arith.cmpi ne, %rem3A_1138, %ne3A_1139 : i32
      %and3A_1141 = arith.andi %ne3A_1137, %ne3A_1140 : i1
      %sub3A_1142 = arith.constant 1 : i32
      %sub3A_1143 = arith.subi %div3A_1122, %sub3A_1142 : i32
      %select_n3A_1144 = arith.select %and3A_1141, %sub3A_1143, %div3A_1122 : i32
      %mul3A_1145 = arith.constant 8 : i32
      %mul3A_1146 = arith.muli %add3A_1110, %mul3A_1145 : i32
      %mul3A_1147 = arith.constant 64 : i32
      %mul3A_1148 = arith.muli %and3A_1116, %mul3A_1147 : i32
      %dma_start3A_1149 = arith.constant 0 : i32
      %dma_start3A_1150 = arith.constant 0 : i32
      %dma_start3A_1151 = arith.constant 0 : i32
      %dma_start3A_1152 = tpu.memref_slice %arg7[%dma_start3A_1149, %dma_start3A_1150, %dma_start3A_1151] : memref<52x8x65xf32, #tpu.memory_space<vmem>> -> memref<52x8x64xf32, #tpu.memory_space<vmem>>
      %dma_start3A_1153 = tpu.memref_slice %arg4[%select_n3A_1144, %mul3A_1146, %mul3A_1148] : memref<104x1024x128xf32, #tpu.memory_space<hbm>> -> memref<52x8x64xf32, #tpu.memory_space<hbm>>
      %dma_start3A_1154 = tpu.memref_slice %arg4[%select_n3A_1144, %mul3A_1146, %mul3A_1148] : memref<104x1024x128xf32, #tpu.memory_space<hbm>> -> memref<52x8x64xf32, #tpu.memory_space<hbm>>
      %dma_start3A_1155 = arith.constant 0 : i32
      %dma_start3A_1156 = arith.constant 0 : i32
      %dma_start3A_1157 = arith.constant 0 : i32
      %dma_start3A_1158 = tpu.memref_slice %arg7[%dma_start3A_1155, %dma_start3A_1156, %dma_start3A_1157] : memref<52x8x65xf32, #tpu.memory_space<vmem>> -> memref<52x8x64xf32, #tpu.memory_space<vmem>>
      tpu.enqueue_dma source(%dma_start3A_1158 : memref<52x8x64xf32, #tpu.memory_space<vmem>>) target(%dma_start3A_1154 : memref<52x8x64xf32, #tpu.memory_space<hbm>>) target_semaphore(%arg9 : memref<!tpu.dma_semaphore, #tpu.memory_space<semaphore_mem>>)
    }
    %scan3A_1060 = arith.constant 16 : i32
    %dma_wait3A = arith.constant 0 : i32
    %dma_wait3A_1061 = arith.constant 0 : i32
    %dma_wait3A_1062 = arith.constant 0 : i32
    %dma_wait3A_1063 = tpu.memref_slice %arg7[%dma_wait3A, %dma_wait3A_1061, %dma_wait3A_1062] : memref<52x8x65xf32, #tpu.memory_space<vmem>> -> memref<52x8x64xf32, #tpu.memory_space<vmem>>
    %dma_wait3A_1064 = arith.constant 0 : i32
    %dma_wait3A_1065 = arith.constant 0 : i32
    %dma_wait3A_1066 = arith.constant 0 : i32
    %dma_wait3A_1067 = tpu.memref_slice %arg4[%dma_wait3A_1064, %dma_wait3A_1065, %dma_wait3A_1066] : memref<104x1024x128xf32, #tpu.memory_space<hbm>> -> memref<52x8x64xf32, #tpu.memory_space<hbm>>
    %dma_wait3A_1068 = arith.constant 0 : i32
    %dma_wait3A_1069 = arith.constant 0 : i32
    %dma_wait3A_1070 = arith.constant 0 : i32
    %dma_wait3A_1071 = tpu.memref_slice %arg7[%dma_wait3A_1068, %dma_wait3A_1069, %dma_wait3A_1070] : memref<52x8x65xf32, #tpu.memory_space<vmem>> -> memref<52x8x64xf32, #tpu.memory_space<vmem>>
    %dma_wait3A_1072 = arith.constant 0 : i32
    %dma_wait3A_1073 = arith.constant 0 : i32
    %dma_wait3A_1074 = arith.constant 0 : i32
    %dma_wait3A_1075 = tpu.memref_slice %arg4[%dma_wait3A_1072, %dma_wait3A_1073, %dma_wait3A_1074] : memref<104x1024x128xf32, #tpu.memory_space<hbm>> -> memref<52x8x64xf32, #tpu.memory_space<hbm>>
    tpu.wait_dma2 semaphore(%arg9 : memref<!tpu.dma_semaphore, #tpu.memory_space<semaphore_mem>>) src(%dma_wait3A_1075 : memref<52x8x64xf32, #tpu.memory_space<hbm>>) dst(%dma_wait3A_1071 : memref<52x8x64xf32, #tpu.memory_space<vmem>>)
    return
  }
}

module attributes {stable_mosaic.version = 14 : i64} {
  func.func @body(%arg0: i32, %arg1: memref<32x32768xf32, #tpu.memory_space<vmem>>, %arg2: memref<8192x128xf32, #tpu.memory_space<vmem>>) attributes {dimension_semantics = [#tpu.dimension_semantics<arbitrary>], iteration_bounds = array<i64: 31>, scalar_prefetch = 0 : i64, scratch_operands = 0 : i64, tpu.core_type = #tpu.core_type<tc>, window_params = [{transform_indices = @transform_0, window_bounds = array<i64: 32, 32768>}, {transform_indices = @transform_1, window_bounds = array<i64: 8192, 128>}]} {
    %get3A = arith.constant 0 : index
    %get3A_0 = arith.constant 0 : index
    %get3A_1 = vector.load %arg1[%get3A, %get3A_0] : memref<32x32768xf32, #tpu.memory_space<vmem>>, vector<32x32768xf32>
    %slice3A = vector.extract_strided_slice %get3A_1 {offsets = [0, 0], sizes = [32, 8192], strides = [1, 1]} : vector<32x32768xf32> to vector<32x8192xf32>
    %slice3A_2 = vector.extract_strided_slice %get3A_1 {offsets = [0, 8192], sizes = [32, 8192], strides = [1, 1]} : vector<32x32768xf32> to vector<32x8192xf32>
    %slice3A_3 = vector.extract_strided_slice %get3A_1 {offsets = [0, 16384], sizes = [32, 8192], strides = [1, 1]} : vector<32x32768xf32> to vector<32x8192xf32>
    %slice3A_4 = vector.extract_strided_slice %get3A_1 {offsets = [0, 24576], sizes = [32, 8192], strides = [1, 1]} : vector<32x32768xf32> to vector<32x8192xf32>
    %concatenate3A = tpu.concatenate %slice3A, %slice3A_2, %slice3A_3, %slice3A_4 in 0 : vector<32x8192xf32>, vector<32x8192xf32>, vector<32x8192xf32>, vector<32x8192xf32> -> vector<128x8192xf32>
    %transpose3A = tpu.transpose %concatenate3A, [1, 0] : vector<128x8192xf32> -> vector<8192x128xf32>
    %swap3A = arith.constant 0 : index
    %swap3A_5 = arith.constant 0 : index
    %swap3A_6 = vector.load %arg2[%swap3A, %swap3A_5] : memref<8192x128xf32, #tpu.memory_space<vmem>>, vector<8192x128xf32>
    tpu.vector_store %arg2[%swap3A, %swap3A_5], %transpose3A {strides = array<i32>} : memref<8192x128xf32, #tpu.memory_space<vmem>>, vector<8192x128xf32>,
    return
  }
  func.func @transform_0(%arg0: i32) -> (i32, i32) {
    %c0_i32 = arith.constant 0 : i32
    %c0_i32_0 = arith.constant 0 : i32
    return %c0_i32, %arg0 : i32, i32
  }
  func.func @transform_1(%arg0: i32) -> (i32, i32) {
    %c0_i32 = arith.constant 0 : i32
    %c0_i32_0 = arith.constant 0 : i32
    return %arg0, %c0_i32 : i32, i32
  }
}

</mosaic_0001>

<sc_bundles>
// kernel: kernel.4.cloned.1.call-start
scs
__scs_entry_jumppad:
0x0: {  	(pc) =	sbr.rel $0x88, $3  }
0x1: {  	(tag) =	ssettag $0x0;
	lr =	simm.s32 $0x1  }
0x2: {  	[smem:$0x3F9F] =	sst lr;
	_ =	strace $0xD0000000  }
0x3: {  	_ = 	snop  }
0x4: {  	_ = 	snop  }
0x5: {  	_ = 	snop  }
0x6: {  	_ = 	snop  }
0x7: {  	_ = 	snop  }
__scs_overlays_trampoline_lowered:
0x8: {  	[smem:$0x3FAE] =	sst s0  }
0x9: {  	[smem:$0x3FAF] =	sst s1  }
0xa: {  	[smem:$0x3FB0] =	sst s2  }
0xb: {  	[smem:$0x3FB1] =	sst s3  }
0xc: {  	[smem:$0x3FB2] =	sst s4  }
0xd: {  	[smem:$0x3FB3] =	sst s5  }
0xe: {  	[smem:$0x3FB4] =	sst s6  }
0xf: {  	[smem:$0x3FB5] =	sst s7  }
0x10: {  	[smem:$0x3FB6] =	sst s8  }
0x11: {  	[smem:$0x3FB7] =	sst s9;
	s0 =	simm.s32 @!p0 $0x0  }
0x12: {  	s1 =	sld [smem:$0x3F9D];
	s0 =	simm.s32 @p0 $0x1  }
0x13: {  	[smem:$0x3FB8] =	sst s0;
	s0 =	simm.s32 @!p1 $0x0  }
0x14: {  	s2 =	sld [smem:$0x3F9C];
	s0 =	simm.s32 @p1 $0x1  }
0x15: {  	[smem:$0x3FB9] =	sst s0;
	s0 =	simm.s32 @!p2 $0x0  }
0x16: {  	s3 =	sld [smem:$0x3FDB];
	s0 =	simm.s32 @p2 $0x1  }
0x17: {  	s4 =	simm.s32 $0x1BF5;
	[smem:$0x3FBB] =	sst s0  }
0x18: {  	s0 =	sld [smem:$0x3F9E];
	_ =	swait.ge [sflag:s4], $0x0  }
0x19: {  	s7 =	sld [smem:$0x3F9F]  }
0x1a: {  	s8 =	sadd.s32 $0xFFFFE003, lr  }
0x1b: {  	s9 =	sadd.s32 $0xFFFFFEF7, lr;
	s5 =	simm.s32 $0xFFFFFFFF;
	p2 =	slt.u32 s8, $0xFFFFF086  }
0x1c: {  	p1 =	slt.u32 s9, $0xF7A;
	s5 =	simm.s32 @!p2 $0x0  }
0x1d: {  	s5 =	simm.s32 @p1 $0x1;
	p0 =	seq.s32 s7, s2  }
0x1e: {  	s7 =	smul.u32 @!p0 $0xF7A, s2;
	p2 =	seq.s32 @!p0 s5, $0x0  }
0x1f: {  	s9 =	smul.u32 $0xF7A, s1;
	s8 =	simm.s32 @!p0 $0x1BF5;
	p2 =	por !p2, p0  }
0x20: {  	[sflag:s8] =	ssyncset.s32 @!p0 $0xFFFFF086;
	s6 =	sadd.s32 @!p0 s3, s7;
	s7 =	simm.s32 @!p0 $0x108  }
0x21: {  	s3 =	sadd.s32 s3, s9;
	s6 =	sadd.s32 @!p0 $0x88, s6;
	s7 =	simm.s32 @p2 $0x1082  }
0x22: {  	[simem:s7], [sflag:s8] =	dma.local @!p0 [hbm:s6], $0xF7A  }
0x23: {  	s9 =	sor.u32 $0xD0000000, s2;
	s6 =	simm.s32 $0x108;
	_ =	swait.ge @!p0 [sflag:s8], $0x0  }
0x24: {  	s3 =	sadd.s32 $0x88, s3;
	s6 =	simm.s32 @!p1 $0x1082;
	[sflag:s4] =	ssyncset.s32 $0xFFFFF086  }
0x25: {  	[simem:s6], [sflag:s4] =	dma.local [hbm:s3], $0xF7A  }
0x26: {  	[smem:$0x3F9F] =	sst s1;
	(tag) =	ssettag s2;
	_ =	strace s9  }
0x27: {  	s1 =	sld [smem:$0x3FAF]  }
0x28: {  	s2 =	sld [smem:$0x3FB0]  }
0x29: {  	s4 =	sld [smem:$0x3FB2]  }
0x2a: {  	p0 =	seq.s32 s5, $0x0;
	s5 =	sld [smem:$0x3FB3]  }
0x2b: {  	s6 =	sld [smem:$0x3FB4]  }
0x2c: {  	s7 =	sld [smem:$0x3FB5]  }
0x2d: {  	s3 =	simm.s32 $0x108;
	s8 =	sld [smem:$0x3FB6]  }
0x2e: {  	s3 =	simm.s32 @!p0 $0x1082;
	s9 =	sld [smem:$0x3FB7]  }
0x2f: {  	lr =	sadd.s32 s0, s3;
	s0 =	sld [smem:$0x3FAE]  }
0x30: {  	s3 =	sld [smem:$0x3FB1]  }
0x31: {  	[smem:$0x3FBA] =	sst s10  }
0x32: {  	s10 =	sld [smem:$0x3FB8];
	_ =	sdelay $0x3  }
0x33: {  	p0 =	seq.s32 s10, $0x1;
	s10 =	sld [smem:$0x3FBA];
	_ =	sdelay $0x3  }
0x34: {  	[smem:$0x3FBA] =	sst s10  }
0x35: {  	s10 =	sld [smem:$0x3FB9];
	_ =	sdelay $0x3  }
0x36: {  	p1 =	seq.s32 s10, $0x1;
	s10 =	sld [smem:$0x3FBA];
	_ =	sdelay $0x3  }
0x37: {  	[smem:$0x3FBA] =	sst s10  }
0x38: {  	s10 =	sld [smem:$0x3FBB]  }
0x39: {  	_ = 	snop;
	(pc) =	sbr.ind lr, $3  }
0x3a: {  	_ = 	snop  }
0x3b: {  	_ = 	snop  }
0x3c: {  	p2 =	seq.s32 s10, $0x1;
	s10 =	sld [smem:$0x3FBA]  }
0x3d: {  	_ =	shalt  }
0x3e: {  	_ =	shalt  }
0x3f: {  	_ =	shalt  }
0x40: {  	_ =	shalt  }
0x41: {  	_ =	shalt  }
0x42: {  	_ =	shalt  }
0x43: {  	_ =	shalt  }
0x44: {  	_ =	shalt  }
0x45: {  	_ =	shalt  }
0x46: {  	_ =	shalt  }
0x47: {  	_ =	shalt  }
0x48: {  	_ =	shalt  }
0x49: {  	_ =	shalt  }
0x4a: {  	_ =	shalt  }
0x4b: {  	_ =	shalt  }
0x4c: {  	_ =	shalt  }
0x4d: {  	_ =	shalt  }
0x4e: {  	_ =	shalt  }
0x4f: {  	_ =	shalt  }
0x50: {  	_ =	shalt  }
0x51: {  	_ =	shalt  }
0x52: {  	_ =	shalt  }
0x53: {  	_ =	shalt  }
0x54: {  	_ =	shalt  }
0x55: {  	_ =	shalt  }
0x56: {  	_ =	shalt  }
0x57: {  	_ =	shalt  }
0x58: {  	_ =	shalt  }
0x59: {  	_ =	shalt  }
0x5a: {  	_ =	shalt  }
0x5b: {  	_ =	shalt  }
0x5c: {  	_ =	shalt  }
0x5d: {  	_ =	shalt  }
0x5e: {  	_ =	shalt  }
0x5f: {  	_ =	shalt  }
0x60: {  	_ =	shalt  }
0x61: {  	_ =	shalt  }
0x62: {  	_ =	shalt  }
0x63: {  	_ =	shalt  }
0x64: {  	_ =	shalt  }
0x65: {  	_ =	shalt  }
0x66: {  	_ =	shalt  }
0x67: {  	_ =	shalt  }
0x68: {  	_ =	shalt  }
0x69: {  	_ =	shalt  }
0x6a: {  	_ =	shalt  }
0x6b: {  	_ =	shalt  }
0x6c: {  	_ =	shalt  }
0x6d: {  	_ =	shalt  }
0x6e: {  	_ =	shalt  }
0x6f: {  	_ =	shalt  }
0x70: {  	_ =	shalt  }
0x71: {  	_ =	shalt  }
0x72: {  	_ =	shalt  }
0x73: {  	_ =	shalt  }
0x74: {  	_ =	shalt  }
0x75: {  	_ =	shalt  }
0x76: {  	_ =	shalt  }
0x77: {  	_ =	shalt  }
0x78: {  	_ =	shalt  }
0x79: {  	_ =	shalt  }
0x7a: {  	_ =	shalt  }
0x7b: {  	_ =	shalt  }
0x7c: {  	_ =	shalt  }
0x7d: {  	_ =	shalt  }
0x7e: {  	_ =	shalt  }
0x7f: {  	_ =	shalt  }
0x80: {  	_ =	shalt  }
0x81: {  	_ =	shalt  }
0x82: {  	_ =	shalt  }
0x83: {  	_ =	shalt  }
0x84: {  	_ =	shalt  }
0x85: {  	_ =	shalt  }
0x86: {  	_ =	shalt  }
0x87: {  	_ =	shalt  }
.Lfunc_end0:
.L_simem_size_0:
called_computation_lowered:
.L_overlay_start_0:
0x88: {  	s2 =	sld [smem:$0x3FD9]  }
0x89: {  	s3 =	sld [smem:$0x3FFE];
	_ =	sdelay $0x1  }
0x8a: {  	s1 =	srdreg.scid  }
0x8b: {  	s0 =	sand.u32 $0x1, s1  }
0x8c: {  	s17 =	sshll.u32 s0, $0xA;
	s2 =	sadd.s32 s3, s2  }
0x8d: {  	s2 =	sadd.s32 s2, s17  }
0x8e: {  	[smem:$0x3FC6] =	sst s2  }
0x8f: {  	_ = 	snop  }
0x90: {  	s2 =	sld [smem:$0x3FD0];
	(tm) =	ssettm $0x1  }
0x91: {  	s18 =	sld [smem:$0x3FFB];
	_ =	sdelay $0x3  }
0x92: {  	_ =	strace s18  }
0x93: {  	s3 =	sld [smem:$0x3FFC];
	_ =	sdelay $0x3  }
0x94: {  	_ =	strace s3  }
0x95: {  	s3 =	sld [smem:$0x3FFD];
	_ =	sdelay $0x3  }
0x96: {  	_ =	strace s3  }
0x97: {  	_ =	strace $0x8FFFFFFF  }
0x98: {  	s19 =	sld [smem:$0x3FDB];
	_ =	sdelay $0x1  }
0x99: {  	s4 =	simm.s32 $_scs_section_size  }
0x9a: {  	s5 =	simm.s32 $_size__tile_overlayer_lowered;
	s6 =	simm.s32 $_tile_overlayer_lowered  }
0x9b: {  	s22 =	simm.s32 $0x1BFF;
	s21 =	sshll.u32 s6, $0x1;
	s3 =	sadd.s32 s4, s19  }
0x9c: {  	s7 =	simm.s32 $0x0;
	s20 =	sshll.u32 s5, $0x1;
	s5 =	sadd.s32 s21, s3  }
0x9d: {  	[timem:s7], [sflag:s22] =	dma.local [hbm:s5], s20  }
0x9e: {  	_ =	swait.ge [sflag:s22], s20  }
0x9f: {  	s4 =	ssub.s32 $0x0, s20;
	[sflag:s22] =	ssyncset.done $0x0  }
0xa0: {  	[sflag:s22] =	ssyncadd.s32 s4;
	_ =	sdelay $0x1  }
0xa1: {  	s23 =	simm.s32 $0x1B8B  }
0xa2: {  	_ =	swait.ge [sflag:s23], $0x1  }
0xa3: {  	[sflag:s23] =	ssyncset.done $0x0  }
0xa4: {  	s25 =	simm.s32 $0x1B8E;
	s24 =	sld [smem:$0x3FFE];
	[sflag:s23] =	ssyncadd.s32 $0xFFFFFFFF  }
0xa5: {  	s26 =	simm.s32 $execute0_lowered;
	[smem:$0x3FD2] =	sst s25  }
0xa6: {  	s5 =	sshll.u32 s26, $0x1;
	_ =	strace $0x80000046;
	[dreg:$0x1] =	wrdreg $0xFFFFFFFF  }
0xa7: {  	s28 =	simm.s32 $_size_execute0_lowered;
	s3 =	sadd.s32 s3, s5;
	[dreg:$0x0] =	wrdreg $0x0  }
0xa8: {  	s5 =	sshll.u32 s28, $0x1;
	[dreg:$0x2] =	wrdreg s3  }
0xa9: {  	[dreg:$0x3] =	wrdreg s5  }
0xaa: {  	[dreg:$0x4] =	wrdreg $0xC0  }
0xab: {  	_ =	task [dreg:s7], $0x5FFFF  }
0xac: {  	[dreg:$0x1] =	wrdreg $0xFFFFFFFF  }
0xad: {  	[dreg:$0x0] =	wrdreg $0x60  }
0xae: {  	[dreg:$0x2] =	wrdreg s24  }
0xaf: {  	[dreg:$0x3] =	wrdreg s2  }
0xb0: {  	[dreg:$0x4] =	wrdreg $0x9  }
0xb1: {  	_ =	task.clear_ibuf [dreg:s7], $0x5FFFF;
	_ =	strace $0x90000046  }
0xb2: {  	s29 =	simm.s32 $0x9;
	_ =	strace $0x80000048  }
0xb3: {  	_ =	swait.ge [sflag:s29], $0x1  }
0xb4: {  	[sflag:s29] =	ssyncadd.s32 $0xFFFFFFFF  }
0xb5: {  	_ =	strace $0x90000048  }
0xb6: {  	_ =	sfence  }
0xb7: {  	s30 =	sld [smem:$0x0];
	_ =	sdelay $0x2  }
0xb8: {  	s31 =	sshll.u32 s1, $0xD;
	s1 =	sshrl.u32 s1, $0x2  }
0xb9: {  	s3 =	sand.u32 $0x4000, s31;
	s1 =	sadd.s32 s1, s30  }
0xba: {  	s0 =	sor.u32 s3, s0;
	s1 =	sshll.u32 s1, $0x11  }
0xbb: {  	s0 =	sor.u32 s1, s0  }
0xbc: {  	s0 =	sadd.s32 $0x8F2B, s0  }
0xbd: {  	[sflag:s0] =	ssyncadd.remote.s32 $0x1  }
0xbe: {  	_ =	sfence.sel $0xFFFF  }
0xbf: {  	[dreg:$0x0] =	wrdreg $0xFFFFFFFF;
	(pc) =	sbr.abs _section_cstart, $3  }
0xc0: {  	[dreg:$0x1] =	wrdreg $0xFFFFFFFF  }
0xc1: {  	_ =	task.clear_ibuf [dreg:s7], $0x2FFFF;
	_ =	strace $0x9FFFFFFF  }
0xc2: {  	(tm) =	ssettm $0x7FFFFFFF  }
0xc3: {  	_ =	shalt  }
tec
execute0_lowered:
.L_overlay_start_1:
0x0: {  	(tag) =	ssettag $0x1  }
0x1: {  	s0 =	rddreg [dreg:$0x0];
	s1 =	srdreg.scid  }
0x2: {  	s2 =	stileid.u32;
	s5 =	rddreg [dreg:$0x1];
	v0 =	vlaneseq.u32;
	s9 =	simm.s32 $0x3  }
0x3: {  	s10 =	simm.s32 $0x40;
	s24 =	simm.s32 $0x6C00;
	s25 =	simm.s32 $0x1000;
	v0 =	vmul.u32 $0x48, v0  }
0x4: {  	s28 =	simm.s32 $0x1200;
	s29 =	simm.s32 $0x7C00;
	s30 =	simm.s32 $0x1400  }
0x5: {  	s31 =	simm.s32 $0x8400;
	s8 =	simm.s32 $0x1800;
	s11 =	simm.s32 $0x9400;
	v1 =	vadd.s32 $0x480, v0  }
0x6: {  	s12 =	simm.s32 $0x1;
	s13 =	simm.s32 $0x10400;
	s14 =	simm.s32 $0x2;
	v2 =	vadd.s32 $0x900, v0;
	v3 =	vadd.s32 $0xD80, v0;
	v4 =	vadd.s32 $0x1200, v0  }
0x7: {  	s1 =	sand.u32 $0x1, s1;
	s3 =	sshll.u32 s2, $0x1;
	s2 =	simm.s32 $0x0;
	v5 =	vadd.s32 $0x1680, v0;
	v6 =	vadd.s32 $0x1B00, v0;
	v7 =	vadd.s32 $0x1F80, v0  }
0x8: {  	s15 =	simm.s32 $0x0;
	s4 =	sor.u32 s1, s3;
	[smem:$0x7FF] =	sst s2;
	v8 =	vadd.s32 $0x2400, v0;
	v9 =	vadd.s32 $0x2880, v0;
	v10 =	vadd.s32 $0x2D00, v0  }
0x9: {  	s1 =	ssub.s32 $0x2, s1;
	s3 =	sshll.u32 s4, $0x6;
	_ =	strace $0x80000047;
	v11 =	vadd.s32 $0x3180, v0;
	v12 =	vadd.s32 $0x3600, v0;
	v13 =	vadd.s32 $0x3A80, v0  }
0xa: {  	s26 =	sshrl.u32 s1, $0x1;
	s7 =	sshll.u32 s4, $0x9;
	v14 =	vadd.s32 $0x3F00, v0;
	v15 =	vadd.s32 $0x4380, v0;
	v16 =	vor.u32 $0x4800, v0;
	s6 =	sadd.s32 s3, s0  }
0xb: {  	v17 =	vadd.s32 $0x4C80, v0;
	v18 =	vadd.s32 $0x5100, v0;
	v19 =	vadd.s32 $0x5580, v0;
	s3 =	sadd.s32 $0xD400, s0;
	s0 =	ssub.s32 s1, s26;
	s5 =	sadd.s32 s5, s7  }
0xc: {  	v20 =	vadd.s32 $0x5A00, v0;
	v21 =	vadd.s32 $0x5E80, v0;
	v22 =	vadd.s32 $0x6300, v0;
	s7 =	simm.s32 $0x200;
	s26 =	simm.s32 $0x7400;
	s1 =	simm.s32 $0x1600  }
0xd: {  	v23 =	vadd.s32 $0x6780, v0;
	v24 =	vadd.s32 $0x6C00, v0;
	v25 =	vadd.s32 $0x7080, v0;
	s4 =	sadd.s32 $0x400, s6;
	s6 =	smax.u32 s0, $0x1;
	s0 =	simm.s32 $0x8C00  }
.LBB2_1:
0xe: {  	s16 =	simm.s32 $0x4000  }
0xf: {  	[tilespmem:s2], [sflag:$0x3] =	stream.strided.gather [hbm4b:s4+s7], $0x3400, s16, s7, $0x38;
	[tilespmem:$0x17900] =	vst v63  }
0x10: {  	_ =	swait.ge [sflag:s9], $0x3400  }
0x11: {  	[sflag:s9] =	ssyncset.done $0x0  }
0x12: {  	s19 =	simm.s32 $0x3400;
	[sflag:s9] =	ssyncadd.s32 $0xFFFFCC00  }
0x13: {  	[tilespmem:s19], [sflag:$0x1] =	stream.indirect.gather [hbm4b:s3+s10], $0x20, s2, s10, $0xb8;
	[tilespmem:$0x17900] =	vst v63  }
0x14: {  	s20 =	simm.s32 $0x3C00  }
0x15: {  	[tilespmem:s20], [sflag:$0x1] =	stream.indirect.gather [hbm4b:s3+s10], $0x20, s7, s10, $0xb8;
	[tilespmem:$0x17900] =	vst v63  }
0x16: {  	s21 =	simm.s32 $0x400;
	s17 =	simm.s32 $0x4400  }
0x17: {  	[tilespmem:s17], [sflag:$0x1] =	stream.indirect.gather [hbm4b:s3+s10], $0x20, s21, s10, $0xb8;
	[tilespmem:$0x17900] =	vst v63  }
0x18: {  	s22 =	simm.s32 $0x600;
	s23 =	simm.s32 $0x4C00  }
0x19: {  	[tilespmem:s23], [sflag:$0x1] =	stream.indirect.gather [hbm4b:s3+s10], $0x20, s22, s10, $0xb8;
	[tilespmem:$0x17900] =	vst v63  }
0x1a: {  	s18 =	simm.s32 $0x5400;
	s17 =	simm.s32 $0x800  }
0x1b: {  	[tilespmem:s18], [sflag:$0x1] =	stream.indirect.gather [hbm4b:s3+s10], $0x20, s17, s10, $0xb8;
	[tilespmem:$0x17900] =	vst v63  }
0x1c: {  	s19 =	simm.s32 $0xA00;
	s20 =	simm.s32 $0x5C00  }
0x1d: {  	[tilespmem:s20], [sflag:$0x1] =	stream.indirect.gather [hbm4b:s3+s10], $0x20, s19, s10, $0xb8;
	[tilespmem:$0x17900] =	vst v63  }
0x1e: {  	s21 =	simm.s32 $0xC00;
	s22 =	simm.s32 $0x6400  }
0x1f: {  	[tilespmem:s22], [sflag:$0x1] =	stream.indirect.gather [hbm4b:s3+s10], $0x20, s21, s10, $0xb8;
	[tilespmem:$0x17900] =	vst v63  }
0x20: {  	s23 =	simm.s32 $0xE00  }
0x21: {  	[tilespmem:s24], [sflag:$0x1] =	stream.indirect.gather [hbm4b:s3+s10], $0x20, s23, s10, $0xb8;
	[tilespmem:$0x17900] =	vst v63  }
0x22: {  	_ = 	snop  }
0x23: {  	[tilespmem:s26], [sflag:$0x1] =	stream.indirect.gather [hbm4b:s3+s10], $0x20, s25, s10, $0xb8;
	[tilespmem:$0x17900] =	vst v63  }
0x24: {  	_ = 	snop  }
0x25: {  	[tilespmem:s29], [sflag:$0x1] =	stream.indirect.gather [hbm4b:s3+s10], $0x20, s28, s10, $0xb8;
	[tilespmem:$0x17900] =	vst v63  }
0x26: {  	_ = 	snop  }
0x27: {  	[tilespmem:s31], [sflag:$0x1] =	stream.indirect.gather [hbm4b:s3+s10], $0x20, s30, s10, $0xb8;
	[tilespmem:$0x17900] =	vst v63  }
0x28: {  	_ = 	snop  }
0x29: {  	[tilespmem:s0], [sflag:$0x1] =	stream.indirect.gather [hbm4b:s3+s10], $0x20, s1, s10, $0xb8;
	[tilespmem:$0x17900] =	vst v63  }
0x2a: {  	p0 =	por $0x0, $0x0;
	s18 =	simm.s32 $0x0  }
0x2b: {  	[tilespmem:s11], [sflag:$0x1] =	stream.indirect.gather [hbm4b:s3+s10], $0x20, s8, s10, $0xb8;
	[tilespmem:$0x17900] =	vst v63  }
.LBB2_3:
0x2c: {  	s16 =	smov.u32 s18  }
0x2d: {  	s17 =	sand.u32 $0x1, s18;
	s18 =	sadd.s32 $0x1, s18;
	p1 =	seq.s32 s16, $0xF  }
0x2e: {  	s19 =	sxor.u32 @!p1 $0x1, s17;
	s20 =	sshll.u32 @!p1 s18, $0x5  }
0x2f: {  	s21 =	sshll.u32 @!p1 s18, $0x6;
	s22 =	sshll.u32 @!p1 s18, $0x1E;
	s19 =	smul.u32 @!p1 $0x1A000, s19  }
0x30: {  	s20 =	sand.u32 @!p1 $0x380, s20;
	s21 =	sand.u32 @!p1 $0x40, s21;
	s22 =	sshra.s32 @!p1 s22, $0x1F  }
0x31: {  	s20 =	sor.u32 @!p1 s21, s20;
	s21 =	sand.u32 @!p1 $0x1A00, s22;
	s19 =	sshrl.u32 @!p1 s19, $0x2  }
0x32: {  	s20 =	sadd.s32 @!p1 s20, s21;
	s21 =	simm.s32 @!p1 $0x40;
	s22 =	sadd.s32 @!p1 $0x3400, s19  }
0x33: {  	[tilespmem:s22], [sflag:$0x1] =	stream.indirect.gather @!p1 [hbm4b:s3+s21], $0x20, s20, s21, $0xb8;
	[tilespmem:$0x17900] =	vst v63  }
0x34: {  	s23 =	sadd.s32 @!p1 $0x200, s20;
	s22 =	sadd.s32 @!p1 $0x3C00, s19  }
0x35: {  	[tilespmem:s22], [sflag:$0x1] =	stream.indirect.gather @!p1 [hbm4b:s3+s21], $0x20, s23, s21, $0xb8;
	[tilespmem:$0x17900] =	vst v63  }
0x36: {  	s22 =	sadd.s32 @!p1 $0x4400, s19;
	s23 =	sadd.s32 @!p1 $0x400, s20  }
0x37: {  	[tilespmem:s22], [sflag:$0x1] =	stream.indirect.gather @!p1 [hbm4b:s3+s21], $0x20, s23, s21, $0xb8;
	[tilespmem:$0x17900] =	vst v63  }
0x38: {  	s22 =	sadd.s32 @!p1 $0x4C00, s19;
	s23 =	sadd.s32 @!p1 $0x600, s20  }
0x39: {  	[tilespmem:s22], [sflag:$0x1] =	stream.indirect.gather @!p1 [hbm4b:s3+s21], $0x20, s23, s21, $0xb8;
	[tilespmem:$0x17900] =	vst v63  }
0x3a: {  	s22 =	sadd.s32 @!p1 $0x5400, s19;
	s23 =	sadd.s32 @!p1 $0x800, s20  }
0x3b: {  	[tilespmem:s22], [sflag:$0x1] =	stream.indirect.gather @!p1 [hbm4b:s3+s21], $0x20, s23, s21, $0xb8;
	[tilespmem:$0x17900] =	vst v63  }
0x3c: {  	s22 =	sadd.s32 @!p1 $0x5C00, s19;
	s23 =	sadd.s32 @!p1 $0xA00, s20  }
0x3d: {  	[tilespmem:s22], [sflag:$0x1] =	stream.indirect.gather @!p1 [hbm4b:s3+s21], $0x20, s23, s21, $0xb8;
	[tilespmem:$0x17900] =	vst v63  }
0x3e: {  	s22 =	sadd.s32 @!p1 $0x6400, s19;
	s23 =	sadd.s32 @!p1 $0xC00, s20  }
0x3f: {  	[tilespmem:s22], [sflag:$0x1] =	stream.indirect.gather @!p1 [hbm4b:s3+s21], $0x20, s23, s21, $0xb8;
	[tilespmem:$0x17900] =	vst v63  }
0x40: {  	s22 =	sadd.s32 @!p1 $0x6C00, s19;
	s23 =	sadd.s32 @!p1 $0xE00, s20  }
0x41: {  	[tilespmem:s22], [sflag:$0x1] =	stream.indirect.gather @!p1 [hbm4b:s3+s21], $0x20, s23, s21, $0xb8;
	[tilespmem:$0x17900] =	vst v63  }
0x42: {  	s22 =	sadd.s32 @!p1 $0x7400, s19;
	s23 =	sadd.s32 @!p1 $0x1000, s20  }
0x43: {  	[tilespmem:s22], [sflag:$0x1] =	stream.indirect.gather @!p1 [hbm4b:s3+s21], $0x20, s23, s21, $0xb8;
	[tilespmem:$0x17900] =	vst v63  }
0x44: {  	s22 =	sadd.s32 @!p1 $0x7C00, s19;
	s23 =	sadd.s32 @!p1 $0x1200, s20  }
0x45: {  	[tilespmem:s22], [sflag:$0x1] =	stream.indirect.gather @!p1 [hbm4b:s3+s21], $0x20, s23, s21, $0xb8;
	[tilespmem:$0x17900] =	vst v63  }
0x46: {  	s22 =	sor.u32 @!p1 $0x8400, s19;
	s23 =	sadd.s32 @!p1 $0x1400, s20  }
0x47: {  	[tilespmem:s22], [sflag:$0x1] =	stream.indirect.gather @!p1 [hbm4b:s3+s21], $0x20, s23, s21, $0xb8;
	[tilespmem:$0x17900] =	vst v63  }
0x48: {  	s22 =	sadd.s32 @!p1 $0x8C00, s19;
	s23 =	sadd.s32 @!p1 $0x1600, s20  }
0x49: {  	[tilespmem:s22], [sflag:$0x1] =	stream.indirect.gather @!p1 [hbm4b:s3+s21], $0x20, s23, s21, $0xb8;
	[tilespmem:$0x17900] =	vst v63  }
0x4a: {  	s19 =	sadd.s32 @!p1 $0x9400, s19;
	s20 =	sadd.s32 @!p1 $0x1800, s20  }
0x4b: {  	[tilespmem:s19], [sflag:$0x1] =	stream.indirect.gather @!p1 [hbm4b:s3+s21], $0x20, s20, s21, $0xb8;
	[tilespmem:$0x17900] =	vst v63  }
0x4c: {  	s19 =	simm.s32 $0x1;
	_ =	swait.ge [sflag:s12], $0x6800  }
0x4d: {  	p1 =	seq.s32 s16, $0x0;
	s19 =	simm.s32 @!p0 $0x0;
	[sflag:s12] =	ssyncset.done $0x0  }
0x4e: {  	s20 =	simm.s32 @!p1 $0x2;
	s19 =	smul.u32 $0x1A000, s19;
	[sflag:s12] =	ssyncadd.s32 $0xFFFF9800  }
0x4f: {  	_ =	swait.ge @!p1 [sflag:s20], $0x6800  }
0x50: {  	s19 =	sshrl.u32 s19, $0x2;
	[sflag:s20] =	ssyncset.done @!p1 $0x0  }
0x51: {  	s19 =	sadd.s32 $0x3400, s19;
	[sflag:s20] =	ssyncadd.s32 @!p1 $0xFFFF9800;
	s20 =	simm.s32 $0x0  }
.LBB2_4:
0x52: {  	v26 =	vmov s20  }
0x53: {  	v26 =	vand.u32 $0x3C, v26  }
0x54: {  	v27 =	vld [tilespmem:s19+$0x0];
	v28 =	vadd.s32 v0, v26  }
0x55: {  	v29 =	vld [tilespmem:s19+$0x10];
	v30 =	vadd.s32 v1, v26;
	_ =	sdelay $0x3  }
0x56: {  	[tilespmem:v28+s13+$0x0] =	vst.idx.msk $0xffff, v27  }
0x57: {  	[tilespmem:v30+s13+$0x0] =	vst.idx.msk $0xffff, v29  }
0x58: {  	v59 =	vadd.s32 v2, v26;
	v27 =	vld [tilespmem:s19+$0x800]  }
0x59: {  	v60 =	vadd.s32 v3, v26;
	v29 =	vld [tilespmem:s19+$0x810];
	_ =	sdelay $0x3  }
0x5a: {  	[tilespmem:v59+s13+$0x0] =	vst.idx.msk $0xffff, v27  }
0x5b: {  	[tilespmem:v60+s13+$0x0] =	vst.idx.msk $0xffff, v29  }
0x5c: {  	v61 =	vadd.s32 v4, v26;
	v27 =	vld [tilespmem:s19+$0x1000]  }
0x5d: {  	v62 =	vadd.s32 v5, v26;
	v29 =	vld [tilespmem:s19+$0x1010];
	_ =	sdelay $0x3  }
0x5e: {  	[tilespmem:v61+s13+$0x0] =	vst.idx.msk $0xffff, v27  }
0x5f: {  	[tilespmem:v62+s13+$0x0] =	vst.idx.msk $0xffff, v29  }
0x60: {  	v63 =	vadd.s32 v6, v26;
	v27 =	vld [tilespmem:s19+$0x1800]  }
0x61: {  	v33 =	vadd.s32 v7, v26;
	v29 =	vld [tilespmem:s19+$0x1810];
	_ =	sdelay $0x3  }
0x62: {  	[tilespmem:v63+s13+$0x0] =	vst.idx.msk $0xffff, v27  }
0x63: {  	[tilespmem:v33+s13+$0x0] =	vst.idx.msk $0xffff, v29  }
0x64: {  	v34 =	vadd.s32 v8, v26;
	v27 =	vld [tilespmem:s19+$0x2000]  }
0x65: {  	v35 =	vadd.s32 v9, v26;
	v29 =	vld [tilespmem:s19+$0x2010];
	_ =	sdelay $0x3  }
0x66: {  	[tilespmem:v34+s13+$0x0] =	vst.idx.msk $0xffff, v27  }
0x67: {  	[tilespmem:v35+s13+$0x0] =	vst.idx.msk $0xffff, v29  }
0x68: {  	v36 =	vadd.s32 v10, v26;
	v27 =	vld [tilespmem:s19+$0x2800]  }
0x69: {  	v37 =	vadd.s32 v11, v26;
	v29 =	vld [tilespmem:s19+$0x2810];
	_ =	sdelay $0x3  }
0x6a: {  	[tilespmem:v36+s13+$0x0] =	vst.idx.msk $0xffff, v27  }
0x6b: {  	[tilespmem:v37+s13+$0x0] =	vst.idx.msk $0xffff, v29  }
0x6c: {  	v38 =	vadd.s32 v12, v26;
	v27 =	vld [tilespmem:s19+$0x3000]  }
0x6d: {  	v39 =	vadd.s32 v13, v26;
	v29 =	vld [tilespmem:s19+$0x3010];
	_ =	sdelay $0x3  }
0x6e: {  	[tilespmem:v38+s13+$0x0] =	vst.idx.msk $0xffff, v27  }
0x6f: {  	[tilespmem:v39+s13+$0x0] =	vst.idx.msk $0xffff, v29  }
0x70: {  	v40 =	vadd.s32 v14, v26;
	v27 =	vld [tilespmem:s19+$0x3800]  }
0x71: {  	v41 =	vadd.s32 v15, v26;
	v29 =	vld [tilespmem:s19+$0x3810];
	_ =	sdelay $0x3  }
0x72: {  	[tilespmem:v40+s13+$0x0] =	vst.idx.msk $0xffff, v27  }
0x73: {  	[tilespmem:v41+s13+$0x0] =	vst.idx.msk $0xffff, v29  }
0x74: {  	v42 =	vadd.s32 v16, v26;
	v27 =	vld [tilespmem:s19+$0x4000]  }
0x75: {  	v43 =	vadd.s32 v17, v26;
	v29 =	vld [tilespmem:s19+$0x4010];
	_ =	sdelay $0x3  }
0x76: {  	[tilespmem:v42+s13+$0x0] =	vst.idx.msk $0xffff, v27  }
0x77: {  	[tilespmem:v43+s13+$0x0] =	vst.idx.msk $0xffff, v29  }
0x78: {  	v44 =	vadd.s32 v18, v26;
	v27 =	vld [tilespmem:s19+$0x4800]  }
0x79: {  	v45 =	vadd.s32 v19, v26;
	v29 =	vld [tilespmem:s19+$0x4810];
	_ =	sdelay $0x3  }
0x7a: {  	[tilespmem:v44+s13+$0x0] =	vst.idx.msk $0xffff, v27  }
0x7b: {  	[tilespmem:v45+s13+$0x0] =	vst.idx.msk $0xffff, v29  }
0x7c: {  	v46 =	vadd.s32 v20, v26;
	v27 =	vld [tilespmem:s19+$0x5000]  }
0x7d: {  	v47 =	vadd.s32 v21, v26;
	v29 =	vld [tilespmem:s19+$0x5010];
	_ =	sdelay $0x3  }
0x7e: {  	[tilespmem:v46+s13+$0x0] =	vst.idx.msk $0xffff, v27  }
0x7f: {  	[tilespmem:v47+s13+$0x0] =	vst.idx.msk $0xffff, v29  }
0x80: {  	v48 =	vadd.s32 v22, v26;
	v27 =	vld [tilespmem:s19+$0x5800]  }
0x81: {  	v49 =	vadd.s32 v23, v26;
	v29 =	vld [tilespmem:s19+$0x5810];
	_ =	sdelay $0x3  }
0x82: {  	[tilespmem:v48+s13+$0x0] =	vst.idx.msk $0xffff, v27  }
0x83: {  	[tilespmem:v49+s13+$0x0] =	vst.idx.msk $0xffff, v29  }
0x84: {  	v50 =	vadd.s32 v24, v26;
	v27 =	vld [tilespmem:s19+$0x6000]  }
0x85: {  	v26 =	vadd.s32 v25, v26;
	v29 =	vld [tilespmem:s19+$0x6010];
	_ =	sdelay $0x2  }
0x86: {  	s21 =	sadd.s32 $0x1, s20  }
0x87: {  	[tilespmem:v50+s13+$0x0] =	vst.idx.msk $0xffff, v27;
	v27 =	vmov s21  }
0x88: {  	[tilespmem:v26+s13+$0x0] =	vst.idx.msk $0xffff, v29;
	v26 =	vand.u32 $0x3D, v27  }
0x89: {  	v27 =	vld [tilespmem:s19+$0x20];
	v51 =	vadd.s32 v0, v26  }
0x8a: {  	v29 =	vld [tilespmem:s19+$0x30];
	v52 =	vadd.s32 v1, v26;
	_ =	sdelay $0x3  }
0x8b: {  	[tilespmem:v51+s13+$0x0] =	vst.idx.msk $0xffff, v27  }
0x8c: {  	[tilespmem:v52+s13+$0x0] =	vst.idx.msk $0xffff, v29  }
0x8d: {  	v53 =	vadd.s32 v2, v26;
	v27 =	vld [tilespmem:s19+$0x820]  }
0x8e: {  	v54 =	vadd.s32 v3, v26;
	v29 =	vld [tilespmem:s19+$0x830];
	_ =	sdelay $0x3  }
0x8f: {  	[tilespmem:v53+s13+$0x0] =	vst.idx.msk $0xffff, v27  }
0x90: {  	[tilespmem:v54+s13+$0x0] =	vst.idx.msk $0xffff, v29  }
0x91: {  	v55 =	vadd.s32 v4, v26;
	v27 =	vld [tilespmem:s19+$0x1020]  }
0x92: {  	v56 =	vadd.s32 v5, v26;
	v29 =	vld [tilespmem:s19+$0x1030];
	_ =	sdelay $0x3  }
0x93: {  	[tilespmem:v55+s13+$0x0] =	vst.idx.msk $0xffff, v27  }
0x94: {  	[tilespmem:v56+s13+$0x0] =	vst.idx.msk $0xffff, v29  }
0x95: {  	v57 =	vadd.s32 v6, v26;
	v27 =	vld [tilespmem:s19+$0x1820]  }
0x96: {  	v58 =	vadd.s32 v7, v26;
	v29 =	vld [tilespmem:s19+$0x1830];
	_ =	sdelay $0x3  }
0x97: {  	[tilespmem:v57+s13+$0x0] =	vst.idx.msk $0xffff, v27  }
0x98: {  	[tilespmem:v58+s13+$0x0] =	vst.idx.msk $0xffff, v29  }
0x99: {  	v59 =	vadd.s32 v8, v26;
	v27 =	vld [tilespmem:s19+$0x2020]  }
0x9a: {  	v60 =	vadd.s32 v9, v26;
	v29 =	vld [tilespmem:s19+$0x2030];
	_ =	sdelay $0x3  }
0x9b: {  	[tilespmem:v59+s13+$0x0] =	vst.idx.msk $0xffff, v27  }
0x9c: {  	[tilespmem:v60+s13+$0x0] =	vst.idx.msk $0xffff, v29  }
0x9d: {  	v61 =	vadd.s32 v10, v26;
	v27 =	vld [tilespmem:s19+$0x2820]  }
0x9e: {  	v62 =	vadd.s32 v11, v26;
	v29 =	vld [tilespmem:s19+$0x2830];
	_ =	sdelay $0x3  }
0x9f: {  	[tilespmem:v61+s13+$0x0] =	vst.idx.msk $0xffff, v27  }
0xa0: {  	[tilespmem:v62+s13+$0x0] =	vst.idx.msk $0xffff, v29  }
0xa1: {  	v63 =	vadd.s32 v12, v26;
	v27 =	vld [tilespmem:s19+$0x3020]  }
0xa2: {  	v33 =	vadd.s32 v13, v26;
	v29 =	vld [tilespmem:s19+$0x3030];
	_ =	sdelay $0x3  }
0xa3: {  	[tilespmem:v63+s13+$0x0] =	vst.idx.msk $0xffff, v27  }
0xa4: {  	[tilespmem:v33+s13+$0x0] =	vst.idx.msk $0xffff, v29  }
0xa5: {  	v34 =	vadd.s32 v14, v26;
	v27 =	vld [tilespmem:s19+$0x3820]  }
0xa6: {  	v35 =	vadd.s32 v15, v26;
	v29 =	vld [tilespmem:s19+$0x3830];
	_ =	sdelay $0x3  }
0xa7: {  	[tilespmem:v34+s13+$0x0] =	vst.idx.msk $0xffff, v27  }
0xa8: {  	[tilespmem:v35+s13+$0x0] =	vst.idx.msk $0xffff, v29  }
0xa9: {  	v36 =	vadd.s32 v16, v26;
	v27 =	vld [tilespmem:s19+$0x4020]  }
0xaa: {  	v37 =	vadd.s32 v17, v26;
	v29 =	vld [tilespmem:s19+$0x4030];
	_ =	sdelay $0x3  }
0xab: {  	[tilespmem:v36+s13+$0x0] =	vst.idx.msk $0xffff, v27  }
0xac: {  	[tilespmem:v37+s13+$0x0] =	vst.idx.msk $0xffff, v29  }
0xad: {  	v38 =	vadd.s32 v18, v26;
	v27 =	vld [tilespmem:s19+$0x4820]  }
0xae: {  	v39 =	vadd.s32 v19, v26;
	v29 =	vld [tilespmem:s19+$0x4830];
	_ =	sdelay $0x3  }
0xaf: {  	[tilespmem:v38+s13+$0x0] =	vst.idx.msk $0xffff, v27  }
0xb0: {  	[tilespmem:v39+s13+$0x0] =	vst.idx.msk $0xffff, v29  }
0xb1: {  	v40 =	vadd.s32 v20, v26;
	v27 =	vld [tilespmem:s19+$0x5020]  }
0xb2: {  	v41 =	vadd.s32 v21, v26;
	v29 =	vld [tilespmem:s19+$0x5030];
	_ =	sdelay $0x3  }
0xb3: {  	[tilespmem:v40+s13+$0x0] =	vst.idx.msk $0xffff, v27  }
0xb4: {  	[tilespmem:v41+s13+$0x0] =	vst.idx.msk $0xffff, v29  }
0xb5: {  	v42 =	vadd.s32 v22, v26;
	v27 =	vld [tilespmem:s19+$0x5820]  }
0xb6: {  	v43 =	vadd.s32 v23, v26;
	v29 =	vld [tilespmem:s19+$0x5830];
	_ =	sdelay $0x3  }
0xb7: {  	[tilespmem:v42+s13+$0x0] =	vst.idx.msk $0xffff, v27  }
0xb8: {  	[tilespmem:v43+s13+$0x0] =	vst.idx.msk $0xffff, v29  }
0xb9: {  	v44 =	vadd.s32 v24, v26;
	v27 =	vld [tilespmem:s19+$0x6020]  }
0xba: {  	v26 =	vadd.s32 v25, v26;
	v29 =	vld [tilespmem:s19+$0x6030];
	_ =	sdelay $0x2  }
0xbb: {  	s22 =	sadd.s32 $0x2, s20  }
0xbc: {  	[tilespmem:v44+s13+$0x0] =	vst.idx.msk $0xffff, v27;
	v27 =	vmov s22  }
0xbd: {  	[tilespmem:v26+s13+$0x0] =	vst.idx.msk $0xffff, v29;
	v26 =	vand.u32 $0x3E, v27  }
0xbe: {  	v27 =	vld [tilespmem:s19+$0x40];
	v45 =	vadd.s32 v0, v26  }
0xbf: {  	v29 =	vld [tilespmem:s19+$0x50];
	v46 =	vadd.s32 v1, v26;
	_ =	sdelay $0x3  }
0xc0: {  	[tilespmem:v45+s13+$0x0] =	vst.idx.msk $0xffff, v27  }
0xc1: {  	[tilespmem:v46+s13+$0x0] =	vst.idx.msk $0xffff, v29  }
0xc2: {  	v47 =	vadd.s32 v2, v26;
	v27 =	vld [tilespmem:s19+$0x840]  }
0xc3: {  	v48 =	vadd.s32 v3, v26;
	v29 =	vld [tilespmem:s19+$0x850];
	_ =	sdelay $0x3  }
0xc4: {  	[tilespmem:v47+s13+$0x0] =	vst.idx.msk $0xffff, v27  }
0xc5: {  	[tilespmem:v48+s13+$0x0] =	vst.idx.msk $0xffff, v29  }
0xc6: {  	v49 =	vadd.s32 v4, v26;
	v27 =	vld [tilespmem:s19+$0x1040]  }
0xc7: {  	v50 =	vadd.s32 v5, v26;
	v29 =	vld [tilespmem:s19+$0x1050];
	_ =	sdelay $0x3  }
0xc8: {  	[tilespmem:v49+s13+$0x0] =	vst.idx.msk $0xffff, v27  }
0xc9: {  	[tilespmem:v50+s13+$0x0] =	vst.idx.msk $0xffff, v29  }
0xca: {  	v51 =	vadd.s32 v6, v26;
	v27 =	vld [tilespmem:s19+$0x1840]  }
0xcb: {  	v52 =	vadd.s32 v7, v26;
	v29 =	vld [tilespmem:s19+$0x1850];
	_ =	sdelay $0x3  }
0xcc: {  	[tilespmem:v51+s13+$0x0] =	vst.idx.msk $0xffff, v27  }
0xcd: {  	[tilespmem:v52+s13+$0x0] =	vst.idx.msk $0xffff, v29  }
0xce: {  	v53 =	vadd.s32 v8, v26;
	v27 =	vld [tilespmem:s19+$0x2040]  }
0xcf: {  	v54 =	vadd.s32 v9, v26;
	v29 =	vld [tilespmem:s19+$0x2050];
	_ =	sdelay $0x3  }
0xd0: {  	[tilespmem:v53+s13+$0x0] =	vst.idx.msk $0xffff, v27  }
0xd1: {  	[tilespmem:v54+s13+$0x0] =	vst.idx.msk $0xffff, v29  }
0xd2: {  	v55 =	vadd.s32 v10, v26;
	v27 =	vld [tilespmem:s19+$0x2840]  }
0xd3: {  	v56 =	vadd.s32 v11, v26;
	v29 =	vld [tilespmem:s19+$0x2850];
	_ =	sdelay $0x3  }
0xd4: {  	[tilespmem:v55+s13+$0x0] =	vst.idx.msk $0xffff, v27  }
0xd5: {  	[tilespmem:v56+s13+$0x0] =	vst.idx.msk $0xffff, v29  }
0xd6: {  	v57 =	vadd.s32 v12, v26;
	v27 =	vld [tilespmem:s19+$0x3040]  }
0xd7: {  	v58 =	vadd.s32 v13, v26;
	v29 =	vld [tilespmem:s19+$0x3050];
	_ =	sdelay $0x3  }
0xd8: {  	[tilespmem:v57+s13+$0x0] =	vst.idx.msk $0xffff, v27  }
0xd9: {  	[tilespmem:v58+s13+$0x0] =	vst.idx.msk $0xffff, v29  }
0xda: {  	v59 =	vadd.s32 v14, v26;
	v27 =	vld [tilespmem:s19+$0x3840]  }
0xdb: {  	v60 =	vadd.s32 v15, v26;
	v29 =	vld [tilespmem:s19+$0x3850];
	_ =	sdelay $0x3  }
0xdc: {  	[tilespmem:v59+s13+$0x0] =	vst.idx.msk $0xffff, v27  }
0xdd: {  	[tilespmem:v60+s13+$0x0] =	vst.idx.msk $0xffff, v29  }
0xde: {  	v61 =	vadd.s32 v16, v26;
	v27 =	vld [tilespmem:s19+$0x4040]  }
0xdf: {  	v62 =	vadd.s32 v17, v26;
	v29 =	vld [tilespmem:s19+$0x4050];
	_ =	sdelay $0x3  }
0xe0: {  	[tilespmem:v61+s13+$0x0] =	vst.idx.msk $0xffff, v27  }
0xe1: {  	[tilespmem:v62+s13+$0x0] =	vst.idx.msk $0xffff, v29  }
0xe2: {  	v63 =	vadd.s32 v18, v26;
	v27 =	vld [tilespmem:s19+$0x4840]  }
0xe3: {  	v33 =	vadd.s32 v19, v26;
	v29 =	vld [tilespmem:s19+$0x4850];
	_ =	sdelay $0x3  }
0xe4: {  	[tilespmem:v63+s13+$0x0] =	vst.idx.msk $0xffff, v27  }
0xe5: {  	[tilespmem:v33+s13+$0x0] =	vst.idx.msk $0xffff, v29  }
0xe6: {  	v34 =	vadd.s32 v20, v26;
	v27 =	vld [tilespmem:s19+$0x5040]  }
0xe7: {  	v35 =	vadd.s32 v21, v26;
	v29 =	vld [tilespmem:s19+$0x5050];
	_ =	sdelay $0x3  }
0xe8: {  	[tilespmem:v34+s13+$0x0] =	vst.idx.msk $0xffff, v27  }
0xe9: {  	[tilespmem:v35+s13+$0x0] =	vst.idx.msk $0xffff, v29  }
0xea: {  	v36 =	vadd.s32 v22, v26;
	v27 =	vld [tilespmem:s19+$0x5840]  }
0xeb: {  	v37 =	vadd.s32 v23, v26;
	v29 =	vld [tilespmem:s19+$0x5850];
	_ =	sdelay $0x3  }
0xec: {  	[tilespmem:v36+s13+$0x0] =	vst.idx.msk $0xffff, v27  }
0xed: {  	[tilespmem:v37+s13+$0x0] =	vst.idx.msk $0xffff, v29  }
0xee: {  	v38 =	vadd.s32 v24, v26;
	v27 =	vld [tilespmem:s19+$0x6040]  }
0xef: {  	v26 =	vadd.s32 v25, v26;
	v29 =	vld [tilespmem:s19+$0x6050];
	_ =	sdelay $0x2  }
0xf0: {  	s23 =	sadd.s32 $0x3, s20  }
0xf1: {  	[tilespmem:v38+s13+$0x0] =	vst.idx.msk $0xffff, v27;
	v27 =	vmov s23  }
0xf2: {  	[tilespmem:v26+s13+$0x0] =	vst.idx.msk $0xffff, v29;
	v26 =	vand.u32 $0x3F, v27  }
0xf3: {  	v27 =	vld [tilespmem:s19+$0x60];
	v39 =	vadd.s32 v0, v26  }
0xf4: {  	v29 =	vld [tilespmem:s19+$0x70];
	v40 =	vadd.s32 v1, v26;
	_ =	sdelay $0x3  }
0xf5: {  	[tilespmem:v39+s13+$0x0] =	vst.idx.msk $0xffff, v27  }
0xf6: {  	[tilespmem:v40+s13+$0x0] =	vst.idx.msk $0xffff, v29  }
0xf7: {  	v41 =	vadd.s32 v2, v26;
	v27 =	vld [tilespmem:s19+$0x860]  }
0xf8: {  	v42 =	vadd.s32 v3, v26;
	v29 =	vld [tilespmem:s19+$0x870];
	_ =	sdelay $0x3  }
0xf9: {  	[tilespmem:v41+s13+$0x0] =	vst.idx.msk $0xffff, v27  }
0xfa: {  	[tilespmem:v42+s13+$0x0] =	vst.idx.msk $0xffff, v29  }
0xfb: {  	v43 =	vadd.s32 v4, v26;
	v27 =	vld [tilespmem:s19+$0x1060]  }
0xfc: {  	v44 =	vadd.s32 v5, v26;
	v29 =	vld [tilespmem:s19+$0x1070];
	_ =	sdelay $0x3  }
0xfd: {  	[tilespmem:v43+s13+$0x0] =	vst.idx.msk $0xffff, v27  }
0xfe: {  	[tilespmem:v44+s13+$0x0] =	vst.idx.msk $0xffff, v29  }
0xff: {  	v45 =	vadd.s32 v6, v26;
	v27 =	vld [tilespmem:s19+$0x1860]  }
0x100: {  	v46 =	vadd.s32 v7, v26;
	v29 =	vld [tilespmem:s19+$0x1870];
	_ =	sdelay $0x3  }
0x101: {  	[tilespmem:v45+s13+$0x0] =	vst.idx.msk $0xffff, v27  }
0x102: {  	[tilespmem:v46+s13+$0x0] =	vst.idx.msk $0xffff, v29  }
0x103: {  	v47 =	vadd.s32 v8, v26;
	v27 =	vld [tilespmem:s19+$0x2060]  }
0x104: {  	v48 =	vadd.s32 v9, v26;
	v29 =	vld [tilespmem:s19+$0x2070];
	_ =	sdelay $0x3  }
0x105: {  	[tilespmem:v47+s13+$0x0] =	vst.idx.msk $0xffff, v27  }
0x106: {  	[tilespmem:v48+s13+$0x0] =	vst.idx.msk $0xffff, v29  }
0x107: {  	v49 =	vadd.s32 v10, v26;
	v27 =	vld [tilespmem:s19+$0x2860]  }
0x108: {  	v50 =	vadd.s32 v11, v26;
	v29 =	vld [tilespmem:s19+$0x2870];
	_ =	sdelay $0x3  }
0x109: {  	[tilespmem:v49+s13+$0x0] =	vst.idx.msk $0xffff, v27  }
0x10a: {  	[tilespmem:v50+s13+$0x0] =	vst.idx.msk $0xffff, v29  }
0x10b: {  	v51 =	vadd.s32 v12, v26;
	v27 =	vld [tilespmem:s19+$0x3060]  }
0x10c: {  	v52 =	vadd.s32 v13, v26;
	v29 =	vld [tilespmem:s19+$0x3070];
	_ =	sdelay $0x3  }
0x10d: {  	[tilespmem:v51+s13+$0x0] =	vst.idx.msk $0xffff, v27  }
0x10e: {  	[tilespmem:v52+s13+$0x0] =	vst.idx.msk $0xffff, v29  }
0x10f: {  	v53 =	vadd.s32 v14, v26;
	v27 =	vld [tilespmem:s19+$0x3860]  }
0x110: {  	v54 =	vadd.s32 v15, v26;
	v29 =	vld [tilespmem:s19+$0x3870];
	_ =	sdelay $0x3  }
0x111: {  	[tilespmem:v53+s13+$0x0] =	vst.idx.msk $0xffff, v27  }
0x112: {  	[tilespmem:v54+s13+$0x0] =	vst.idx.msk $0xffff, v29  }
0x113: {  	v55 =	vadd.s32 v16, v26;
	v27 =	vld [tilespmem:s19+$0x4060]  }
0x114: {  	v56 =	vadd.s32 v17, v26;
	v29 =	vld [tilespmem:s19+$0x4070];
	_ =	sdelay $0x3  }
0x115: {  	[tilespmem:v55+s13+$0x0] =	vst.idx.msk $0xffff, v27  }
0x116: {  	[tilespmem:v56+s13+$0x0] =	vst.idx.msk $0xffff, v29  }
0x117: {  	v57 =	vadd.s32 v18, v26;
	v27 =	vld [tilespmem:s19+$0x4860]  }
0x118: {  	v58 =	vadd.s32 v19, v26;
	v29 =	vld [tilespmem:s19+$0x4870];
	_ =	sdelay $0x3  }
0x119: {  	[tilespmem:v57+s13+$0x0] =	vst.idx.msk $0xffff, v27  }
0x11a: {  	[tilespmem:v58+s13+$0x0] =	vst.idx.msk $0xffff, v29  }
0x11b: {  	v59 =	vadd.s32 v20, v26;
	v27 =	vld [tilespmem:s19+$0x5060]  }
0x11c: {  	v60 =	vadd.s32 v21, v26;
	v29 =	vld [tilespmem:s19+$0x5070];
	_ =	sdelay $0x3  }
0x11d: {  	[tilespmem:v59+s13+$0x0] =	vst.idx.msk $0xffff, v27  }
0x11e: {  	[tilespmem:v60+s13+$0x0] =	vst.idx.msk $0xffff, v29  }
0x11f: {  	v61 =	vadd.s32 v22, v26;
	v27 =	vld [tilespmem:s19+$0x5860]  }
0x120: {  	v62 =	vadd.s32 v23, v26;
	v29 =	vld [tilespmem:s19+$0x5870];
	_ =	sdelay $0x3  }
0x121: {  	[tilespmem:v61+s13+$0x0] =	vst.idx.msk $0xffff, v27  }
0x122: {  	[tilespmem:v62+s13+$0x0] =	vst.idx.msk $0xffff, v29  }
0x123: {  	v63 =	vadd.s32 v24, v26;
	v27 =	vld [tilespmem:s19+$0x6060]  }
0x124: {  	p1 =	slt.u32 s20, $0x3C;
	v26 =	vadd.s32 v25, v26;
	v29 =	vld [tilespmem:s19+$0x6070]  }
.Ltmp0:
0x125: {  	_ = 	snop;
	(pc) =	sbr.rel @p1 .LBB2_4-.Ltmp0, $3  }
0x126: {  	_ =	sdelay $0x1  }
0x127: {  	[tilespmem:v63+s13+$0x0] =	vst.idx.msk $0xffff, v27  }
0x128: {  	s20 =	sadd.s32 $0x4, s20;
	s19 =	sadd.s32 $0x80, s19;
	[tilespmem:v26+s13+$0x0] =	vst.idx.msk $0xffff, v29  }
0x129: {  	s19 =	sshll.u32 s16, $0x5  }
0x12a: {  	s23 =	sshll.u32 s16, $0x1E;
	s19 =	sand.u32 $0x180, s19  }
0x12b: {  	s17 =	sshll.u32 s17, $0x3;
	s16 =	sshra.s32 s23, $0x1F;
	s19 =	sadd.s32 s19, s5  }
0x12c: {  	s16 =	sand.u32 $0xD0000, s16;
	s17 =	sadd.s32 s17, s19  }
0x12d: {  	s19 =	simm.s32 $0x10400;
	s17 =	sadd.s32 s16, s17  }
0x12e: {  	[hbm4b:s17+s2] =	stream.linear.scatter [tilespmem:s19], [sflag:$0x2], $0x40, $0x38;
	[tilespmem:$0x17900] =	vst v63  }
0x12f: {  	s20 =	simm.s32 $0x10448;
	s21 =	sadd.s32 $0x10, s17  }
0x130: {  	[hbm4b:s21+s2] =	stream.linear.scatter [tilespmem:s20], [sflag:$0x2], $0x40, $0x38;
	[tilespmem:$0x17900] =	vst v63  }
0x131: {  	s22 =	simm.s32 $0x10490;
	s16 =	simm.s32 $0x240;
	s23 =	sadd.s32 $0x20, s17  }
0x132: {  	[hbm4b:s23+s2] =	stream.linear.scatter [tilespmem:s22], [sflag:$0x2], $0x40, $0x38;
	[tilespmem:$0x17900] =	vst v63  }
0x133: {  	s19 =	simm.s32 $0x1200;
	s20 =	simm.s32 $0x104D8;
	s21 =	sadd.s32 $0x30, s17  }
0x134: {  	[hbm4b:s21+s2] =	stream.linear.scatter [tilespmem:s20], [sflag:$0x2], $0x40, $0x38;
	[tilespmem:$0x17900] =	vst v63  }
0x135: {  	s22 =	simm.s32 $0x10520;
	s23 =	sadd.s32 $0x40, s17;
	s20 =	simm.s32 $0x10568  }
0x136: {  	[hbm4b:s23+s2] =	stream.linear.scatter [tilespmem:s22], [sflag:$0x2], $0x40, $0x38;
	[tilespmem:$0x17900] =	vst v63  }
0x137: {  	s21 =	sadd.s32 $0x50, s17;
	s22 =	simm.s32 $0x105B0;
	s23 =	sadd.s32 $0x60, s17  }
0x138: {  	[hbm4b:s21+s2] =	stream.linear.scatter [tilespmem:s20], [sflag:$0x2], $0x40, $0x38;
	[tilespmem:$0x17900] =	vst v63  }
0x139: {  	s20 =	simm.s32 $0x105F8;
	s21 =	sadd.s32 $0x70, s17;
	s17 =	sadd.s32 $0x4000, s17  }
0x13a: {  	[hbm4b:s23+s2] =	stream.linear.scatter [tilespmem:s22], [sflag:$0x2], $0x40, $0x38;
	[tilespmem:$0x17900] =	vst v63  }
.LBB2_6:
0x13b: {  	[hbm4b:s21+s2] =	stream.linear.scatter [tilespmem:s20], [sflag:$0x2], $0x40, $0x38;
	[tilespmem:$0x17900] =	vst v63  }
0x13c: {  	s20 =	smov.u32 s16;
	s16 =	smov.u32 s19  }
0x13d: {  	s22 =	sadd.s32 $0x900, s19;
	s16 =	sshra.s32 s16, $0x2;
	s21 =	sadd.s32 $0x10400, s20  }
0x13e: {  	[hbm4b:s17+s2] =	stream.linear.scatter [tilespmem:s21], [sflag:$0x2], $0x40, $0x38;
	[tilespmem:$0x17900] =	vst v63  }
0x13f: {  	p1 =	seq.s32 s19, $0x1CB00;
	s19 =	sadd.s32 $0x10448, s20;
	s21 =	sadd.s32 $0x10, s17  }
0x140: {  	[hbm4b:s21+s2] =	stream.linear.scatter [tilespmem:s19], [sflag:$0x2], $0x40, $0x38;
	[tilespmem:$0x17900] =	vst v63  }
0x141: {  	s19 =	sadd.s32 $0x10490, s20;
	s21 =	sadd.s32 $0x20, s17  }
0x142: {  	[hbm4b:s21+s2] =	stream.linear.scatter [tilespmem:s19], [sflag:$0x2], $0x40, $0x38;
	[tilespmem:$0x17900] =	vst v63  }
0x143: {  	s19 =	sadd.s32 $0x104D8, s20;
	s21 =	sadd.s32 $0x30, s17  }
0x144: {  	[hbm4b:s21+s2] =	stream.linear.scatter [tilespmem:s19], [sflag:$0x2], $0x40, $0x38;
	[tilespmem:$0x17900] =	vst v63  }
0x145: {  	s19 =	sadd.s32 $0x10520, s20;
	s21 =	sadd.s32 $0x40, s17  }
0x146: {  	[hbm4b:s21+s2] =	stream.linear.scatter [tilespmem:s19], [sflag:$0x2], $0x40, $0x38;
	[tilespmem:$0x17900] =	vst v63  }
.Ltmp1:
0x147: {  	s19 =	sadd.s32 $0x10568, s20;
	s21 =	sadd.s32 $0x50, s17;
	(pc) =	sbr.rel @!p1 .LBB2_6-.Ltmp1, $4  }
0x148: {  	[hbm4b:s21+s2] =	stream.linear.scatter [tilespmem:s19], [sflag:$0x2], $0x40, $0x38;
	[tilespmem:$0x17900] =	vst v63  }
0x149: {  	s19 =	sadd.s32 $0x105B0, s20;
	s21 =	sadd.s32 $0x60, s17;
	s20 =	sadd.s32 $0x105F8, s20  }
0x14a: {  	[hbm4b:s21+s2] =	stream.linear.scatter [tilespmem:s19], [sflag:$0x2], $0x40, $0x38;
	[tilespmem:$0x17900] =	vst v63  }
0x14b: {  	s21 =	sadd.s32 $0x70, s17;
	s17 =	sadd.s32 $0x4000, s17;
	s19 =	smov.u32 s22  }
0x14c: {  	[hbm4b:s21+s2] =	stream.linear.scatter [tilespmem:s20], [sflag:$0x2], $0x40, $0x38;
	[tilespmem:$0x17900] =	vst v63  }
0x14d: {  	s19 =	sadd.s32 $0x10400, s16  }
0x14e: {  	[hbm4b:s17+s2] =	stream.linear.scatter [tilespmem:s19], [sflag:$0x2], $0x40, $0x38;
	[tilespmem:$0x17900] =	vst v63  }
0x14f: {  	s22 =	sadd.s32 $0x10448, s16;
	s23 =	sadd.s32 $0x10, s17  }
0x150: {  	[hbm4b:s23+s2] =	stream.linear.scatter [tilespmem:s22], [sflag:$0x2], $0x40, $0x38;
	[tilespmem:$0x17900] =	vst v63  }
0x151: {  	s20 =	sadd.s32 $0x10490, s16;
	s21 =	sadd.s32 $0x20, s17  }
0x152: {  	[hbm4b:s21+s2] =	stream.linear.scatter [tilespmem:s20], [sflag:$0x2], $0x40, $0x38;
	[tilespmem:$0x17900] =	vst v63  }
0x153: {  	s22 =	sadd.s32 $0x104D8, s16;
	s23 =	sadd.s32 $0x30, s17  }
0x154: {  	[hbm4b:s23+s2] =	stream.linear.scatter [tilespmem:s22], [sflag:$0x2], $0x40, $0x38;
	[tilespmem:$0x17900] =	vst v63  }
0x155: {  	s20 =	sadd.s32 $0x10520, s16;
	s21 =	sadd.s32 $0x40, s17  }
0x156: {  	[hbm4b:s21+s2] =	stream.linear.scatter [tilespmem:s20], [sflag:$0x2], $0x40, $0x38;
	[tilespmem:$0x17900] =	vst v63  }
0x157: {  	s22 =	sadd.s32 $0x10568, s16;
	s23 =	sadd.s32 $0x50, s17  }
0x158: {  	[hbm4b:s23+s2] =	stream.linear.scatter [tilespmem:s22], [sflag:$0x2], $0x40, $0x38;
	[tilespmem:$0x17900] =	vst v63  }
0x159: {  	s20 =	sadd.s32 $0x105B0, s16;
	s21 =	sadd.s32 $0x60, s17  }
0x15a: {  	[hbm4b:s21+s2] =	stream.linear.scatter [tilespmem:s20], [sflag:$0x2], $0x40, $0x38;
	[tilespmem:$0x17900] =	vst v63  }
0x15b: {  	s22 =	sadd.s32 $0x105F8, s16;
	s23 =	sadd.s32 $0x70, s17  }
0x15c: {  	[hbm4b:s23+s2] =	stream.linear.scatter [tilespmem:s22], [sflag:$0x2], $0x40, $0x38;
	[tilespmem:$0x17900] =	vst v63  }
0x15d: {  	p1 =	seq.s32 s18, $0x10  }
.Ltmp2:
0x15e: {  	_ = 	snop;
	(pc) =	sbr.rel @!p1 .LBB2_3-.Ltmp2, $2  }
0x15f: {  	_ =	sdelay $0x2  }
0x160: {  	p0 =	por !p0, !p0  }
0x161: {  	s15 =	sadd.s32 $0x1, s15  }
0x162: {  	p0 =	sne.s32 s15, s6  }
.Ltmp3:
0x163: {  	_ = 	snop;
	(pc) =	sbr.rel @p0 .LBB2_1-.Ltmp3, $4  }
0x164: {  	_ = 	snop  }
0x165: {  	_ =	swait.ge [sflag:s14], $0x6800  }
0x166: {  	[sflag:s14] =	ssyncset.done $0x0  }
0x167: {  	[sflag:s14] =	ssyncadd.s32 $0xFFFF9800  }
0x168: {  	_ =	sfence.sel $0x180000  }
0x169: {  	[bflag:$0x0] =	sbarrier.arrive $0xFFFF  }
0x16a: {  	_ =	strace $0x90000047  }
0x16b: {  	s0 =	stileid.u32;
	[bflag:$0x2] =	sbarrier.arrive $0xFFFF  }
0x16c: {  	p0 =	sne.s32 s0, $0x0;
	s0 =	rddreg [dreg:$0x2]  }
0x16d: {  	s0 =	sadd.s32 @!p0 $0x100000, s0  }
0x16e: {  	[sflag:s0] =	ssyncadd.tile.s32 @!p0 $0x1;
	_ =	shalt  }
.Lfunc_end2:
_tile_overlayer_lowered:
.L_overlay_start_2:
0x16f: {  	(tag) =	ssettag $0x2  }
0x170: {  	s0 =	rddreg [dreg:$0x0];
	s2 =	stileid.u32  }
0x171: {  	s1 =	rddreg [dreg:$0x1];
	p0 =	sne.s32 s2, $0x0  }
0x172: {  	s3 =	rddreg [dreg:$0x2];
	[bflag:$0x3] =	sbarrier.arrive $0xFFFF;
	s2 =	simm.s32 @!p0 $0x1C03  }
0x173: {  	[timem:s3], [sflag:s2] =	dma.local @!p0 [hbm:s0], s1  }
0x174: {  	s0 =	simm.s32 @!p0 $0x3  }
0x175: {  	_ =	swait.ge @!p0 [sflag:s0], s1  }
0x176: {  	s1 =	ssub.s32 @!p0 $0x0, s1;
	[sflag:s0] =	ssyncset.done @!p0 $0x0  }
0x177: {  	[sflag:s0] =	ssyncadd.s32 @!p0 s1  }
0x178: {  	[bflag:$0x3] =	sbarrier.arrive $0xFFFF  }
0x179: {  	_ =	shalt  }

</sc_bundles>
